<compile_context>
chip_gen: v7x
topology: tpu7x:2x2x1
jax: 0.10.2.dev20260603
libtpu: 0.0.44.dev20260713+nightly
codegen_flags: <defaults>
</compile_context>

<pallas_src>
import functools

import jax
import jax.numpy as jnp
from jax import lax
from jax.experimental import pallas as pl
from jax.experimental.pallas import tpu as pltpu
from jax.experimental.pallas import tpu_sc as plsc

N_NODES = 10000
D = 128
N_EDGES = 320000

NC = 2
NS = 16
NW = NC * NS

NPAD = 10240
ROWS_PER_TILE = NPAD // NS
PAD_ROWS = NPAD - N_NODES

CHUNK = 128
EPAD = 327680
EDGES_PER_W = EPAD // NW
NCHUNK = EDGES_PER_W // CHUNK

_MESH = plsc.VectorSubcoreMesh(core_axis_name="c", subcore_axis_name="s")


def _worker_ids():
    c = lax.axis_index("c")
    s = lax.axis_index("s")
    return c, s, c * NS + s


@functools.partial(
    pl.kernel,
    mesh=_MESH,
    out_type=[
        jax.ShapeDtypeStruct((NC, NPAD), jnp.float32),
        jax.ShapeDtypeStruct((NC, NPAD), jnp.float32),
    ],
    scratch_types=[
        pltpu.VMEM((NCHUNK, CHUNK), jnp.int32),
        pltpu.VMEM((NCHUNK, CHUNK), jnp.int32),
        pltpu.VMEM((CHUNK,), jnp.float32),
        pltpu.VMEM_SHARED((NPAD,), jnp.float32),
        pltpu.VMEM_SHARED((NPAD,), jnp.float32),
        pltpu.SemaphoreType.DMA,
    ],
)
def _sc_degrees(src_hbm, dst_hbm, z1d_hbm, dout_hbm, din_hbm,
                sidx, didx, ones, dout_sh, din_sh, ssem):
    c, s, wid = _worker_ids()

    def fill16(i, _):
        ones[pl.ds(i * 16, 16)] = jnp.full((16,), 1.0, jnp.float32)
        return 0
    lax.fori_loop(0, CHUNK // 16, fill16, 0)

    stripe = pl.ds(s * ROWS_PER_TILE, ROWS_PER_TILE)
    pltpu.sync_copy(z1d_hbm.at[stripe], dout_sh.at[stripe])
    pltpu.sync_copy(z1d_hbm.at[stripe], din_sh.at[stripe])

    pltpu.sync_copy(src_hbm.at[pl.ds(wid * NCHUNK, NCHUNK)], sidx)
    pltpu.sync_copy(dst_hbm.at[pl.ds(wid * NCHUNK, NCHUNK)], didx)

    plsc.subcore_barrier()

    def round_(r, _):
        for b in range(8):
            j = r * 8 + b
            pltpu.async_copy(ones, dout_sh.at[sidx.at[j]], ssem, add=True)
            pltpu.async_copy(ones, din_sh.at[didx.at[j]], ssem, add=True)
        for b in range(8):
            j = r * 8 + b
            pltpu.make_async_copy(ones, dout_sh.at[sidx.at[j]], ssem).wait()
            pltpu.make_async_copy(ones, din_sh.at[didx.at[j]], ssem).wait()
        return 0
    lax.fori_loop(0, NCHUNK // 8, round_, 0)

    plsc.subcore_barrier()

    pltpu.sync_copy(dout_sh.at[stripe], dout_hbm.at[c, stripe])
    pltpu.sync_copy(din_sh.at[stripe], din_hbm.at[c, stripe])


@functools.partial(
    pl.kernel,
    mesh=_MESH,
    out_type=[
        jax.ShapeDtypeStruct((NC, NPAD, D), jnp.float32),
        jax.ShapeDtypeStruct((NC, NPAD), jnp.float32),
    ],
    scratch_types=[
        pltpu.VMEM((NCHUNK // 2, CHUNK), jnp.int32),
        pltpu.VMEM((NCHUNK // 2, CHUNK), jnp.int32),
        pltpu.VMEM((2, CHUNK, D), jnp.float32),
        pltpu.VMEM((2, CHUNK), jnp.float32),
        pltpu.VMEM_SHARED((NPAD, D), jnp.float32),
        pltpu.VMEM_SHARED((NPAD,), jnp.float32),
        pltpu.SemaphoreType.DMA,
        pltpu.SemaphoreType.DMA,
        pltpu.SemaphoreType.DMA,
        pltpu.SemaphoreType.DMA,
        pltpu.SemaphoreType.DMA,
        pltpu.SemaphoreType.DMA,
        pltpu.SemaphoreType.DMA,
        pltpu.SemaphoreType.DMA,
    ],
)
def _sc_scatter(hw2_hbm, src_hbm, dst_hbm, rin_hbm, z2d_hbm, z1d_hbm,
                agg_hbm, c_hbm,
                sidx, didx, rows, rvals, agg_sh, c_sh,
                gs0, gs1, rv0, rv1, cs0, cs1, ss0, ss1):
    c, s, wid = _worker_ids()
    gs = (gs0, gs1)
    rv = (rv0, rv1)
    cs = (cs0, cs1)
    ss = (ss0, ss1)
    HALF = NCHUNK // 2

    stripe = pl.ds(s * ROWS_PER_TILE, ROWS_PER_TILE)
    pltpu.sync_copy(z2d_hbm.at[stripe], agg_sh.at[stripe])
    pltpu.sync_copy(z1d_hbm.at[stripe], c_sh.at[stripe])

    plsc.subcore_barrier()

    for h in range(2):
        pltpu.sync_copy(src_hbm.at[pl.ds(wid * NCHUNK + h * HALF, HALF)], sidx)
        pltpu.sync_copy(dst_hbm.at[pl.ds(wid * NCHUNK + h * HALF, HALF)], didx)

        for b in range(2):
            pltpu.async_copy(hw2_hbm.at[sidx.at[b]], rows.at[b], gs[b])
            pltpu.async_copy(rin_hbm.at[didx.at[b]], rvals.at[b], rv[b])

        def main(i, _):
            for b in range(2):
                j = i * 2 + b
                pltpu.make_async_copy(hw2_hbm.at[sidx.at[j]], rows.at[b],
                                      gs[b]).wait()
                pltpu.async_copy(rows.at[b], agg_sh.at[didx.at[j]], ss[b],
                                 add=True)

                pltpu.make_async_copy(rin_hbm.at[didx.at[j]], rvals.at[b],
                                      rv[b]).wait()
                pltpu.async_copy(rvals.at[b], c_sh.at[sidx.at[j]], cs[b],
                                 add=True)

                @pl.when(j + 2 < HALF)
                def _():
                    pltpu.make_async_copy(rvals.at[b], c_sh.at[sidx.at[j]],
                                          cs[b]).wait()
                    pltpu.async_copy(rin_hbm.at[didx.at[j + 2]], rvals.at[b],
                                     rv[b])
                    pltpu.make_async_copy(rows.at[b],
                                          agg_sh.at[pl.ds(0, CHUNK)],
                                          ss[b]).wait()
                    pltpu.async_copy(hw2_hbm.at[sidx.at[j + 2]], rows.at[b],
                                     gs[b])
            return 0
        lax.fori_loop(0, HALF // 2, main, 0)

        for b in range(2):
            pltpu.make_async_copy(rvals.at[b], c_sh.at[sidx.at[0]],
                                  cs[b]).wait()
            pltpu.make_async_copy(rows.at[b], agg_sh.at[pl.ds(0, CHUNK)],
                                  ss[b]).wait()

    plsc.subcore_barrier()

    pltpu.sync_copy(agg_sh.at[stripe], agg_hbm.at[c, stripe])
    pltpu.sync_copy(c_sh.at[stripe], c_hbm.at[c, stripe])


def _fuse_body(x_ref, w_ref, do_ref, di_ref, hw2_ref, ro_ref, ri_ref):
    do = do_ref[0] + do_ref[1]
    di = di_ref[0] + di_ref[1]
    ro = lax.rsqrt(jnp.maximum(do, 1.0))
    ri = lax.rsqrt(jnp.maximum(di, 1.0))
    hw2_ref[...] = jnp.dot(jnp.sin(x_ref[...]) * ro, w_ref[...],
                           preferred_element_type=jnp.float32)
    ro_ref[...] = ro
    ri_ref[...] = ri


def _tc_fused(xpad, W1, doutp, dinp):
    blk = 1024
    return pl.pallas_call(
        _fuse_body,
        grid=(NPAD // blk,),
        in_specs=[
            pl.BlockSpec((blk, D), lambda i: (i, 0)),
            pl.BlockSpec((D, D), lambda i: (0, 0)),
            pl.BlockSpec((NC, blk, 1), lambda i: (0, i, 0)),
            pl.BlockSpec((NC, blk, 1), lambda i: (0, i, 0)),
        ],
        out_specs=[
            pl.BlockSpec((blk, D), lambda i: (i, 0)),
            pl.BlockSpec((blk, 1), lambda i: (i, 0)),
            pl.BlockSpec((blk, 1), lambda i: (i, 0)),
        ],
        out_shape=[
            jax.ShapeDtypeStruct((NPAD, D), jnp.float32),
            jax.ShapeDtypeStruct((NPAD, 1), jnp.float32),
            jax.ShapeDtypeStruct((NPAD, 1), jnp.float32),
        ],
    )(xpad, W1, doutp, dinp)


def _final_body(agg_ref, ri_ref, b1_ref, w2_ref, ro_ref, c_ref, b2_ref, o_ref):
    pid = pl.program_id(0)
    blk = agg_ref.shape[1]
    agg = agg_ref[0] + agg_ref[1]
    out1 = agg * ri_ref[...] + b1_ref[...]
    t = jnp.tanh(out1)
    w2s = jnp.sum(w2_ref[...], axis=1, keepdims=True)
    sblk = jnp.dot(t, w2s, preferred_element_type=jnp.float32)
    cc = c_ref[0] + c_ref[1]
    rowid = pid * blk + lax.broadcasted_iota(jnp.int32, (blk, 1), 0)
    valid = jnp.where(rowid < N_NODES, 1.0, 0.0)
    part = jnp.sum(ro_ref[...] * sblk * cc * valid, keepdims=True)

    @pl.when(pid == 0)
    def _():
        o_ref[...] = jnp.float32(N_NODES) * jnp.sum(b2_ref[...], keepdims=True)

    o_ref[...] += part


def _tc_final(aggp, rin, b1, W2, rout, cp, b2):
    blk = 1024
    return pl.pallas_call(
        _final_body,
        grid=(NPAD // blk,),
        in_specs=[
            pl.BlockSpec((NC, blk, D), lambda i: (0, i, 0)),
            pl.BlockSpec((blk, 1), lambda i: (i, 0)),
            pl.BlockSpec((1, D), lambda i: (0, 0)),
            pl.BlockSpec((D, D), lambda i: (0, 0)),
            pl.BlockSpec((blk, 1), lambda i: (i, 0)),
            pl.BlockSpec((NC, blk, 1), lambda i: (0, i, 0)),
            pl.BlockSpec((1, D), lambda i: (0, 0)),
        ],
        out_specs=pl.BlockSpec((1, 1), lambda i: (0, 0)),
        out_shape=jax.ShapeDtypeStruct((1, 1), jnp.float32),
    )(aggp, rin, b1, W2, rout, cp, b2)


def kernel(x, edge_index, W1, b1, W2, b2):
    ei = edge_index.astype(jnp.int32)
    src = ei[0]
    dst = ei[1]

    npad_e = EPAD - N_EDGES
    pad_idx = N_NODES + (jnp.arange(npad_e, dtype=jnp.int32) % PAD_ROWS)
    src_p = jnp.concatenate([src, pad_idx]).reshape(EPAD // CHUNK, CHUNK)
    dst_p = jnp.concatenate([dst, pad_idx]).reshape(EPAD // CHUNK, CHUNK)

    z2d = jnp.zeros((NPAD, D), jnp.float32)
    z1d = jnp.zeros((NPAD,), jnp.float32)

    doutp, dinp = _sc_degrees(src_p, dst_p, z1d)

    xpad = jnp.pad(x, ((0, NPAD - N_NODES), (0, 0)))
    hw2, rout, rin = _tc_fused(
        xpad, W1, doutp.reshape(NC, NPAD, 1), dinp.reshape(NC, NPAD, 1))

    aggp, cp = _sc_scatter(hw2, src_p, dst_p, rin.reshape(NPAD), z2d, z1d)

    out = _tc_final(aggp, rin, b1.reshape(1, D), W2, rout,
                    cp.reshape(NC, NPAD, 1), b2.reshape(1, D))
    return out

# --- scband reference (transcript-rebuilt; emitter-appended) ---
"""Pipeline reference for scband-gnn-maker-hnn-48378511622696 (READ-ONLY COPY).

The authoritative reference and input builder live on the scoring server;
editing this copy changes nothing except your own understanding.
"""

import jax, jax.numpy as jnp
import numpy as np

N_NODES = 10000
N_EDGES = 320000
IN_DIM = 128
HID_DIM = 128
OUT_DIM = 128


def setup_inputs(seed: int = 0) -> dict:
    key = jax.random.key(seed)
    k1, k2, k3, k4, k5, k6 = jax.random.split(key, 6)
    x = jax.random.normal(k1, (N_NODES, IN_DIM), dtype=jnp.float32)
    edge_index = jax.random.randint(k2, (2, N_EDGES), 0, N_NODES, dtype=jnp.int64)
    W1 = jax.random.normal(k3, (IN_DIM, HID_DIM), dtype=jnp.float32) * (1.0 / np.sqrt(IN_DIM))
    b1 = jnp.zeros((HID_DIM,), dtype=jnp.float32)
    W2 = jax.random.normal(k4, (HID_DIM, OUT_DIM), dtype=jnp.float32) * (1.0 / np.sqrt(HID_DIM))
    b2 = jnp.zeros((OUT_DIM,), dtype=jnp.float32)
    return {"x": x, "edge_index": edge_index, "W1": W1, "b1": b1, "W2": W2, "b2": b2}


def _gcn_layer(h, src, dst, W, b, n_nodes):
    # GCN layer with symmetric degree normalization (DGL GraphConv semantics)
    deg_out = jnp.zeros((n_nodes,), dtype=jnp.float32).at[src].add(1.0)
    deg_in = jnp.zeros((n_nodes,), dtype=jnp.float32).at[dst].add(1.0)
    deg_out = jnp.clip(deg_out, 1.0, None)
    deg_in = jnp.clip(deg_in, 1.0, None)
    h = h @ W
    norm = (1.0 / jnp.sqrt(deg_out[src])) * (1.0 / jnp.sqrt(deg_in[dst]))
    msg = h[src] * norm[:, None]
    agg = jnp.zeros((n_nodes, h.shape[1]), dtype=h.dtype).at[dst].add(msg)
    return agg + b


def reference(x, edge_index, W1, b1, W2, b2):
    src = edge_index[0]
    dst = edge_index[1]
    # entry = Sin()
    h = jnp.sin(x.astype(jnp.float32))
    # GNNlayer(in, hid) -> tanh -> GNNlayer(hid, out)
    h = _gcn_layer(h, src, dst, W1, b1, N_NODES)
    h = jnp.tanh(h)
    h = _gcn_layer(h, src, dst, W2, b2, N_NODES)
    # HNN readout: per-graph scalar sum over nodes and features (single graph -> [1, 1])
    h_sc = jnp.sum(h)
    out = h_sc.reshape(1)[None, :]
    return out

if __name__ == "__main__":
    import jax
    _d = setup_inputs()
    print(jax.jit(kernel)(*tuple(_d.values())))

</pallas_src>

<mosaic_0001>
#map = affine_map<(d0, d1) -> (0, 0)>
#map1 = affine_map<(d0, d1) -> (0)>
module attributes {stable_mosaic.version = 14 : i64} {
  func.func @_sc_degrees(%arg0: i32, %arg1: i32, %arg2: memref<2560x128xi32, #tpu.memory_space<hbm>>, %arg3: memref<2560x128xi32, #tpu.memory_space<hbm>>, %arg4: memref<10240xf32, #tpu.memory_space<hbm>>, %arg5: memref<2x10240xf32, #tpu.memory_space<hbm>>, %arg6: memref<2x10240xf32, #tpu.memory_space<hbm>>, %arg7: memref<80x128xi32, #tpu.memory_space<vmem>>, %arg8: memref<80x128xi32, #tpu.memory_space<vmem>>, %arg9: memref<128xf32, #tpu.memory_space<vmem>>, %arg10: memref<10240xf32, #tpu.memory_space<vmem_shared>>, %arg11: memref<10240xf32, #tpu.memory_space<vmem_shared>>, %arg12: memref<!tpu.dma_semaphore, #tpu.memory_space<semaphore_mem>>) attributes {dimension_semantics = [#tpu.dimension_semantics<core_parallel>, #tpu.dimension_semantics<subcore_parallel>], iteration_bounds = array<i64: 2, 16>, scalar_prefetch = 0 : i64, scratch_operands = 6 : i64, tpu.core_type = #tpu.core_type<sc_vector_subcore>, window_params = [{transform_indices = #map}, {transform_indices = #map}, {transform_indices = #map1}, {transform_indices = #map}, {transform_indices = #map}]} {
    %mul3A = arith.constant 16 : i32
    %mul3A_0 = arith.muli %arg0, %mul3A : i32
    %add3A = arith.addi %mul3A_0, %arg1 : i32
    %scan3A = arith.constant 0 : i32
    %scan3A_1 = arith.constant 0 : i32
    %scan3A_2 = arith.constant 8 : i32
    %scan3A_3 = arith.addi %scan3A_1, %scan3A_2 : i32
    %scan3A_4 = arith.constant 1 : i32
    %scan3A_5 = scf.for %scan3A_21 = %scan3A_1 to %scan3A_3 step %scan3A_4 iter_args(%scan3A_22 = %scan3A) -> (i32)  : i32 {
      %broadcast_in_dim3A = arith.constant 1.000000e+00 : f32
      %broadcast_in_dim3A_23 = vector.broadcast %broadcast_in_dim3A : f32 to vector<16xf32>
      %mul3A_24 = arith.constant 16 : i32
      %mul3A_25 = arith.muli %scan3A_21, %mul3A_24 : i32
      %swap3A = arith.index_cast %mul3A_25 : i32 to index
      %swap3A_26 = tpu.vector_load %arg9[%swap3A] {strides = array<i32>} : memref<128xf32, #tpu.memory_space<vmem>>, vector<16xf32>,
      %swap3A_27 = vector.shape_cast %swap3A_26 : vector<16xf32> to vector<16xf32>
      %swap3A_28 = vector.shape_cast %broadcast_in_dim3A_23 : vector<16xf32> to vector<16xf32>
      tpu.vector_store %arg9[%swap3A], %swap3A_28 {strides = array<i32>} : memref<128xf32, #tpu.memory_space<vmem>>, vector<16xf32>,
      %scan3A_29 = arith.constant 0 : i32
      scf.yield %scan3A_29 : i32
    }
    %scan3A_6 = arith.constant 8 : i32
    %mul3A_7 = arith.constant 640 : i32
    %mul3A_8 = arith.muli %arg1, %mul3A_7 : i32
    "tpu.region"() ({
      %run_scoped3A = tpu.sem_alloc : memref<!tpu.dma_semaphore, #tpu.memory_space<semaphore_mem>>
      %dma_start3A = tpu.memref_slice %arg10[%mul3A_8] : memref<10240xf32, #tpu.memory_space<vmem_shared>> -> memref<640xf32, #tpu.memory_space<vmem_shared>>
      %dma_start3A_21 = tpu.memref_slice %arg4[%mul3A_8] : memref<10240xf32, #tpu.memory_space<hbm>> -> memref<640xf32, #tpu.memory_space<hbm>>
      tpu.enqueue_dma source(%dma_start3A_21 : memref<640xf32, #tpu.memory_space<hbm>>) target(%dma_start3A : memref<640xf32, #tpu.memory_space<vmem_shared>>) target_semaphore(%run_scoped3A : memref<!tpu.dma_semaphore, #tpu.memory_space<semaphore_mem>>)
      %dma_wait3A = tpu.memref_slice %arg10[%mul3A_8] : memref<10240xf32, #tpu.memory_space<vmem_shared>> -> memref<640xf32, #tpu.memory_space<vmem_shared>>
      %dma_wait3A_22 = tpu.memref_slice %arg4[%mul3A_8] : memref<10240xf32, #tpu.memory_space<hbm>> -> memref<640xf32, #tpu.memory_space<hbm>>
      tpu.wait_dma2 semaphore(%run_scoped3A : memref<!tpu.dma_semaphore, #tpu.memory_space<semaphore_mem>>) src(%dma_wait3A_22 : memref<640xf32, #tpu.memory_space<hbm>>) dst(%dma_wait3A : memref<640xf32, #tpu.memory_space<vmem_shared>>)
      tpu.yield
    }) : () -> ()
    "tpu.region"() ({
      %run_scoped3A = tpu.sem_alloc : memref<!tpu.dma_semaphore, #tpu.memory_space<semaphore_mem>>
      %dma_start3A = tpu.memref_slice %arg11[%mul3A_8] : memref<10240xf32, #tpu.memory_space<vmem_shared>> -> memref<640xf32, #tpu.memory_space<vmem_shared>>
      %dma_start3A_21 = tpu.memref_slice %arg4[%mul3A_8] : memref<10240xf32, #tpu.memory_space<hbm>> -> memref<640xf32, #tpu.memory_space<hbm>>
      tpu.enqueue_dma source(%dma_start3A_21 : memref<640xf32, #tpu.memory_space<hbm>>) target(%dma_start3A : memref<640xf32, #tpu.memory_space<vmem_shared>>) target_semaphore(%run_scoped3A : memref<!tpu.dma_semaphore, #tpu.memory_space<semaphore_mem>>)
      %dma_wait3A = tpu.memref_slice %arg11[%mul3A_8] : memref<10240xf32, #tpu.memory_space<vmem_shared>> -> memref<640xf32, #tpu.memory_space<vmem_shared>>
      %dma_wait3A_22 = tpu.memref_slice %arg4[%mul3A_8] : memref<10240xf32, #tpu.memory_space<hbm>> -> memref<640xf32, #tpu.memory_space<hbm>>
      tpu.wait_dma2 semaphore(%run_scoped3A : memref<!tpu.dma_semaphore, #tpu.memory_space<semaphore_mem>>) src(%dma_wait3A_22 : memref<640xf32, #tpu.memory_space<hbm>>) dst(%dma_wait3A : memref<640xf32, #tpu.memory_space<vmem_shared>>)
      tpu.yield
    }) : () -> ()
    %mul3A_9 = arith.constant 80 : i32
    %mul3A_10 = arith.muli %add3A, %mul3A_9 : i32
    "tpu.region"() ({
      %run_scoped3A = tpu.sem_alloc : memref<!tpu.dma_semaphore, #tpu.memory_space<semaphore_mem>>
      %dma_start3A = arith.constant 0 : i32
      %dma_start3A_21 = tpu.memref_slice %arg2[%mul3A_10, %dma_start3A] : memref<2560x128xi32, #tpu.memory_space<hbm>> -> memref<80x128xi32, #tpu.memory_space<hbm>>
      %dma_start3A_22 = arith.constant 0 : i32
      %dma_start3A_23 = tpu.memref_slice %arg2[%mul3A_10, %dma_start3A_22] : memref<2560x128xi32, #tpu.memory_space<hbm>> -> memref<80x128xi32, #tpu.memory_space<hbm>>
      tpu.enqueue_dma source(%dma_start3A_23 : memref<80x128xi32, #tpu.memory_space<hbm>>) target(%arg7 : memref<80x128xi32, #tpu.memory_space<vmem>>) target_semaphore(%run_scoped3A : memref<!tpu.dma_semaphore, #tpu.memory_space<semaphore_mem>>)
      %dma_wait3A = arith.constant 0 : i32
      %dma_wait3A_24 = tpu.memref_slice %arg2[%mul3A_10, %dma_wait3A] : memref<2560x128xi32, #tpu.memory_space<hbm>> -> memref<80x128xi32, #tpu.memory_space<hbm>>
      %dma_wait3A_25 = arith.constant 0 : i32
      %dma_wait3A_26 = tpu.memref_slice %arg2[%mul3A_10, %dma_wait3A_25] : memref<2560x128xi32, #tpu.memory_space<hbm>> -> memref<80x128xi32, #tpu.memory_space<hbm>>
      tpu.wait_dma2 semaphore(%run_scoped3A : memref<!tpu.dma_semaphore, #tpu.memory_space<semaphore_mem>>) src(%dma_wait3A_26 : memref<80x128xi32, #tpu.memory_space<hbm>>) dst(%arg7 : memref<80x128xi32, #tpu.memory_space<vmem>>)
      tpu.yield
    }) : () -> ()
    %mul3A_11 = arith.constant 80 : i32
    %mul3A_12 = arith.muli %add3A, %mul3A_11 : i32
    "tpu.region"() ({
      %run_scoped3A = tpu.sem_alloc : memref<!tpu.dma_semaphore, #tpu.memory_space<semaphore_mem>>
      %dma_start3A = arith.constant 0 : i32
      %dma_start3A_21 = tpu.memref_slice %arg3[%mul3A_12, %dma_start3A] : memref<2560x128xi32, #tpu.memory_space<hbm>> -> memref<80x128xi32, #tpu.memory_space<hbm>>
      %dma_start3A_22 = arith.constant 0 : i32
      %dma_start3A_23 = tpu.memref_slice %arg3[%mul3A_12, %dma_start3A_22] : memref<2560x128xi32, #tpu.memory_space<hbm>> -> memref<80x128xi32, #tpu.memory_space<hbm>>
      tpu.enqueue_dma source(%dma_start3A_23 : memref<80x128xi32, #tpu.memory_space<hbm>>) target(%arg8 : memref<80x128xi32, #tpu.memory_space<vmem>>) target_semaphore(%run_scoped3A : memref<!tpu.dma_semaphore, #tpu.memory_space<semaphore_mem>>)
      %dma_wait3A = arith.constant 0 : i32
      %dma_wait3A_24 = tpu.memref_slice %arg3[%mul3A_12, %dma_wait3A] : memref<2560x128xi32, #tpu.memory_space<hbm>> -> memref<80x128xi32, #tpu.memory_space<hbm>>
      %dma_wait3A_25 = arith.constant 0 : i32
      %dma_wait3A_26 = tpu.memref_slice %arg3[%mul3A_12, %dma_wait3A_25] : memref<2560x128xi32, #tpu.memory_space<hbm>> -> memref<80x128xi32, #tpu.memory_space<hbm>>
      tpu.wait_dma2 semaphore(%run_scoped3A : memref<!tpu.dma_semaphore, #tpu.memory_space<semaphore_mem>>) src(%dma_wait3A_26 : memref<80x128xi32, #tpu.memory_space<hbm>>) dst(%arg8 : memref<80x128xi32, #tpu.memory_space<vmem>>)
      tpu.yield
    }) : () -> ()
    %barrier3A = arith.constant 0 : index
    tpu.barrier barrier_id(%barrier3A)
    %scan3A_13 = arith.constant 0 : i32
    %scan3A_14 = arith.constant 0 : i32
    %scan3A_15 = arith.constant 10 : i32
    %scan3A_16 = arith.addi %scan3A_14, %scan3A_15 : i32
    %scan3A_17 = arith.constant 1 : i32
    %scan3A_18 = scf.for %scan3A_21 = %scan3A_14 to %scan3A_16 step %scan3A_17 iter_args(%scan3A_22 = %scan3A_13) -> (i32)  : i32 {
      %mul3A_23 = arith.constant 8 : i32
      %mul3A_24 = arith.muli %scan3A_21, %mul3A_23 : i32
      %add3A_25 = arith.constant 0 : i32
      %add3A_26 = arith.addi %mul3A_24, %add3A_25 : i32
      %dma_start3A = arith.constant 0 : i32
      %dma_start3A_27 = tpu.memref_slice %arg7[%add3A_26, %dma_start3A] : memref<80x128xi32, #tpu.memory_space<vmem>> -> memref<1x128xi32, #tpu.memory_space<vmem>>
      %dma_start3A_28 = tpu.memref_squeeze %dma_start3A_27 : memref<1x128xi32, #tpu.memory_space<vmem>> -> memref<128xi32, #tpu.memory_space<vmem>>
      %dma_start3A_29 = arith.constant 0 : i32
      %dma_start3A_30 = tpu.memref_slice %arg10[%dma_start3A_29] : memref<10240xf32, #tpu.memory_space<vmem_shared>> -> memref<10240xf32, #tpu.memory_space<vmem_shared>>
      tpu.enqueue_indirect_dma source(%arg9 : memref<128xf32, #tpu.memory_space<vmem>>) target(%dma_start3A_30 : memref<10240xf32, #tpu.memory_space<vmem_shared>>) offsets(%dma_start3A_28 : memref<128xi32, #tpu.memory_space<vmem>>) semaphore(%arg12 : memref<!tpu.dma_semaphore, #tpu.memory_space<semaphore_mem>>) {add = true}
      %dma_start3A_31 = arith.constant 0 : i32
      %dma_start3A_32 = tpu.memref_slice %arg8[%add3A_26, %dma_start3A_31] : memref<80x128xi32, #tpu.memory_space<vmem>> -> memref<1x128xi32, #tpu.memory_space<vmem>>
      %dma_start3A_33 = tpu.memref_squeeze %dma_start3A_32 : memref<1x128xi32, #tpu.memory_space<vmem>> -> memref<128xi32, #tpu.memory_space<vmem>>
      %dma_start3A_34 = arith.constant 0 : i32
      %dma_start3A_35 = tpu.memref_slice %arg11[%dma_start3A_34] : memref<10240xf32, #tpu.memory_space<vmem_shared>> -> memref<10240xf32, #tpu.memory_space<vmem_shared>>
      tpu.enqueue_indirect_dma source(%arg9 : memref<128xf32, #tpu.memory_space<vmem>>) target(%dma_start3A_35 : memref<10240xf32, #tpu.memory_space<vmem_shared>>) offsets(%dma_start3A_33 : memref<128xi32, #tpu.memory_space<vmem>>) semaphore(%arg12 : memref<!tpu.dma_semaphore, #tpu.memory_space<semaphore_mem>>) {add = true}
      %mul3A_36 = arith.constant 8 : i32
      %mul3A_37 = arith.muli %scan3A_21, %mul3A_36 : i32
      %add3A_38 = arith.constant 1 : i32
      %add3A_39 = arith.addi %mul3A_37, %add3A_38 : i32
      %dma_start3A_40 = arith.constant 0 : i32
      %dma_start3A_41 = tpu.memref_slice %arg7[%add3A_39, %dma_start3A_40] : memref<80x128xi32, #tpu.memory_space<vmem>> -> memref<1x128xi32, #tpu.memory_space<vmem>>
      %dma_start3A_42 = tpu.memref_squeeze %dma_start3A_41 : memref<1x128xi32, #tpu.memory_space<vmem>> -> memref<128xi32, #tpu.memory_space<vmem>>
      %dma_start3A_43 = arith.constant 0 : i32
      %dma_start3A_44 = tpu.memref_slice %arg10[%dma_start3A_43] : memref<10240xf32, #tpu.memory_space<vmem_shared>> -> memref<10240xf32, #tpu.memory_space<vmem_shared>>
      tpu.enqueue_indirect_dma source(%arg9 : memref<128xf32, #tpu.memory_space<vmem>>) target(%dma_start3A_44 : memref<10240xf32, #tpu.memory_space<vmem_shared>>) offsets(%dma_start3A_42 : memref<128xi32, #tpu.memory_space<vmem>>) semaphore(%arg12 : memref<!tpu.dma_semaphore, #tpu.memory_space<semaphore_mem>>) {add = true}
      %dma_start3A_45 = arith.constant 0 : i32
      %dma_start3A_46 = tpu.memref_slice %arg8[%add3A_39, %dma_start3A_45] : memref<80x128xi32, #tpu.memory_space<vmem>> -> memref<1x128xi32, #tpu.memory_space<vmem>>
      %dma_start3A_47 = tpu.memref_squeeze %dma_start3A_46 : memref<1x128xi32, #tpu.memory_space<vmem>> -> memref<128xi32, #tpu.memory_space<vmem>>
      %dma_start3A_48 = arith.constant 0 : i32
      %dma_start3A_49 = tpu.memref_slice %arg11[%dma_start3A_48] : memref<10240xf32, #tpu.memory_space<vmem_shared>> -> memref<10240xf32, #tpu.memory_space<vmem_shared>>
      tpu.enqueue_indirect_dma source(%arg9 : memref<128xf32, #tpu.memory_space<vmem>>) target(%dma_start3A_49 : memref<10240xf32, #tpu.memory_space<vmem_shared>>) offsets(%dma_start3A_47 : memref<128xi32, #tpu.memory_space<vmem>>) semaphore(%arg12 : memref<!tpu.dma_semaphore, #tpu.memory_space<semaphore_mem>>) {add = true}
      %mul3A_50 = arith.constant 8 : i32
      %mul3A_51 = arith.muli %scan3A_21, %mul3A_50 : i32
      %add3A_52 = arith.constant 2 : i32
      %add3A_53 = arith.addi %mul3A_51, %add3A_52 : i32
      %dma_start3A_54 = arith.constant 0 : i32
      %dma_start3A_55 = tpu.memref_slice %arg7[%add3A_53, %dma_start3A_54] : memref<80x128xi32, #tpu.memory_space<vmem>> -> memref<1x128xi32, #tpu.memory_space<vmem>>
      %dma_start3A_56 = tpu.memref_squeeze %dma_start3A_55 : memref<1x128xi32, #tpu.memory_space<vmem>> -> memref<128xi32, #tpu.memory_space<vmem>>
      %dma_start3A_57 = arith.constant 0 : i32
      %dma_start3A_58 = tpu.memref_slice %arg10[%dma_start3A_57] : memref<10240xf32, #tpu.memory_space<vmem_shared>> -> memref<10240xf32, #tpu.memory_space<vmem_shared>>
      tpu.enqueue_indirect_dma source(%arg9 : memref<128xf32, #tpu.memory_space<vmem>>) target(%dma_start3A_58 : memref<10240xf32, #tpu.memory_space<vmem_shared>>) offsets(%dma_start3A_56 : memref<128xi32, #tpu.memory_space<vmem>>) semaphore(%arg12 : memref<!tpu.dma_semaphore, #tpu.memory_space<semaphore_mem>>) {add = true}
      %dma_start3A_59 = arith.constant 0 : i32
      %dma_start3A_60 = tpu.memref_slice %arg8[%add3A_53, %dma_start3A_59] : memref<80x128xi32, #tpu.memory_space<vmem>> -> memref<1x128xi32, #tpu.memory_space<vmem>>
      %dma_start3A_61 = tpu.memref_squeeze %dma_start3A_60 : memref<1x128xi32, #tpu.memory_space<vmem>> -> memref<128xi32, #tpu.memory_space<vmem>>
      %dma_start3A_62 = arith.constant 0 : i32
      %dma_start3A_63 = tpu.memref_slice %arg11[%dma_start3A_62] : memref<10240xf32, #tpu.memory_space<vmem_shared>> -> memref<10240xf32, #tpu.memory_space<vmem_shared>>
      tpu.enqueue_indirect_dma source(%arg9 : memref<128xf32, #tpu.memory_space<vmem>>) target(%dma_start3A_63 : memref<10240xf32, #tpu.memory_space<vmem_shared>>) offsets(%dma_start3A_61 : memref<128xi32, #tpu.memory_space<vmem>>) semaphore(%arg12 : memref<!tpu.dma_semaphore, #tpu.memory_space<semaphore_mem>>) {add = true}
      %mul3A_64 = arith.constant 8 : i32
      %mul3A_65 = arith.muli %scan3A_21, %mul3A_64 : i32
      %add3A_66 = arith.constant 3 : i32
      %add3A_67 = arith.addi %mul3A_65, %add3A_66 : i32
      %dma_start3A_68 = arith.constant 0 : i32
      %dma_start3A_69 = tpu.memref_slice %arg7[%add3A_67, %dma_start3A_68] : memref<80x128xi32, #tpu.memory_space<vmem>> -> memref<1x128xi32, #tpu.memory_space<vmem>>
      %dma_start3A_70 = tpu.memref_squeeze %dma_start3A_69 : memref<1x128xi32, #tpu.memory_space<vmem>> -> memref<128xi32, #tpu.memory_space<vmem>>
      %dma_start3A_71 = arith.constant 0 : i32
      %dma_start3A_72 = tpu.memref_slice %arg10[%dma_start3A_71] : memref<10240xf32, #tpu.memory_space<vmem_shared>> -> memref<10240xf32, #tpu.memory_space<vmem_shared>>
      tpu.enqueue_indirect_dma source(%arg9 : memref<128xf32, #tpu.memory_space<vmem>>) target(%dma_start3A_72 : memref<10240xf32, #tpu.memory_space<vmem_shared>>) offsets(%dma_start3A_70 : memref<128xi32, #tpu.memory_space<vmem>>) semaphore(%arg12 : memref<!tpu.dma_semaphore, #tpu.memory_space<semaphore_mem>>) {add = true}
      %dma_start3A_73 = arith.constant 0 : i32
      %dma_start3A_74 = tpu.memref_slice %arg8[%add3A_67, %dma_start3A_73] : memref<80x128xi32, #tpu.memory_space<vmem>> -> memref<1x128xi32, #tpu.memory_space<vmem>>
      %dma_start3A_75 = tpu.memref_squeeze %dma_start3A_74 : memref<1x128xi32, #tpu.memory_space<vmem>> -> memref<128xi32, #tpu.memory_space<vmem>>
      %dma_start3A_76 = arith.constant 0 : i32
      %dma_start3A_77 = tpu.memref_slice %arg11[%dma_start3A_76] : memref<10240xf32, #tpu.memory_space<vmem_shared>> -> memref<10240xf32, #tpu.memory_space<vmem_shared>>
      tpu.enqueue_indirect_dma source(%arg9 : memref<128xf32, #tpu.memory_space<vmem>>) target(%dma_start3A_77 : memref<10240xf32, #tpu.memory_space<vmem_shared>>) offsets(%dma_start3A_75 : memref<128xi32, #tpu.memory_space<vmem>>) semaphore(%arg12 : memref<!tpu.dma_semaphore, #tpu.memory_space<semaphore_mem>>) {add = true}
      %mul3A_78 = arith.constant 8 : i32
      %mul3A_79 = arith.muli %scan3A_21, %mul3A_78 : i32
      %add3A_80 = arith.constant 4 : i32
      %add3A_81 = arith.addi %mul3A_79, %add3A_80 : i32
      %dma_start3A_82 = arith.constant 0 : i32
      %dma_start3A_83 = tpu.memref_slice %arg7[%add3A_81, %dma_start3A_82] : memref<80x128xi32, #tpu.memory_space<vmem>> -> memref<1x128xi32, #tpu.memory_space<vmem>>
      %dma_start3A_84 = tpu.memref_squeeze %dma_start3A_83 : memref<1x128xi32, #tpu.memory_space<vmem>> -> memref<128xi32, #tpu.memory_space<vmem>>
      %dma_start3A_85 = arith.constant 0 : i32
      %dma_start3A_86 = tpu.memref_slice %arg10[%dma_start3A_85] : memref<10240xf32, #tpu.memory_space<vmem_shared>> -> memref<10240xf32, #tpu.memory_space<vmem_shared>>
      tpu.enqueue_indirect_dma source(%arg9 : memref<128xf32, #tpu.memory_space<vmem>>) target(%dma_start3A_86 : memref<10240xf32, #tpu.memory_space<vmem_shared>>) offsets(%dma_start3A_84 : memref<128xi32, #tpu.memory_space<vmem>>) semaphore(%arg12 : memref<!tpu.dma_semaphore, #tpu.memory_space<semaphore_mem>>) {add = true}
      %dma_start3A_87 = arith.constant 0 : i32
      %dma_start3A_88 = tpu.memref_slice %arg8[%add3A_81, %dma_start3A_87] : memref<80x128xi32, #tpu.memory_space<vmem>> -> memref<1x128xi32, #tpu.memory_space<vmem>>
      %dma_start3A_89 = tpu.memref_squeeze %dma_start3A_88 : memref<1x128xi32, #tpu.memory_space<vmem>> -> memref<128xi32, #tpu.memory_space<vmem>>
      %dma_start3A_90 = arith.constant 0 : i32
      %dma_start3A_91 = tpu.memref_slice %arg11[%dma_start3A_90] : memref<10240xf32, #tpu.memory_space<vmem_shared>> -> memref<10240xf32, #tpu.memory_space<vmem_shared>>
      tpu.enqueue_indirect_dma source(%arg9 : memref<128xf32, #tpu.memory_space<vmem>>) target(%dma_start3A_91 : memref<10240xf32, #tpu.memory_space<vmem_shared>>) offsets(%dma_start3A_89 : memref<128xi32, #tpu.memory_space<vmem>>) semaphore(%arg12 : memref<!tpu.dma_semaphore, #tpu.memory_space<semaphore_mem>>) {add = true}
      %mul3A_92 = arith.constant 8 : i32
      %mul3A_93 = arith.muli %scan3A_21, %mul3A_92 : i32
      %add3A_94 = arith.constant 5 : i32
      %add3A_95 = arith.addi %mul3A_93, %add3A_94 : i32
      %dma_start3A_96 = arith.constant 0 : i32
      %dma_start3A_97 = tpu.memref_slice %arg7[%add3A_95, %dma_start3A_96] : memref<80x128xi32, #tpu.memory_space<vmem>> -> memref<1x128xi32, #tpu.memory_space<vmem>>
      %dma_start3A_98 = tpu.memref_squeeze %dma_start3A_97 : memref<1x128xi32, #tpu.memory_space<vmem>> -> memref<128xi32, #tpu.memory_space<vmem>>
      %dma_start3A_99 = arith.constant 0 : i32
      %dma_start3A_100 = tpu.memref_slice %arg10[%dma_start3A_99] : memref<10240xf32, #tpu.memory_space<vmem_shared>> -> memref<10240xf32, #tpu.memory_space<vmem_shared>>
      tpu.enqueue_indirect_dma source(%arg9 : memref<128xf32, #tpu.memory_space<vmem>>) target(%dma_start3A_100 : memref<10240xf32, #tpu.memory_space<vmem_shared>>) offsets(%dma_start3A_98 : memref<128xi32, #tpu.memory_space<vmem>>) semaphore(%arg12 : memref<!tpu.dma_semaphore, #tpu.memory_space<semaphore_mem>>) {add = true}
      %dma_start3A_101 = arith.constant 0 : i32
      %dma_start3A_102 = tpu.memref_slice %arg8[%add3A_95, %dma_start3A_101] : memref<80x128xi32, #tpu.memory_space<vmem>> -> memref<1x128xi32, #tpu.memory_space<vmem>>
      %dma_start3A_103 = tpu.memref_squeeze %dma_start3A_102 : memref<1x128xi32, #tpu.memory_space<vmem>> -> memref<128xi32, #tpu.memory_space<vmem>>
      %dma_start3A_104 = arith.constant 0 : i32
      %dma_start3A_105 = tpu.memref_slice %arg11[%dma_start3A_104] : memref<10240xf32, #tpu.memory_space<vmem_shared>> -> memref<10240xf32, #tpu.memory_space<vmem_shared>>
      tpu.enqueue_indirect_dma source(%arg9 : memref<128xf32, #tpu.memory_space<vmem>>) target(%dma_start3A_105 : memref<10240xf32, #tpu.memory_space<vmem_shared>>) offsets(%dma_start3A_103 : memref<128xi32, #tpu.memory_space<vmem>>) semaphore(%arg12 : memref<!tpu.dma_semaphore, #tpu.memory_space<semaphore_mem>>) {add = true}
      %mul3A_106 = arith.constant 8 : i32
      %mul3A_107 = arith.muli %scan3A_21, %mul3A_106 : i32
      %add3A_108 = arith.constant 6 : i32
      %add3A_109 = arith.addi %mul3A_107, %add3A_108 : i32
      %dma_start3A_110 = arith.constant 0 : i32
      %dma_start3A_111 = tpu.memref_slice %arg7[%add3A_109, %dma_start3A_110] : memref<80x128xi32, #tpu.memory_space<vmem>> -> memref<1x128xi32, #tpu.memory_space<vmem>>
      %dma_start3A_112 = tpu.memref_squeeze %dma_start3A_111 : memref<1x128xi32, #tpu.memory_space<vmem>> -> memref<128xi32, #tpu.memory_space<vmem>>
      %dma_start3A_113 = arith.constant 0 : i32
      %dma_start3A_114 = tpu.memref_slice %arg10[%dma_start3A_113] : memref<10240xf32, #tpu.memory_space<vmem_shared>> -> memref<10240xf32, #tpu.memory_space<vmem_shared>>
      tpu.enqueue_indirect_dma source(%arg9 : memref<128xf32, #tpu.memory_space<vmem>>) target(%dma_start3A_114 : memref<10240xf32, #tpu.memory_space<vmem_shared>>) offsets(%dma_start3A_112 : memref<128xi32, #tpu.memory_space<vmem>>) semaphore(%arg12 : memref<!tpu.dma_semaphore, #tpu.memory_space<semaphore_mem>>) {add = true}
      %dma_start3A_115 = arith.constant 0 : i32
      %dma_start3A_116 = tpu.memref_slice %arg8[%add3A_109, %dma_start3A_115] : memref<80x128xi32, #tpu.memory_space<vmem>> -> memref<1x128xi32, #tpu.memory_space<vmem>>
      %dma_start3A_117 = tpu.memref_squeeze %dma_start3A_116 : memref<1x128xi32, #tpu.memory_space<vmem>> -> memref<128xi32, #tpu.memory_space<vmem>>
      %dma_start3A_118 = arith.constant 0 : i32
      %dma_start3A_119 = tpu.memref_slice %arg11[%dma_start3A_118] : memref<10240xf32, #tpu.memory_space<vmem_shared>> -> memref<10240xf32, #tpu.memory_space<vmem_shared>>
      tpu.enqueue_indirect_dma source(%arg9 : memref<128xf32, #tpu.memory_space<vmem>>) target(%dma_start3A_119 : memref<10240xf32, #tpu.memory_space<vmem_shared>>) offsets(%dma_start3A_117 : memref<128xi32, #tpu.memory_space<vmem>>) semaphore(%arg12 : memref<!tpu.dma_semaphore, #tpu.memory_space<semaphore_mem>>) {add = true}
      %mul3A_120 = arith.constant 8 : i32
      %mul3A_121 = arith.muli %scan3A_21, %mul3A_120 : i32
      %add3A_122 = arith.constant 7 : i32
      %add3A_123 = arith.addi %mul3A_121, %add3A_122 : i32
      %dma_start3A_124 = arith.constant 0 : i32
      %dma_start3A_125 = tpu.memref_slice %arg7[%add3A_123, %dma_start3A_124] : memref<80x128xi32, #tpu.memory_space<vmem>> -> memref<1x128xi32, #tpu.memory_space<vmem>>
      %dma_start3A_126 = tpu.memref_squeeze %dma_start3A_125 : memref<1x128xi32, #tpu.memory_space<vmem>> -> memref<128xi32, #tpu.memory_space<vmem>>
      %dma_start3A_127 = arith.constant 0 : i32
      %dma_start3A_128 = tpu.memref_slice %arg10[%dma_start3A_127] : memref<10240xf32, #tpu.memory_space<vmem_shared>> -> memref<10240xf32, #tpu.memory_space<vmem_shared>>
      tpu.enqueue_indirect_dma source(%arg9 : memref<128xf32, #tpu.memory_space<vmem>>) target(%dma_start3A_128 : memref<10240xf32, #tpu.memory_space<vmem_shared>>) offsets(%dma_start3A_126 : memref<128xi32, #tpu.memory_space<vmem>>) semaphore(%arg12 : memref<!tpu.dma_semaphore, #tpu.memory_space<semaphore_mem>>) {add = true}
      %dma_start3A_129 = arith.constant 0 : i32
      %dma_start3A_130 = tpu.memref_slice %arg8[%add3A_123, %dma_start3A_129] : memref<80x128xi32, #tpu.memory_space<vmem>> -> memref<1x128xi32, #tpu.memory_space<vmem>>
      %dma_start3A_131 = tpu.memref_squeeze %dma_start3A_130 : memref<1x128xi32, #tpu.memory_space<vmem>> -> memref<128xi32, #tpu.memory_space<vmem>>
      %dma_start3A_132 = arith.constant 0 : i32
      %dma_start3A_133 = tpu.memref_slice %arg11[%dma_start3A_132] : memref<10240xf32, #tpu.memory_space<vmem_shared>> -> memref<10240xf32, #tpu.memory_space<vmem_shared>>
      tpu.enqueue_indirect_dma source(%arg9 : memref<128xf32, #tpu.memory_space<vmem>>) target(%dma_start3A_133 : memref<10240xf32, #tpu.memory_space<vmem_shared>>) offsets(%dma_start3A_131 : memref<128xi32, #tpu.memory_space<vmem>>) semaphore(%arg12 : memref<!tpu.dma_semaphore, #tpu.memory_space<semaphore_mem>>) {add = true}
      %mul3A_134 = arith.constant 8 : i32
      %mul3A_135 = arith.muli %scan3A_21, %mul3A_134 : i32
      %add3A_136 = arith.constant 0 : i32
      %add3A_137 = arith.addi %mul3A_135, %add3A_136 : i32
      %dma_wait3A = arith.constant 0 : i32
      %dma_wait3A_138 = tpu.memref_slice %arg7[%add3A_137, %dma_wait3A] : memref<80x128xi32, #tpu.memory_space<vmem>> -> memref<1x128xi32, #tpu.memory_space<vmem>>
      %dma_wait3A_139 = tpu.memref_squeeze %dma_wait3A_138 : memref<1x128xi32, #tpu.memory_space<vmem>> -> memref<128xi32, #tpu.memory_space<vmem>>
      %dma_wait3A_140 = arith.constant 0 : i32
      %dma_wait3A_141 = tpu.memref_slice %arg10[%dma_wait3A_140] : memref<10240xf32, #tpu.memory_space<vmem_shared>> -> memref<10240xf32, #tpu.memory_space<vmem_shared>>
      tpu.wait_indirect_dma semaphore(%arg12 : memref<!tpu.dma_semaphore, #tpu.memory_space<semaphore_mem>>) src(%arg9 : memref<128xf32, #tpu.memory_space<vmem>>) dst(%dma_wait3A_141 : memref<10240xf32, #tpu.memory_space<vmem_shared>>)
      %dma_wait3A_142 = arith.constant 0 : i32
      %dma_wait3A_143 = tpu.memref_slice %arg8[%add3A_137, %dma_wait3A_142] : memref<80x128xi32, #tpu.memory_space<vmem>> -> memref<1x128xi32, #tpu.memory_space<vmem>>
      %dma_wait3A_144 = tpu.memref_squeeze %dma_wait3A_143 : memref<1x128xi32, #tpu.memory_space<vmem>> -> memref<128xi32, #tpu.memory_space<vmem>>
      %dma_wait3A_145 = arith.constant 0 : i32
      %dma_wait3A_146 = tpu.memref_slice %arg11[%dma_wait3A_145] : memref<10240xf32, #tpu.memory_space<vmem_shared>> -> memref<10240xf32, #tpu.memory_space<vmem_shared>>
      tpu.wait_indirect_dma semaphore(%arg12 : memref<!tpu.dma_semaphore, #tpu.memory_space<semaphore_mem>>) src(%arg9 : memref<128xf32, #tpu.memory_space<vmem>>) dst(%dma_wait3A_146 : memref<10240xf32, #tpu.memory_space<vmem_shared>>)
      %mul3A_147 = arith.constant 8 : i32
      %mul3A_148 = arith.muli %scan3A_21, %mul3A_147 : i32
      %add3A_149 = arith.constant 1 : i32
      %add3A_150 = arith.addi %mul3A_148, %add3A_149 : i32
      %dma_wait3A_151 = arith.constant 0 : i32
      %dma_wait3A_152 = tpu.memref_slice %arg7[%add3A_150, %dma_wait3A_151] : memref<80x128xi32, #tpu.memory_space<vmem>> -> memref<1x128xi32, #tpu.memory_space<vmem>>
      %dma_wait3A_153 = tpu.memref_squeeze %dma_wait3A_152 : memref<1x128xi32, #tpu.memory_space<vmem>> -> memref<128xi32, #tpu.memory_space<vmem>>
      %dma_wait3A_154 = arith.constant 0 : i32
      %dma_wait3A_155 = tpu.memref_slice %arg10[%dma_wait3A_154] : memref<10240xf32, #tpu.memory_space<vmem_shared>> -> memref<10240xf32, #tpu.memory_space<vmem_shared>>
      tpu.wait_indirect_dma semaphore(%arg12 : memref<!tpu.dma_semaphore, #tpu.memory_space<semaphore_mem>>) src(%arg9 : memref<128xf32, #tpu.memory_space<vmem>>) dst(%dma_wait3A_155 : memref<10240xf32, #tpu.memory_space<vmem_shared>>)
      %dma_wait3A_156 = arith.constant 0 : i32
      %dma_wait3A_157 = tpu.memref_slice %arg8[%add3A_150, %dma_wait3A_156] : memref<80x128xi32, #tpu.memory_space<vmem>> -> memref<1x128xi32, #tpu.memory_space<vmem>>
      %dma_wait3A_158 = tpu.memref_squeeze %dma_wait3A_157 : memref<1x128xi32, #tpu.memory_space<vmem>> -> memref<128xi32, #tpu.memory_space<vmem>>
      %dma_wait3A_159 = arith.constant 0 : i32
      %dma_wait3A_160 = tpu.memref_slice %arg11[%dma_wait3A_159] : memref<10240xf32, #tpu.memory_space<vmem_shared>> -> memref<10240xf32, #tpu.memory_space<vmem_shared>>
      tpu.wait_indirect_dma semaphore(%arg12 : memref<!tpu.dma_semaphore, #tpu.memory_space<semaphore_mem>>) src(%arg9 : memref<128xf32, #tpu.memory_space<vmem>>) dst(%dma_wait3A_160 : memref<10240xf32, #tpu.memory_space<vmem_shared>>)
      %mul3A_161 = arith.constant 8 : i32
      %mul3A_162 = arith.muli %scan3A_21, %mul3A_161 : i32
      %add3A_163 = arith.constant 2 : i32
      %add3A_164 = arith.addi %mul3A_162, %add3A_163 : i32
      %dma_wait3A_165 = arith.constant 0 : i32
      %dma_wait3A_166 = tpu.memref_slice %arg7[%add3A_164, %dma_wait3A_165] : memref<80x128xi32, #tpu.memory_space<vmem>> -> memref<1x128xi32, #tpu.memory_space<vmem>>
      %dma_wait3A_167 = tpu.memref_squeeze %dma_wait3A_166 : memref<1x128xi32, #tpu.memory_space<vmem>> -> memref<128xi32, #tpu.memory_space<vmem>>
      %dma_wait3A_168 = arith.constant 0 : i32
      %dma_wait3A_169 = tpu.memref_slice %arg10[%dma_wait3A_168] : memref<10240xf32, #tpu.memory_space<vmem_shared>> -> memref<10240xf32, #tpu.memory_space<vmem_shared>>
      tpu.wait_indirect_dma semaphore(%arg12 : memref<!tpu.dma_semaphore, #tpu.memory_space<semaphore_mem>>) src(%arg9 : memref<128xf32, #tpu.memory_space<vmem>>) dst(%dma_wait3A_169 : memref<10240xf32, #tpu.memory_space<vmem_shared>>)
      %dma_wait3A_170 = arith.constant 0 : i32
      %dma_wait3A_171 = tpu.memref_slice %arg8[%add3A_164, %dma_wait3A_170] : memref<80x128xi32, #tpu.memory_space<vmem>> -> memref<1x128xi32, #tpu.memory_space<vmem>>
      %dma_wait3A_172 = tpu.memref_squeeze %dma_wait3A_171 : memref<1x128xi32, #tpu.memory_space<vmem>> -> memref<128xi32, #tpu.memory_space<vmem>>
      %dma_wait3A_173 = arith.constant 0 : i32
      %dma_wait3A_174 = tpu.memref_slice %arg11[%dma_wait3A_173] : memref<10240xf32, #tpu.memory_space<vmem_shared>> -> memref<10240xf32, #tpu.memory_space<vmem_shared>>
      tpu.wait_indirect_dma semaphore(%arg12 : memref<!tpu.dma_semaphore, #tpu.memory_space<semaphore_mem>>) src(%arg9 : memref<128xf32, #tpu.memory_space<vmem>>) dst(%dma_wait3A_174 : memref<10240xf32, #tpu.memory_space<vmem_shared>>)
      %mul3A_175 = arith.constant 8 : i32
      %mul3A_176 = arith.muli %scan3A_21, %mul3A_175 : i32
      %add3A_177 = arith.constant 3 : i32
      %add3A_178 = arith.addi %mul3A_176, %add3A_177 : i32
      %dma_wait3A_179 = arith.constant 0 : i32
      %dma_wait3A_180 = tpu.memref_slice %arg7[%add3A_178, %dma_wait3A_179] : memref<80x128xi32, #tpu.memory_space<vmem>> -> memref<1x128xi32, #tpu.memory_space<vmem>>
      %dma_wait3A_181 = tpu.memref_squeeze %dma_wait3A_180 : memref<1x128xi32, #tpu.memory_space<vmem>> -> memref<128xi32, #tpu.memory_space<vmem>>
      %dma_wait3A_182 = arith.constant 0 : i32
      %dma_wait3A_183 = tpu.memref_slice %arg10[%dma_wait3A_182] : memref<10240xf32, #tpu.memory_space<vmem_shared>> -> memref<10240xf32, #tpu.memory_space<vmem_shared>>
      tpu.wait_indirect_dma semaphore(%arg12 : memref<!tpu.dma_semaphore, #tpu.memory_space<semaphore_mem>>) src(%arg9 : memref<128xf32, #tpu.memory_space<vmem>>) dst(%dma_wait3A_183 : memref<10240xf32, #tpu.memory_space<vmem_shared>>)
      %dma_wait3A_184 = arith.constant 0 : i32
      %dma_wait3A_185 = tpu.memref_slice %arg8[%add3A_178, %dma_wait3A_184] : memref<80x128xi32, #tpu.memory_space<vmem>> -> memref<1x128xi32, #tpu.memory_space<vmem>>
      %dma_wait3A_186 = tpu.memref_squeeze %dma_wait3A_185 : memref<1x128xi32, #tpu.memory_space<vmem>> -> memref<128xi32, #tpu.memory_space<vmem>>
      %dma_wait3A_187 = arith.constant 0 : i32
      %dma_wait3A_188 = tpu.memref_slice %arg11[%dma_wait3A_187] : memref<10240xf32, #tpu.memory_space<vmem_shared>> -> memref<10240xf32, #tpu.memory_space<vmem_shared>>
      tpu.wait_indirect_dma semaphore(%arg12 : memref<!tpu.dma_semaphore, #tpu.memory_space<semaphore_mem>>) src(%arg9 : memref<128xf32, #tpu.memory_space<vmem>>) dst(%dma_wait3A_188 : memref<10240xf32, #tpu.memory_space<vmem_shared>>)
      %mul3A_189 = arith.constant 8 : i32
      %mul3A_190 = arith.muli %scan3A_21, %mul3A_189 : i32
      %add3A_191 = arith.constant 4 : i32
      %add3A_192 = arith.addi %mul3A_190, %add3A_191 : i32
      %dma_wait3A_193 = arith.constant 0 : i32
      %dma_wait3A_194 = tpu.memref_slice %arg7[%add3A_192, %dma_wait3A_193] : memref<80x128xi32, #tpu.memory_space<vmem>> -> memref<1x128xi32, #tpu.memory_space<vmem>>
      %dma_wait3A_195 = tpu.memref_squeeze %dma_wait3A_194 : memref<1x128xi32, #tpu.memory_space<vmem>> -> memref<128xi32, #tpu.memory_space<vmem>>
      %dma_wait3A_196 = arith.constant 0 : i32
      %dma_wait3A_197 = tpu.memref_slice %arg10[%dma_wait3A_196] : memref<10240xf32, #tpu.memory_space<vmem_shared>> -> memref<10240xf32, #tpu.memory_space<vmem_shared>>
      tpu.wait_indirect_dma semaphore(%arg12 : memref<!tpu.dma_semaphore, #tpu.memory_space<semaphore_mem>>) src(%arg9 : memref<128xf32, #tpu.memory_space<vmem>>) dst(%dma_wait3A_197 : memref<10240xf32, #tpu.memory_space<vmem_shared>>)
      %dma_wait3A_198 = arith.constant 0 : i32
      %dma_wait3A_199 = tpu.memref_slice %arg8[%add3A_192, %dma_wait3A_198] : memref<80x128xi32, #tpu.memory_space<vmem>> -> memref<1x128xi32, #tpu.memory_space<vmem>>
      %dma_wait3A_200 = tpu.memref_squeeze %dma_wait3A_199 : memref<1x128xi32, #tpu.memory_space<vmem>> -> memref<128xi32, #tpu.memory_space<vmem>>
      %dma_wait3A_201 = arith.constant 0 : i32
      %dma_wait3A_202 = tpu.memref_slice %arg11[%dma_wait3A_201] : memref<10240xf32, #tpu.memory_space<vmem_shared>> -> memref<10240xf32, #tpu.memory_space<vmem_shared>>
      tpu.wait_indirect_dma semaphore(%arg12 : memref<!tpu.dma_semaphore, #tpu.memory_space<semaphore_mem>>) src(%arg9 : memref<128xf32, #tpu.memory_space<vmem>>) dst(%dma_wait3A_202 : memref<10240xf32, #tpu.memory_space<vmem_shared>>)
      %mul3A_203 = arith.constant 8 : i32
      %mul3A_204 = arith.muli %scan3A_21, %mul3A_203 : i32
      %add3A_205 = arith.constant 5 : i32
      %add3A_206 = arith.addi %mul3A_204, %add3A_205 : i32
      %dma_wait3A_207 = arith.constant 0 : i32
      %dma_wait3A_208 = tpu.memref_slice %arg7[%add3A_206, %dma_wait3A_207] : memref<80x128xi32, #tpu.memory_space<vmem>> -> memref<1x128xi32, #tpu.memory_space<vmem>>
      %dma_wait3A_209 = tpu.memref_squeeze %dma_wait3A_208 : memref<1x128xi32, #tpu.memory_space<vmem>> -> memref<128xi32, #tpu.memory_space<vmem>>
      %dma_wait3A_210 = arith.constant 0 : i32
      %dma_wait3A_211 = tpu.memref_slice %arg10[%dma_wait3A_210] : memref<10240xf32, #tpu.memory_space<vmem_shared>> -> memref<10240xf32, #tpu.memory_space<vmem_shared>>
      tpu.wait_indirect_dma semaphore(%arg12 : memref<!tpu.dma_semaphore, #tpu.memory_space<semaphore_mem>>) src(%arg9 : memref<128xf32, #tpu.memory_space<vmem>>) dst(%dma_wait3A_211 : memref<10240xf32, #tpu.memory_space<vmem_shared>>)
      %dma_wait3A_212 = arith.constant 0 : i32
      %dma_wait3A_213 = tpu.memref_slice %arg8[%add3A_206, %dma_wait3A_212] : memref<80x128xi32, #tpu.memory_space<vmem>> -> memref<1x128xi32, #tpu.memory_space<vmem>>
      %dma_wait3A_214 = tpu.memref_squeeze %dma_wait3A_213 : memref<1x128xi32, #tpu.memory_space<vmem>> -> memref<128xi32, #tpu.memory_space<vmem>>
      %dma_wait3A_215 = arith.constant 0 : i32
      %dma_wait3A_216 = tpu.memref_slice %arg11[%dma_wait3A_215] : memref<10240xf32, #tpu.memory_space<vmem_shared>> -> memref<10240xf32, #tpu.memory_space<vmem_shared>>
      tpu.wait_indirect_dma semaphore(%arg12 : memref<!tpu.dma_semaphore, #tpu.memory_space<semaphore_mem>>) src(%arg9 : memref<128xf32, #tpu.memory_space<vmem>>) dst(%dma_wait3A_216 : memref<10240xf32, #tpu.memory_space<vmem_shared>>)
      %mul3A_217 = arith.constant 8 : i32
      %mul3A_218 = arith.muli %scan3A_21, %mul3A_217 : i32
      %add3A_219 = arith.constant 6 : i32
      %add3A_220 = arith.addi %mul3A_218, %add3A_219 : i32
      %dma_wait3A_221 = arith.constant 0 : i32
      %dma_wait3A_222 = tpu.memref_slice %arg7[%add3A_220, %dma_wait3A_221] : memref<80x128xi32, #tpu.memory_space<vmem>> -> memref<1x128xi32, #tpu.memory_space<vmem>>
      %dma_wait3A_223 = tpu.memref_squeeze %dma_wait3A_222 : memref<1x128xi32, #tpu.memory_space<vmem>> -> memref<128xi32, #tpu.memory_space<vmem>>
      %dma_wait3A_224 = arith.constant 0 : i32
      %dma_wait3A_225 = tpu.memref_slice %arg10[%dma_wait3A_224] : memref<10240xf32, #tpu.memory_space<vmem_shared>> -> memref<10240xf32, #tpu.memory_space<vmem_shared>>
      tpu.wait_indirect_dma semaphore(%arg12 : memref<!tpu.dma_semaphore, #tpu.memory_space<semaphore_mem>>) src(%arg9 : memref<128xf32, #tpu.memory_space<vmem>>) dst(%dma_wait3A_225 : memref<10240xf32, #tpu.memory_space<vmem_shared>>)
      %dma_wait3A_226 = arith.constant 0 : i32
      %dma_wait3A_227 = tpu.memref_slice %arg8[%add3A_220, %dma_wait3A_226] : memref<80x128xi32, #tpu.memory_space<vmem>> -> memref<1x128xi32, #tpu.memory_space<vmem>>
      %dma_wait3A_228 = tpu.memref_squeeze %dma_wait3A_227 : memref<1x128xi32, #tpu.memory_space<vmem>> -> memref<128xi32, #tpu.memory_space<vmem>>
      %dma_wait3A_229 = arith.constant 0 : i32
      %dma_wait3A_230 = tpu.memref_slice %arg11[%dma_wait3A_229] : memref<10240xf32, #tpu.memory_space<vmem_shared>> -> memref<10240xf32, #tpu.memory_space<vmem_shared>>
      tpu.wait_indirect_dma semaphore(%arg12 : memref<!tpu.dma_semaphore, #tpu.memory_space<semaphore_mem>>) src(%arg9 : memref<128xf32, #tpu.memory_space<vmem>>) dst(%dma_wait3A_230 : memref<10240xf32, #tpu.memory_space<vmem_shared>>)
      %mul3A_231 = arith.constant 8 : i32
      %mul3A_232 = arith.muli %scan3A_21, %mul3A_231 : i32
      %add3A_233 = arith.constant 7 : i32
      %add3A_234 = arith.addi %mul3A_232, %add3A_233 : i32
      %dma_wait3A_235 = arith.constant 0 : i32
      %dma_wait3A_236 = tpu.memref_slice %arg7[%add3A_234, %dma_wait3A_235] : memref<80x128xi32, #tpu.memory_space<vmem>> -> memref<1x128xi32, #tpu.memory_space<vmem>>
      %dma_wait3A_237 = tpu.memref_squeeze %dma_wait3A_236 : memref<1x128xi32, #tpu.memory_space<vmem>> -> memref<128xi32, #tpu.memory_space<vmem>>
      %dma_wait3A_238 = arith.constant 0 : i32
      %dma_wait3A_239 = tpu.memref_slice %arg10[%dma_wait3A_238] : memref<10240xf32, #tpu.memory_space<vmem_shared>> -> memref<10240xf32, #tpu.memory_space<vmem_shared>>
      tpu.wait_indirect_dma semaphore(%arg12 : memref<!tpu.dma_semaphore, #tpu.memory_space<semaphore_mem>>) src(%arg9 : memref<128xf32, #tpu.memory_space<vmem>>) dst(%dma_wait3A_239 : memref<10240xf32, #tpu.memory_space<vmem_shared>>)
      %dma_wait3A_240 = arith.constant 0 : i32
      %dma_wait3A_241 = tpu.memref_slice %arg8[%add3A_234, %dma_wait3A_240] : memref<80x128xi32, #tpu.memory_space<vmem>> -> memref<1x128xi32, #tpu.memory_space<vmem>>
      %dma_wait3A_242 = tpu.memref_squeeze %dma_wait3A_241 : memref<1x128xi32, #tpu.memory_space<vmem>> -> memref<128xi32, #tpu.memory_space<vmem>>
      %dma_wait3A_243 = arith.constant 0 : i32
      %dma_wait3A_244 = tpu.memref_slice %arg11[%dma_wait3A_243] : memref<10240xf32, #tpu.memory_space<vmem_shared>> -> memref<10240xf32, #tpu.memory_space<vmem_shared>>
      tpu.wait_indirect_dma semaphore(%arg12 : memref<!tpu.dma_semaphore, #tpu.memory_space<semaphore_mem>>) src(%arg9 : memref<128xf32, #tpu.memory_space<vmem>>) dst(%dma_wait3A_244 : memref<10240xf32, #tpu.memory_space<vmem_shared>>)
      %scan3A_245 = arith.constant 0 : i32
      scf.yield %scan3A_245 : i32
    }
    %scan3A_19 = arith.constant 10 : i32
    %barrier3A_20 = arith.constant 0 : index
    tpu.barrier barrier_id(%barrier3A_20)
    "tpu.region"() ({
      %run_scoped3A = tpu.sem_alloc : memref<!tpu.dma_semaphore, #tpu.memory_space<semaphore_mem>>
      %dma_start3A = tpu.memref_slice %arg5[%arg0, %mul3A_8] : memref<2x10240xf32, #tpu.memory_space<hbm>> -> memref<1x640xf32, #tpu.memory_space<hbm>>
      %dma_start3A_21 = tpu.memref_squeeze %dma_start3A : memref<1x640xf32, #tpu.memory_space<hbm>> -> memref<640xf32, #tpu.memory_space<hbm>>
      %dma_start3A_22 = tpu.memref_slice %arg10[%mul3A_8] : memref<10240xf32, #tpu.memory_space<vmem_shared>> -> memref<640xf32, #tpu.memory_space<vmem_shared>>
      tpu.enqueue_dma source(%dma_start3A_22 : memref<640xf32, #tpu.memory_space<vmem_shared>>) target(%dma_start3A_21 : memref<640xf32, #tpu.memory_space<hbm>>) target_semaphore(%run_scoped3A : memref<!tpu.dma_semaphore, #tpu.memory_space<semaphore_mem>>)
      %dma_wait3A = tpu.memref_slice %arg5[%arg0, %mul3A_8] : memref<2x10240xf32, #tpu.memory_space<hbm>> -> memref<1x640xf32, #tpu.memory_space<hbm>>
      %dma_wait3A_23 = tpu.memref_squeeze %dma_wait3A : memref<1x640xf32, #tpu.memory_space<hbm>> -> memref<640xf32, #tpu.memory_space<hbm>>
      %dma_wait3A_24 = tpu.memref_slice %arg10[%mul3A_8] : memref<10240xf32, #tpu.memory_space<vmem_shared>> -> memref<640xf32, #tpu.memory_space<vmem_shared>>
      tpu.wait_dma2 semaphore(%run_scoped3A : memref<!tpu.dma_semaphore, #tpu.memory_space<semaphore_mem>>) src(%dma_wait3A_24 : memref<640xf32, #tpu.memory_space<vmem_shared>>) dst(%dma_wait3A_23 : memref<640xf32, #tpu.memory_space<hbm>>)
      tpu.yield
    }) : () -> ()
    "tpu.region"() ({
      %run_scoped3A = tpu.sem_alloc : memref<!tpu.dma_semaphore, #tpu.memory_space<semaphore_mem>>
      %dma_start3A = tpu.memref_slice %arg6[%arg0, %mul3A_8] : memref<2x10240xf32, #tpu.memory_space<hbm>> -> memref<1x640xf32, #tpu.memory_space<hbm>>
      %dma_start3A_21 = tpu.memref_squeeze %dma_start3A : memref<1x640xf32, #tpu.memory_space<hbm>> -> memref<640xf32, #tpu.memory_space<hbm>>
      %dma_start3A_22 = tpu.memref_slice %arg11[%mul3A_8] : memref<10240xf32, #tpu.memory_space<vmem_shared>> -> memref<640xf32, #tpu.memory_space<vmem_shared>>
      tpu.enqueue_dma source(%dma_start3A_22 : memref<640xf32, #tpu.memory_space<vmem_shared>>) target(%dma_start3A_21 : memref<640xf32, #tpu.memory_space<hbm>>) target_semaphore(%run_scoped3A : memref<!tpu.dma_semaphore, #tpu.memory_space<semaphore_mem>>)
      %dma_wait3A = tpu.memref_slice %arg6[%arg0, %mul3A_8] : memref<2x10240xf32, #tpu.memory_space<hbm>> -> memref<1x640xf32, #tpu.memory_space<hbm>>
      %dma_wait3A_23 = tpu.memref_squeeze %dma_wait3A : memref<1x640xf32, #tpu.memory_space<hbm>> -> memref<640xf32, #tpu.memory_space<hbm>>
      %dma_wait3A_24 = tpu.memref_slice %arg11[%mul3A_8] : memref<10240xf32, #tpu.memory_space<vmem_shared>> -> memref<640xf32, #tpu.memory_space<vmem_shared>>
      tpu.wait_dma2 semaphore(%run_scoped3A : memref<!tpu.dma_semaphore, #tpu.memory_space<semaphore_mem>>) src(%dma_wait3A_24 : memref<640xf32, #tpu.memory_space<vmem_shared>>) dst(%dma_wait3A_23 : memref<640xf32, #tpu.memory_space<hbm>>)
      tpu.yield
    }) : () -> ()
    return
  }
}

#map = affine_map<(d0, d1) -> (0, 0)>
#map1 = affine_map<(d0, d1) -> (0)>
#map2 = affine_map<(d0, d1) -> (0, 0, 0)>
module attributes {stable_mosaic.version = 14 : i64} {
  func.func @_sc_scatter(%arg0: i32, %arg1: i32, %arg2: memref<10240x128xf32, #tpu.memory_space<hbm>>, %arg3: memref<2560x128xi32, #tpu.memory_space<hbm>>, %arg4: memref<2560x128xi32, #tpu.memory_space<hbm>>, %arg5: memref<10240xf32, #tpu.memory_space<hbm>>, %arg6: memref<10240x128xf32, #tpu.memory_space<hbm>>, %arg7: memref<10240xf32, #tpu.memory_space<hbm>>, %arg8: memref<2x10240x128xf32, #tpu.memory_space<hbm>>, %arg9: memref<2x10240xf32, #tpu.memory_space<hbm>>, %arg10: memref<40x128xi32, #tpu.memory_space<vmem>>, %arg11: memref<40x128xi32, #tpu.memory_space<vmem>>, %arg12: memref<2x128x128xf32, #tpu.memory_space<vmem>>, %arg13: memref<2x128xf32, #tpu.memory_space<vmem>>, %arg14: memref<10240x128xf32, #tpu.memory_space<vmem_shared>>, %arg15: memref<10240xf32, #tpu.memory_space<vmem_shared>>, %arg16: memref<!tpu.dma_semaphore, #tpu.memory_space<semaphore_mem>>, %arg17: memref<!tpu.dma_semaphore, #tpu.memory_space<semaphore_mem>>, %arg18: memref<!tpu.dma_semaphore, #tpu.memory_space<semaphore_mem>>, %arg19: memref<!tpu.dma_semaphore, #tpu.memory_space<semaphore_mem>>, %arg20: memref<!tpu.dma_semaphore, #tpu.memory_space<semaphore_mem>>, %arg21: memref<!tpu.dma_semaphore, #tpu.memory_space<semaphore_mem>>, %arg22: memref<!tpu.dma_semaphore, #tpu.memory_space<semaphore_mem>>, %arg23: memref<!tpu.dma_semaphore, #tpu.memory_space<semaphore_mem>>) attributes {dimension_semantics = [#tpu.dimension_semantics<core_parallel>, #tpu.dimension_semantics<subcore_parallel>], iteration_bounds = array<i64: 2, 16>, scalar_prefetch = 0 : i64, scratch_operands = 14 : i64, tpu.core_type = #tpu.core_type<sc_vector_subcore>, window_params = [{transform_indices = #map}, {transform_indices = #map}, {transform_indices = #map}, {transform_indices = #map1}, {transform_indices = #map}, {transform_indices = #map1}, {transform_indices = #map2}, {transform_indices = #map}]} {
    %mul3A = arith.constant 16 : i32
    %mul3A_0 = arith.muli %arg0, %mul3A : i32
    %add3A = arith.addi %mul3A_0, %arg1 : i32
    %mul3A_1 = arith.constant 640 : i32
    %mul3A_2 = arith.muli %arg1, %mul3A_1 : i32
    "tpu.region"() ({
      %run_scoped3A = tpu.sem_alloc : memref<!tpu.dma_semaphore, #tpu.memory_space<semaphore_mem>>
      %dma_start3A_219 = arith.constant 0 : i32
      %dma_start3A_220 = tpu.memref_slice %arg14[%mul3A_2, %dma_start3A_219] : memref<10240x128xf32, #tpu.memory_space<vmem_shared>> -> memref<640x128xf32, #tpu.memory_space<vmem_shared>>
      %dma_start3A_221 = arith.constant 0 : i32
      %dma_start3A_222 = tpu.memref_slice %arg6[%mul3A_2, %dma_start3A_221] : memref<10240x128xf32, #tpu.memory_space<hbm>> -> memref<640x128xf32, #tpu.memory_space<hbm>>
      tpu.enqueue_dma source(%dma_start3A_222 : memref<640x128xf32, #tpu.memory_space<hbm>>) target(%dma_start3A_220 : memref<640x128xf32, #tpu.memory_space<vmem_shared>>) target_semaphore(%run_scoped3A : memref<!tpu.dma_semaphore, #tpu.memory_space<semaphore_mem>>)
      %dma_wait3A_223 = arith.constant 0 : i32
      %dma_wait3A_224 = tpu.memref_slice %arg14[%mul3A_2, %dma_wait3A_223] : memref<10240x128xf32, #tpu.memory_space<vmem_shared>> -> memref<640x128xf32, #tpu.memory_space<vmem_shared>>
      %dma_wait3A_225 = arith.constant 0 : i32
      %dma_wait3A_226 = tpu.memref_slice %arg6[%mul3A_2, %dma_wait3A_225] : memref<10240x128xf32, #tpu.memory_space<hbm>> -> memref<640x128xf32, #tpu.memory_space<hbm>>
      tpu.wait_dma2 semaphore(%run_scoped3A : memref<!tpu.dma_semaphore, #tpu.memory_space<semaphore_mem>>) src(%dma_wait3A_226 : memref<640x128xf32, #tpu.memory_space<hbm>>) dst(%dma_wait3A_224 : memref<640x128xf32, #tpu.memory_space<vmem_shared>>)
      tpu.yield
    }) : () -> ()
    "tpu.region"() ({
      %run_scoped3A = tpu.sem_alloc : memref<!tpu.dma_semaphore, #tpu.memory_space<semaphore_mem>>
      %dma_start3A_219 = tpu.memref_slice %arg15[%mul3A_2] : memref<10240xf32, #tpu.memory_space<vmem_shared>> -> memref<640xf32, #tpu.memory_space<vmem_shared>>
      %dma_start3A_220 = tpu.memref_slice %arg7[%mul3A_2] : memref<10240xf32, #tpu.memory_space<hbm>> -> memref<640xf32, #tpu.memory_space<hbm>>
      tpu.enqueue_dma source(%dma_start3A_220 : memref<640xf32, #tpu.memory_space<hbm>>) target(%dma_start3A_219 : memref<640xf32, #tpu.memory_space<vmem_shared>>) target_semaphore(%run_scoped3A : memref<!tpu.dma_semaphore, #tpu.memory_space<semaphore_mem>>)
      %dma_wait3A_221 = tpu.memref_slice %arg15[%mul3A_2] : memref<10240xf32, #tpu.memory_space<vmem_shared>> -> memref<640xf32, #tpu.memory_space<vmem_shared>>
      %dma_wait3A_222 = tpu.memref_slice %arg7[%mul3A_2] : memref<10240xf32, #tpu.memory_space<hbm>> -> memref<640xf32, #tpu.memory_space<hbm>>
      tpu.wait_dma2 semaphore(%run_scoped3A : memref<!tpu.dma_semaphore, #tpu.memory_space<semaphore_mem>>) src(%dma_wait3A_222 : memref<640xf32, #tpu.memory_space<hbm>>) dst(%dma_wait3A_221 : memref<640xf32, #tpu.memory_space<vmem_shared>>)
      tpu.yield
    }) : () -> ()
    %barrier3A = arith.constant 0 : index
    tpu.barrier barrier_id(%barrier3A)
    %mul3A_3 = arith.constant 80 : i32
    %mul3A_4 = arith.muli %add3A, %mul3A_3 : i32
    %add3A_5 = arith.constant 0 : i32
    %add3A_6 = arith.addi %mul3A_4, %add3A_5 : i32
    "tpu.region"() ({
      %run_scoped3A = tpu.sem_alloc : memref<!tpu.dma_semaphore, #tpu.memory_space<semaphore_mem>>
      %dma_start3A_219 = arith.constant 0 : i32
      %dma_start3A_220 = tpu.memref_slice %arg3[%add3A_6, %dma_start3A_219] : memref<2560x128xi32, #tpu.memory_space<hbm>> -> memref<40x128xi32, #tpu.memory_space<hbm>>
      %dma_start3A_221 = arith.constant 0 : i32
      %dma_start3A_222 = tpu.memref_slice %arg3[%add3A_6, %dma_start3A_221] : memref<2560x128xi32, #tpu.memory_space<hbm>> -> memref<40x128xi32, #tpu.memory_space<hbm>>
      tpu.enqueue_dma source(%dma_start3A_222 : memref<40x128xi32, #tpu.memory_space<hbm>>) target(%arg10 : memref<40x128xi32, #tpu.memory_space<vmem>>) target_semaphore(%run_scoped3A : memref<!tpu.dma_semaphore, #tpu.memory_space<semaphore_mem>>)
      %dma_wait3A_223 = arith.constant 0 : i32
      %dma_wait3A_224 = tpu.memref_slice %arg3[%add3A_6, %dma_wait3A_223] : memref<2560x128xi32, #tpu.memory_space<hbm>> -> memref<40x128xi32, #tpu.memory_space<hbm>>
      %dma_wait3A_225 = arith.constant 0 : i32
      %dma_wait3A_226 = tpu.memref_slice %arg3[%add3A_6, %dma_wait3A_225] : memref<2560x128xi32, #tpu.memory_space<hbm>> -> memref<40x128xi32, #tpu.memory_space<hbm>>
      tpu.wait_dma2 semaphore(%run_scoped3A : memref<!tpu.dma_semaphore, #tpu.memory_space<semaphore_mem>>) src(%dma_wait3A_226 : memref<40x128xi32, #tpu.memory_space<hbm>>) dst(%arg10 : memref<40x128xi32, #tpu.memory_space<vmem>>)
      tpu.yield
    }) : () -> ()
    %mul3A_7 = arith.constant 80 : i32
    %mul3A_8 = arith.muli %add3A, %mul3A_7 : i32
    %add3A_9 = arith.constant 0 : i32
    %add3A_10 = arith.addi %mul3A_8, %add3A_9 : i32
    "tpu.region"() ({
      %run_scoped3A = tpu.sem_alloc : memref<!tpu.dma_semaphore, #tpu.memory_space<semaphore_mem>>
      %dma_start3A_219 = arith.constant 0 : i32
      %dma_start3A_220 = tpu.memref_slice %arg4[%add3A_10, %dma_start3A_219] : memref<2560x128xi32, #tpu.memory_space<hbm>> -> memref<40x128xi32, #tpu.memory_space<hbm>>
      %dma_start3A_221 = arith.constant 0 : i32
      %dma_start3A_222 = tpu.memref_slice %arg4[%add3A_10, %dma_start3A_221] : memref<2560x128xi32, #tpu.memory_space<hbm>> -> memref<40x128xi32, #tpu.memory_space<hbm>>
      tpu.enqueue_dma source(%dma_start3A_222 : memref<40x128xi32, #tpu.memory_space<hbm>>) target(%arg11 : memref<40x128xi32, #tpu.memory_space<vmem>>) target_semaphore(%run_scoped3A : memref<!tpu.dma_semaphore, #tpu.memory_space<semaphore_mem>>)
      %dma_wait3A_223 = arith.constant 0 : i32
      %dma_wait3A_224 = tpu.memref_slice %arg4[%add3A_10, %dma_wait3A_223] : memref<2560x128xi32, #tpu.memory_space<hbm>> -> memref<40x128xi32, #tpu.memory_space<hbm>>
      %dma_wait3A_225 = arith.constant 0 : i32
      %dma_wait3A_226 = tpu.memref_slice %arg4[%add3A_10, %dma_wait3A_225] : memref<2560x128xi32, #tpu.memory_space<hbm>> -> memref<40x128xi32, #tpu.memory_space<hbm>>
      tpu.wait_dma2 semaphore(%run_scoped3A : memref<!tpu.dma_semaphore, #tpu.memory_space<semaphore_mem>>) src(%dma_wait3A_226 : memref<40x128xi32, #tpu.memory_space<hbm>>) dst(%arg11 : memref<40x128xi32, #tpu.memory_space<vmem>>)
      tpu.yield
    }) : () -> ()
    %dma_start3A = arith.constant 0 : i32
    %dma_start3A_11 = arith.constant 0 : i32
    %dma_start3A_12 = arith.constant 0 : i32
    %dma_start3A_13 = arith.constant 0 : i32
    %dma_start3A_14 = tpu.memref_slice %arg12[%dma_start3A_11, %dma_start3A_12, %dma_start3A_13] : memref<2x128x128xf32, #tpu.memory_space<vmem>> -> memref<1x128x128xf32, #tpu.memory_space<vmem>>
    %dma_start3A_15 = tpu.memref_squeeze %dma_start3A_14 : memref<1x128x128xf32, #tpu.memory_space<vmem>> -> memref<128x128xf32, #tpu.memory_space<vmem>>
    %dma_start3A_16 = arith.constant 0 : i32
    %dma_start3A_17 = tpu.memref_slice %arg10[%dma_start3A, %dma_start3A_16] : memref<40x128xi32, #tpu.memory_space<vmem>> -> memref<1x128xi32, #tpu.memory_space<vmem>>
    %dma_start3A_18 = tpu.memref_squeeze %dma_start3A_17 : memref<1x128xi32, #tpu.memory_space<vmem>> -> memref<128xi32, #tpu.memory_space<vmem>>
    %dma_start3A_19 = arith.constant 0 : i32
    %dma_start3A_20 = arith.constant 0 : i32
    %dma_start3A_21 = tpu.memref_slice %arg2[%dma_start3A_19, %dma_start3A_20] : memref<10240x128xf32, #tpu.memory_space<hbm>> -> memref<10240x128xf32, #tpu.memory_space<hbm>>
    tpu.enqueue_indirect_dma source(%dma_start3A_21 : memref<10240x128xf32, #tpu.memory_space<hbm>>) target(%dma_start3A_15 : memref<128x128xf32, #tpu.memory_space<vmem>>) offsets(%dma_start3A_18 : memref<128xi32, #tpu.memory_space<vmem>>) semaphore(%arg16 : memref<!tpu.dma_semaphore, #tpu.memory_space<semaphore_mem>>)
    %dma_start3A_22 = arith.constant 0 : i32
    %dma_start3A_23 = arith.constant 0 : i32
    %dma_start3A_24 = arith.constant 0 : i32
    %dma_start3A_25 = tpu.memref_slice %arg13[%dma_start3A_23, %dma_start3A_24] : memref<2x128xf32, #tpu.memory_space<vmem>> -> memref<1x128xf32, #tpu.memory_space<vmem>>
    %dma_start3A_26 = tpu.memref_squeeze %dma_start3A_25 : memref<1x128xf32, #tpu.memory_space<vmem>> -> memref<128xf32, #tpu.memory_space<vmem>>
    %dma_start3A_27 = arith.constant 0 : i32
    %dma_start3A_28 = tpu.memref_slice %arg11[%dma_start3A_22, %dma_start3A_27] : memref<40x128xi32, #tpu.memory_space<vmem>> -> memref<1x128xi32, #tpu.memory_space<vmem>>
    %dma_start3A_29 = tpu.memref_squeeze %dma_start3A_28 : memref<1x128xi32, #tpu.memory_space<vmem>> -> memref<128xi32, #tpu.memory_space<vmem>>
    %dma_start3A_30 = arith.constant 0 : i32
    %dma_start3A_31 = tpu.memref_slice %arg5[%dma_start3A_30] : memref<10240xf32, #tpu.memory_space<hbm>> -> memref<10240xf32, #tpu.memory_space<hbm>>
    tpu.enqueue_indirect_dma source(%dma_start3A_31 : memref<10240xf32, #tpu.memory_space<hbm>>) target(%dma_start3A_26 : memref<128xf32, #tpu.memory_space<vmem>>) offsets(%dma_start3A_29 : memref<128xi32, #tpu.memory_space<vmem>>) semaphore(%arg18 : memref<!tpu.dma_semaphore, #tpu.memory_space<semaphore_mem>>)
    %dma_start3A_32 = arith.constant 1 : i32
    %dma_start3A_33 = arith.constant 1 : i32
    %dma_start3A_34 = arith.constant 0 : i32
    %dma_start3A_35 = arith.constant 0 : i32
    %dma_start3A_36 = tpu.memref_slice %arg12[%dma_start3A_33, %dma_start3A_34, %dma_start3A_35] : memref<2x128x128xf32, #tpu.memory_space<vmem>> -> memref<1x128x128xf32, #tpu.memory_space<vmem>>
    %dma_start3A_37 = tpu.memref_squeeze %dma_start3A_36 : memref<1x128x128xf32, #tpu.memory_space<vmem>> -> memref<128x128xf32, #tpu.memory_space<vmem>>
    %dma_start3A_38 = arith.constant 0 : i32
    %dma_start3A_39 = tpu.memref_slice %arg10[%dma_start3A_32, %dma_start3A_38] : memref<40x128xi32, #tpu.memory_space<vmem>> -> memref<1x128xi32, #tpu.memory_space<vmem>>
    %dma_start3A_40 = tpu.memref_squeeze %dma_start3A_39 : memref<1x128xi32, #tpu.memory_space<vmem>> -> memref<128xi32, #tpu.memory_space<vmem>>
    %dma_start3A_41 = arith.constant 0 : i32
    %dma_start3A_42 = arith.constant 0 : i32
    %dma_start3A_43 = tpu.memref_slice %arg2[%dma_start3A_41, %dma_start3A_42] : memref<10240x128xf32, #tpu.memory_space<hbm>> -> memref<10240x128xf32, #tpu.memory_space<hbm>>
    tpu.enqueue_indirect_dma source(%dma_start3A_43 : memref<10240x128xf32, #tpu.memory_space<hbm>>) target(%dma_start3A_37 : memref<128x128xf32, #tpu.memory_space<vmem>>) offsets(%dma_start3A_40 : memref<128xi32, #tpu.memory_space<vmem>>) semaphore(%arg17 : memref<!tpu.dma_semaphore, #tpu.memory_space<semaphore_mem>>)
    %dma_start3A_44 = arith.constant 1 : i32
    %dma_start3A_45 = arith.constant 1 : i32
    %dma_start3A_46 = arith.constant 0 : i32
    %dma_start3A_47 = tpu.memref_slice %arg13[%dma_start3A_45, %dma_start3A_46] : memref<2x128xf32, #tpu.memory_space<vmem>> -> memref<1x128xf32, #tpu.memory_space<vmem>>
    %dma_start3A_48 = tpu.memref_squeeze %dma_start3A_47 : memref<1x128xf32, #tpu.memory_space<vmem>> -> memref<128xf32, #tpu.memory_space<vmem>>
    %dma_start3A_49 = arith.constant 0 : i32
    %dma_start3A_50 = tpu.memref_slice %arg11[%dma_start3A_44, %dma_start3A_49] : memref<40x128xi32, #tpu.memory_space<vmem>> -> memref<1x128xi32, #tpu.memory_space<vmem>>
    %dma_start3A_51 = tpu.memref_squeeze %dma_start3A_50 : memref<1x128xi32, #tpu.memory_space<vmem>> -> memref<128xi32, #tpu.memory_space<vmem>>
    %dma_start3A_52 = arith.constant 0 : i32
    %dma_start3A_53 = tpu.memref_slice %arg5[%dma_start3A_52] : memref<10240xf32, #tpu.memory_space<hbm>> -> memref<10240xf32, #tpu.memory_space<hbm>>
    tpu.enqueue_indirect_dma source(%dma_start3A_53 : memref<10240xf32, #tpu.memory_space<hbm>>) target(%dma_start3A_48 : memref<128xf32, #tpu.memory_space<vmem>>) offsets(%dma_start3A_51 : memref<128xi32, #tpu.memory_space<vmem>>) semaphore(%arg19 : memref<!tpu.dma_semaphore, #tpu.memory_space<semaphore_mem>>)
    %scan3A = arith.constant 0 : i32
    %scan3A_54 = arith.constant 0 : i32
    %scan3A_55 = arith.constant 20 : i32
    %scan3A_56 = arith.addi %scan3A_54, %scan3A_55 : i32
    %scan3A_57 = arith.constant 1 : i32
    %scan3A_58 = scf.for %scan3A_219 = %scan3A_54 to %scan3A_56 step %scan3A_57 iter_args(%scan3A_220 = %scan3A) -> (i32)  : i32 {
      %mul3A_221 = arith.constant 2 : i32
      %mul3A_222 = arith.muli %scan3A_219, %mul3A_221 : i32
      %add3A_223 = arith.constant 0 : i32
      %add3A_224 = arith.addi %mul3A_222, %add3A_223 : i32
      %dma_wait3A_225 = arith.constant 0 : i32
      %dma_wait3A_226 = arith.constant 0 : i32
      %dma_wait3A_227 = arith.constant 0 : i32
      %dma_wait3A_228 = tpu.memref_slice %arg12[%dma_wait3A_225, %dma_wait3A_226, %dma_wait3A_227] : memref<2x128x128xf32, #tpu.memory_space<vmem>> -> memref<1x128x128xf32, #tpu.memory_space<vmem>>
      %dma_wait3A_229 = tpu.memref_squeeze %dma_wait3A_228 : memref<1x128x128xf32, #tpu.memory_space<vmem>> -> memref<128x128xf32, #tpu.memory_space<vmem>>
      %dma_wait3A_230 = arith.constant 0 : i32
      %dma_wait3A_231 = tpu.memref_slice %arg10[%add3A_224, %dma_wait3A_230] : memref<40x128xi32, #tpu.memory_space<vmem>> -> memref<1x128xi32, #tpu.memory_space<vmem>>
      %dma_wait3A_232 = tpu.memref_squeeze %dma_wait3A_231 : memref<1x128xi32, #tpu.memory_space<vmem>> -> memref<128xi32, #tpu.memory_space<vmem>>
      %dma_wait3A_233 = arith.constant 0 : i32
      %dma_wait3A_234 = arith.constant 0 : i32
      %dma_wait3A_235 = tpu.memref_slice %arg2[%dma_wait3A_233, %dma_wait3A_234] : memref<10240x128xf32, #tpu.memory_space<hbm>> -> memref<10240x128xf32, #tpu.memory_space<hbm>>
      tpu.wait_indirect_dma semaphore(%arg16 : memref<!tpu.dma_semaphore, #tpu.memory_space<semaphore_mem>>) src(%dma_wait3A_235 : memref<10240x128xf32, #tpu.memory_space<hbm>>) dst(%dma_wait3A_229 : memref<128x128xf32, #tpu.memory_space<vmem>>)
      %dma_start3A_236 = arith.constant 0 : i32
      %dma_start3A_237 = arith.constant 0 : i32
      %dma_start3A_238 = arith.constant 0 : i32
      %dma_start3A_239 = tpu.memref_slice %arg12[%dma_start3A_236, %dma_start3A_237, %dma_start3A_238] : memref<2x128x128xf32, #tpu.memory_space<vmem>> -> memref<1x128x128xf32, #tpu.memory_space<vmem>>
      %dma_start3A_240 = tpu.memref_squeeze %dma_start3A_239 : memref<1x128x128xf32, #tpu.memory_space<vmem>> -> memref<128x128xf32, #tpu.memory_space<vmem>>
      %dma_start3A_241 = arith.constant 0 : i32
      %dma_start3A_242 = tpu.memref_slice %arg11[%add3A_224, %dma_start3A_241] : memref<40x128xi32, #tpu.memory_space<vmem>> -> memref<1x128xi32, #tpu.memory_space<vmem>>
      %dma_start3A_243 = tpu.memref_squeeze %dma_start3A_242 : memref<1x128xi32, #tpu.memory_space<vmem>> -> memref<128xi32, #tpu.memory_space<vmem>>
      %dma_start3A_244 = arith.constant 0 : i32
      %dma_start3A_245 = arith.constant 0 : i32
      %dma_start3A_246 = tpu.memref_slice %arg14[%dma_start3A_244, %dma_start3A_245] : memref<10240x128xf32, #tpu.memory_space<vmem_shared>> -> memref<10240x128xf32, #tpu.memory_space<vmem_shared>>
      tpu.enqueue_indirect_dma source(%dma_start3A_240 : memref<128x128xf32, #tpu.memory_space<vmem>>) target(%dma_start3A_246 : memref<10240x128xf32, #tpu.memory_space<vmem_shared>>) offsets(%dma_start3A_243 : memref<128xi32, #tpu.memory_space<vmem>>) semaphore(%arg22 : memref<!tpu.dma_semaphore, #tpu.memory_space<semaphore_mem>>) {add = true}
      %dma_wait3A_247 = arith.constant 0 : i32
      %dma_wait3A_248 = arith.constant 0 : i32
      %dma_wait3A_249 = tpu.memref_slice %arg13[%dma_wait3A_247, %dma_wait3A_248] : memref<2x128xf32, #tpu.memory_space<vmem>> -> memref<1x128xf32, #tpu.memory_space<vmem>>
      %dma_wait3A_250 = tpu.memref_squeeze %dma_wait3A_249 : memref<1x128xf32, #tpu.memory_space<vmem>> -> memref<128xf32, #tpu.memory_space<vmem>>
      %dma_wait3A_251 = arith.constant 0 : i32
      %dma_wait3A_252 = tpu.memref_slice %arg11[%add3A_224, %dma_wait3A_251] : memref<40x128xi32, #tpu.memory_space<vmem>> -> memref<1x128xi32, #tpu.memory_space<vmem>>
      %dma_wait3A_253 = tpu.memref_squeeze %dma_wait3A_252 : memref<1x128xi32, #tpu.memory_space<vmem>> -> memref<128xi32, #tpu.memory_space<vmem>>
      %dma_wait3A_254 = arith.constant 0 : i32
      %dma_wait3A_255 = tpu.memref_slice %arg5[%dma_wait3A_254] : memref<10240xf32, #tpu.memory_space<hbm>> -> memref<10240xf32, #tpu.memory_space<hbm>>
      tpu.wait_indirect_dma semaphore(%arg18 : memref<!tpu.dma_semaphore, #tpu.memory_space<semaphore_mem>>) src(%dma_wait3A_255 : memref<10240xf32, #tpu.memory_space<hbm>>) dst(%dma_wait3A_250 : memref<128xf32, #tpu.memory_space<vmem>>)
      %dma_start3A_256 = arith.constant 0 : i32
      %dma_start3A_257 = arith.constant 0 : i32
      %dma_start3A_258 = tpu.memref_slice %arg13[%dma_start3A_256, %dma_start3A_257] : memref<2x128xf32, #tpu.memory_space<vmem>> -> memref<1x128xf32, #tpu.memory_space<vmem>>
      %dma_start3A_259 = tpu.memref_squeeze %dma_start3A_258 : memref<1x128xf32, #tpu.memory_space<vmem>> -> memref<128xf32, #tpu.memory_space<vmem>>
      %dma_start3A_260 = arith.constant 0 : i32
      %dma_start3A_261 = tpu.memref_slice %arg10[%add3A_224, %dma_start3A_260] : memref<40x128xi32, #tpu.memory_space<vmem>> -> memref<1x128xi32, #tpu.memory_space<vmem>>
      %dma_start3A_262 = tpu.memref_squeeze %dma_start3A_261 : memref<1x128xi32, #tpu.memory_space<vmem>> -> memref<128xi32, #tpu.memory_space<vmem>>
      %dma_start3A_263 = arith.constant 0 : i32
      %dma_start3A_264 = tpu.memref_slice %arg15[%dma_start3A_263] : memref<10240xf32, #tpu.memory_space<vmem_shared>> -> memref<10240xf32, #tpu.memory_space<vmem_shared>>
      tpu.enqueue_indirect_dma source(%dma_start3A_259 : memref<128xf32, #tpu.memory_space<vmem>>) target(%dma_start3A_264 : memref<10240xf32, #tpu.memory_space<vmem_shared>>) offsets(%dma_start3A_262 : memref<128xi32, #tpu.memory_space<vmem>>) semaphore(%arg20 : memref<!tpu.dma_semaphore, #tpu.memory_space<semaphore_mem>>) {add = true}
      %add3A_265 = arith.constant 2 : i32
      %add3A_266 = arith.addi %add3A_224, %add3A_265 : i32
      %lt3A = arith.constant 40 : i32
      %lt3A_267 = arith.cmpi slt, %add3A_266, %lt3A : i32
      %convert_element_type3A = arith.extui %lt3A_267 : i1 to i32
      %cond3A = arith.constant 0 : i32
      %cond3A_268 = arith.cmpi ne, %convert_element_type3A, %cond3A : i32
      scf.if %cond3A_268 {
        %dma_wait3A_321 = arith.constant 0 : i32
        %dma_wait3A_322 = arith.constant 0 : i32
        %dma_wait3A_323 = tpu.memref_slice %arg13[%dma_wait3A_321, %dma_wait3A_322] : memref<2x128xf32, #tpu.memory_space<vmem>> -> memref<1x128xf32, #tpu.memory_space<vmem>>
        %dma_wait3A_324 = tpu.memref_squeeze %dma_wait3A_323 : memref<1x128xf32, #tpu.memory_space<vmem>> -> memref<128xf32, #tpu.memory_space<vmem>>
        %dma_wait3A_325 = arith.constant 0 : i32
        %dma_wait3A_326 = tpu.memref_slice %arg10[%add3A_224, %dma_wait3A_325] : memref<40x128xi32, #tpu.memory_space<vmem>> -> memref<1x128xi32, #tpu.memory_space<vmem>>
        %dma_wait3A_327 = tpu.memref_squeeze %dma_wait3A_326 : memref<1x128xi32, #tpu.memory_space<vmem>> -> memref<128xi32, #tpu.memory_space<vmem>>
        %dma_wait3A_328 = arith.constant 0 : i32
        %dma_wait3A_329 = tpu.memref_slice %arg15[%dma_wait3A_328] : memref<10240xf32, #tpu.memory_space<vmem_shared>> -> memref<10240xf32, #tpu.memory_space<vmem_shared>>
        tpu.wait_indirect_dma semaphore(%arg20 : memref<!tpu.dma_semaphore, #tpu.memory_space<semaphore_mem>>) src(%dma_wait3A_324 : memref<128xf32, #tpu.memory_space<vmem>>) dst(%dma_wait3A_329 : memref<10240xf32, #tpu.memory_space<vmem_shared>>)
        %add3A_330 = arith.constant 2 : i32
        %add3A_331 = arith.addi %add3A_224, %add3A_330 : i32
        %dma_start3A_332 = arith.constant 0 : i32
        %dma_start3A_333 = arith.constant 0 : i32
        %dma_start3A_334 = tpu.memref_slice %arg13[%dma_start3A_332, %dma_start3A_333] : memref<2x128xf32, #tpu.memory_space<vmem>> -> memref<1x128xf32, #tpu.memory_space<vmem>>
        %dma_start3A_335 = tpu.memref_squeeze %dma_start3A_334 : memref<1x128xf32, #tpu.memory_space<vmem>> -> memref<128xf32, #tpu.memory_space<vmem>>
        %dma_start3A_336 = arith.constant 0 : i32
        %dma_start3A_337 = tpu.memref_slice %arg11[%add3A_331, %dma_start3A_336] : memref<40x128xi32, #tpu.memory_space<vmem>> -> memref<1x128xi32, #tpu.memory_space<vmem>>
        %dma_start3A_338 = tpu.memref_squeeze %dma_start3A_337 : memref<1x128xi32, #tpu.memory_space<vmem>> -> memref<128xi32, #tpu.memory_space<vmem>>
        %dma_start3A_339 = arith.constant 0 : i32
        %dma_start3A_340 = tpu.memref_slice %arg5[%dma_start3A_339] : memref<10240xf32, #tpu.memory_space<hbm>> -> memref<10240xf32, #tpu.memory_space<hbm>>
        tpu.enqueue_indirect_dma source(%dma_start3A_340 : memref<10240xf32, #tpu.memory_space<hbm>>) target(%dma_start3A_335 : memref<128xf32, #tpu.memory_space<vmem>>) offsets(%dma_start3A_338 : memref<128xi32, #tpu.memory_space<vmem>>) semaphore(%arg18 : memref<!tpu.dma_semaphore, #tpu.memory_space<semaphore_mem>>)
        %dma_wait3A_341 = arith.constant 0 : i32
        %dma_wait3A_342 = arith.constant 0 : i32
        %dma_wait3A_343 = arith.constant 0 : i32
        %dma_wait3A_344 = tpu.memref_slice %arg12[%dma_wait3A_341, %dma_wait3A_342, %dma_wait3A_343] : memref<2x128x128xf32, #tpu.memory_space<vmem>> -> memref<1x128x128xf32, #tpu.memory_space<vmem>>
        %dma_wait3A_345 = tpu.memref_squeeze %dma_wait3A_344 : memref<1x128x128xf32, #tpu.memory_space<vmem>> -> memref<128x128xf32, #tpu.memory_space<vmem>>
        %dma_wait3A_346 = arith.constant 0 : i32
        %dma_wait3A_347 = arith.constant 0 : i32
        %dma_wait3A_348 = tpu.memref_slice %arg14[%dma_wait3A_346, %dma_wait3A_347] : memref<10240x128xf32, #tpu.memory_space<vmem_shared>> -> memref<128x128xf32, #tpu.memory_space<vmem_shared>>
        %dma_wait3A_349 = arith.constant 0 : i32
        %dma_wait3A_350 = arith.constant 0 : i32
        %dma_wait3A_351 = tpu.memref_slice %arg14[%dma_wait3A_349, %dma_wait3A_350] : memref<10240x128xf32, #tpu.memory_space<vmem_shared>> -> memref<128x128xf32, #tpu.memory_space<vmem_shared>>
        %dma_wait3A_352 = arith.constant 0 : i32
        %dma_wait3A_353 = arith.constant 0 : i32
        %dma_wait3A_354 = tpu.memref_slice %arg12[%dma_wait3A_341, %dma_wait3A_352, %dma_wait3A_353] : memref<2x128x128xf32, #tpu.memory_space<vmem>> -> memref<1x128x128xf32, #tpu.memory_space<vmem>>
        %dma_wait3A_355 = tpu.memref_squeeze %dma_wait3A_354 : memref<1x128x128xf32, #tpu.memory_space<vmem>> -> memref<128x128xf32, #tpu.memory_space<vmem>>
        tpu.wait_dma2 semaphore(%arg22 : memref<!tpu.dma_semaphore, #tpu.memory_space<semaphore_mem>>) src(%dma_wait3A_355 : memref<128x128xf32, #tpu.memory_space<vmem>>) dst(%dma_wait3A_351 : memref<128x128xf32, #tpu.memory_space<vmem_shared>>)
        %add3A_356 = arith.constant 2 : i32
        %add3A_357 = arith.addi %add3A_224, %add3A_356 : i32
        %dma_start3A_358 = arith.constant 0 : i32
        %dma_start3A_359 = arith.constant 0 : i32
        %dma_start3A_360 = arith.constant 0 : i32
        %dma_start3A_361 = tpu.memref_slice %arg12[%dma_start3A_358, %dma_start3A_359, %dma_start3A_360] : memref<2x128x128xf32, #tpu.memory_space<vmem>> -> memref<1x128x128xf32, #tpu.memory_space<vmem>>
        %dma_start3A_362 = tpu.memref_squeeze %dma_start3A_361 : memref<1x128x128xf32, #tpu.memory_space<vmem>> -> memref<128x128xf32, #tpu.memory_space<vmem>>
        %dma_start3A_363 = arith.constant 0 : i32
        %dma_start3A_364 = tpu.memref_slice %arg10[%add3A_357, %dma_start3A_363] : memref<40x128xi32, #tpu.memory_space<vmem>> -> memref<1x128xi32, #tpu.memory_space<vmem>>
        %dma_start3A_365 = tpu.memref_squeeze %dma_start3A_364 : memref<1x128xi32, #tpu.memory_space<vmem>> -> memref<128xi32, #tpu.memory_space<vmem>>
        %dma_start3A_366 = arith.constant 0 : i32
        %dma_start3A_367 = arith.constant 0 : i32
        %dma_start3A_368 = tpu.memref_slice %arg2[%dma_start3A_366, %dma_start3A_367] : memref<10240x128xf32, #tpu.memory_space<hbm>> -> memref<10240x128xf32, #tpu.memory_space<hbm>>
        tpu.enqueue_indirect_dma source(%dma_start3A_368 : memref<10240x128xf32, #tpu.memory_space<hbm>>) target(%dma_start3A_362 : memref<128x128xf32, #tpu.memory_space<vmem>>) offsets(%dma_start3A_365 : memref<128xi32, #tpu.memory_space<vmem>>) semaphore(%arg16 : memref<!tpu.dma_semaphore, #tpu.memory_space<semaphore_mem>>)
      } else {
      }
      %mul3A_269 = arith.constant 2 : i32
      %mul3A_270 = arith.muli %scan3A_219, %mul3A_269 : i32
      %add3A_271 = arith.constant 1 : i32
      %add3A_272 = arith.addi %mul3A_270, %add3A_271 : i32
      %dma_wait3A_273 = arith.constant 1 : i32
      %dma_wait3A_274 = arith.constant 0 : i32
      %dma_wait3A_275 = arith.constant 0 : i32
      %dma_wait3A_276 = tpu.memref_slice %arg12[%dma_wait3A_273, %dma_wait3A_274, %dma_wait3A_275] : memref<2x128x128xf32, #tpu.memory_space<vmem>> -> memref<1x128x128xf32, #tpu.memory_space<vmem>>
      %dma_wait3A_277 = tpu.memref_squeeze %dma_wait3A_276 : memref<1x128x128xf32, #tpu.memory_space<vmem>> -> memref<128x128xf32, #tpu.memory_space<vmem>>
      %dma_wait3A_278 = arith.constant 0 : i32
      %dma_wait3A_279 = tpu.memref_slice %arg10[%add3A_272, %dma_wait3A_278] : memref<40x128xi32, #tpu.memory_space<vmem>> -> memref<1x128xi32, #tpu.memory_space<vmem>>
      %dma_wait3A_280 = tpu.memref_squeeze %dma_wait3A_279 : memref<1x128xi32, #tpu.memory_space<vmem>> -> memref<128xi32, #tpu.memory_space<vmem>>
      %dma_wait3A_281 = arith.constant 0 : i32
      %dma_wait3A_282 = arith.constant 0 : i32
      %dma_wait3A_283 = tpu.memref_slice %arg2[%dma_wait3A_281, %dma_wait3A_282] : memref<10240x128xf32, #tpu.memory_space<hbm>> -> memref<10240x128xf32, #tpu.memory_space<hbm>>
      tpu.wait_indirect_dma semaphore(%arg17 : memref<!tpu.dma_semaphore, #tpu.memory_space<semaphore_mem>>) src(%dma_wait3A_283 : memref<10240x128xf32, #tpu.memory_space<hbm>>) dst(%dma_wait3A_277 : memref<128x128xf32, #tpu.memory_space<vmem>>)
      %dma_start3A_284 = arith.constant 1 : i32
      %dma_start3A_285 = arith.constant 0 : i32
      %dma_start3A_286 = arith.constant 0 : i32
      %dma_start3A_287 = tpu.memref_slice %arg12[%dma_start3A_284, %dma_start3A_285, %dma_start3A_286] : memref<2x128x128xf32, #tpu.memory_space<vmem>> -> memref<1x128x128xf32, #tpu.memory_space<vmem>>
      %dma_start3A_288 = tpu.memref_squeeze %dma_start3A_287 : memref<1x128x128xf32, #tpu.memory_space<vmem>> -> memref<128x128xf32, #tpu.memory_space<vmem>>
      %dma_start3A_289 = arith.constant 0 : i32
      %dma_start3A_290 = tpu.memref_slice %arg11[%add3A_272, %dma_start3A_289] : memref<40x128xi32, #tpu.memory_space<vmem>> -> memref<1x128xi32, #tpu.memory_space<vmem>>
      %dma_start3A_291 = tpu.memref_squeeze %dma_start3A_290 : memref<1x128xi32, #tpu.memory_space<vmem>> -> memref<128xi32, #tpu.memory_space<vmem>>
      %dma_start3A_292 = arith.constant 0 : i32
      %dma_start3A_293 = arith.constant 0 : i32
      %dma_start3A_294 = tpu.memref_slice %arg14[%dma_start3A_292, %dma_start3A_293] : memref<10240x128xf32, #tpu.memory_space<vmem_shared>> -> memref<10240x128xf32, #tpu.memory_space<vmem_shared>>
      tpu.enqueue_indirect_dma source(%dma_start3A_288 : memref<128x128xf32, #tpu.memory_space<vmem>>) target(%dma_start3A_294 : memref<10240x128xf32, #tpu.memory_space<vmem_shared>>) offsets(%dma_start3A_291 : memref<128xi32, #tpu.memory_space<vmem>>) semaphore(%arg23 : memref<!tpu.dma_semaphore, #tpu.memory_space<semaphore_mem>>) {add = true}
      %dma_wait3A_295 = arith.constant 1 : i32
      %dma_wait3A_296 = arith.constant 0 : i32
      %dma_wait3A_297 = tpu.memref_slice %arg13[%dma_wait3A_295, %dma_wait3A_296] : memref<2x128xf32, #tpu.memory_space<vmem>> -> memref<1x128xf32, #tpu.memory_space<vmem>>
      %dma_wait3A_298 = tpu.memref_squeeze %dma_wait3A_297 : memref<1x128xf32, #tpu.memory_space<vmem>> -> memref<128xf32, #tpu.memory_space<vmem>>
      %dma_wait3A_299 = arith.constant 0 : i32
      %dma_wait3A_300 = tpu.memref_slice %arg11[%add3A_272, %dma_wait3A_299] : memref<40x128xi32, #tpu.memory_space<vmem>> -> memref<1x128xi32, #tpu.memory_space<vmem>>
      %dma_wait3A_301 = tpu.memref_squeeze %dma_wait3A_300 : memref<1x128xi32, #tpu.memory_space<vmem>> -> memref<128xi32, #tpu.memory_space<vmem>>
      %dma_wait3A_302 = arith.constant 0 : i32
      %dma_wait3A_303 = tpu.memref_slice %arg5[%dma_wait3A_302] : memref<10240xf32, #tpu.memory_space<hbm>> -> memref<10240xf32, #tpu.memory_space<hbm>>
      tpu.wait_indirect_dma semaphore(%arg19 : memref<!tpu.dma_semaphore, #tpu.memory_space<semaphore_mem>>) src(%dma_wait3A_303 : memref<10240xf32, #tpu.memory_space<hbm>>) dst(%dma_wait3A_298 : memref<128xf32, #tpu.memory_space<vmem>>)
      %dma_start3A_304 = arith.constant 1 : i32
      %dma_start3A_305 = arith.constant 0 : i32
      %dma_start3A_306 = tpu.memref_slice %arg13[%dma_start3A_304, %dma_start3A_305] : memref<2x128xf32, #tpu.memory_space<vmem>> -> memref<1x128xf32, #tpu.memory_space<vmem>>
      %dma_start3A_307 = tpu.memref_squeeze %dma_start3A_306 : memref<1x128xf32, #tpu.memory_space<vmem>> -> memref<128xf32, #tpu.memory_space<vmem>>
      %dma_start3A_308 = arith.constant 0 : i32
      %dma_start3A_309 = tpu.memref_slice %arg10[%add3A_272, %dma_start3A_308] : memref<40x128xi32, #tpu.memory_space<vmem>> -> memref<1x128xi32, #tpu.memory_space<vmem>>
      %dma_start3A_310 = tpu.memref_squeeze %dma_start3A_309 : memref<1x128xi32, #tpu.memory_space<vmem>> -> memref<128xi32, #tpu.memory_space<vmem>>
      %dma_start3A_311 = arith.constant 0 : i32
      %dma_start3A_312 = tpu.memref_slice %arg15[%dma_start3A_311] : memref<10240xf32, #tpu.memory_space<vmem_shared>> -> memref<10240xf32, #tpu.memory_space<vmem_shared>>
      tpu.enqueue_indirect_dma source(%dma_start3A_307 : memref<128xf32, #tpu.memory_space<vmem>>) target(%dma_start3A_312 : memref<10240xf32, #tpu.memory_space<vmem_shared>>) offsets(%dma_start3A_310 : memref<128xi32, #tpu.memory_space<vmem>>) semaphore(%arg21 : memref<!tpu.dma_semaphore, #tpu.memory_space<semaphore_mem>>) {add = true}
      %add3A_313 = arith.constant 2 : i32
      %add3A_314 = arith.addi %add3A_272, %add3A_313 : i32
      %lt3A_315 = arith.constant 40 : i32
      %lt3A_316 = arith.cmpi slt, %add3A_314, %lt3A_315 : i32
      %convert_element_type3A_317 = arith.extui %lt3A_316 : i1 to i32
      %cond3A_318 = arith.constant 0 : i32
      %cond3A_319 = arith.cmpi ne, %convert_element_type3A_317, %cond3A_318 : i32
      scf.if %cond3A_319 {
        %dma_wait3A_321 = arith.constant 1 : i32
        %dma_wait3A_322 = arith.constant 0 : i32
        %dma_wait3A_323 = tpu.memref_slice %arg13[%dma_wait3A_321, %dma_wait3A_322] : memref<2x128xf32, #tpu.memory_space<vmem>> -> memref<1x128xf32, #tpu.memory_space<vmem>>
        %dma_wait3A_324 = tpu.memref_squeeze %dma_wait3A_323 : memref<1x128xf32, #tpu.memory_space<vmem>> -> memref<128xf32, #tpu.memory_space<vmem>>
        %dma_wait3A_325 = arith.constant 0 : i32
        %dma_wait3A_326 = tpu.memref_slice %arg10[%add3A_272, %dma_wait3A_325] : memref<40x128xi32, #tpu.memory_space<vmem>> -> memref<1x128xi32, #tpu.memory_space<vmem>>
        %dma_wait3A_327 = tpu.memref_squeeze %dma_wait3A_326 : memref<1x128xi32, #tpu.memory_space<vmem>> -> memref<128xi32, #tpu.memory_space<vmem>>
        %dma_wait3A_328 = arith.constant 0 : i32
        %dma_wait3A_329 = tpu.memref_slice %arg15[%dma_wait3A_328] : memref<10240xf32, #tpu.memory_space<vmem_shared>> -> memref<10240xf32, #tpu.memory_space<vmem_shared>>
        tpu.wait_indirect_dma semaphore(%arg21 : memref<!tpu.dma_semaphore, #tpu.memory_space<semaphore_mem>>) src(%dma_wait3A_324 : memref<128xf32, #tpu.memory_space<vmem>>) dst(%dma_wait3A_329 : memref<10240xf32, #tpu.memory_space<vmem_shared>>)
        %add3A_330 = arith.constant 2 : i32
        %add3A_331 = arith.addi %add3A_272, %add3A_330 : i32
        %dma_start3A_332 = arith.constant 1 : i32
        %dma_start3A_333 = arith.constant 0 : i32
        %dma_start3A_334 = tpu.memref_slice %arg13[%dma_start3A_332, %dma_start3A_333] : memref<2x128xf32, #tpu.memory_space<vmem>> -> memref<1x128xf32, #tpu.memory_space<vmem>>
        %dma_start3A_335 = tpu.memref_squeeze %dma_start3A_334 : memref<1x128xf32, #tpu.memory_space<vmem>> -> memref<128xf32, #tpu.memory_space<vmem>>
        %dma_start3A_336 = arith.constant 0 : i32
        %dma_start3A_337 = tpu.memref_slice %arg11[%add3A_331, %dma_start3A_336] : memref<40x128xi32, #tpu.memory_space<vmem>> -> memref<1x128xi32, #tpu.memory_space<vmem>>
        %dma_start3A_338 = tpu.memref_squeeze %dma_start3A_337 : memref<1x128xi32, #tpu.memory_space<vmem>> -> memref<128xi32, #tpu.memory_space<vmem>>
        %dma_start3A_339 = arith.constant 0 : i32
        %dma_start3A_340 = tpu.memref_slice %arg5[%dma_start3A_339] : memref<10240xf32, #tpu.memory_space<hbm>> -> memref<10240xf32, #tpu.memory_space<hbm>>
        tpu.enqueue_indirect_dma source(%dma_start3A_340 : memref<10240xf32, #tpu.memory_space<hbm>>) target(%dma_start3A_335 : memref<128xf32, #tpu.memory_space<vmem>>) offsets(%dma_start3A_338 : memref<128xi32, #tpu.memory_space<vmem>>) semaphore(%arg19 : memref<!tpu.dma_semaphore, #tpu.memory_space<semaphore_mem>>)
        %dma_wait3A_341 = arith.constant 1 : i32
        %dma_wait3A_342 = arith.constant 0 : i32
        %dma_wait3A_343 = arith.constant 0 : i32
        %dma_wait3A_344 = tpu.memref_slice %arg12[%dma_wait3A_341, %dma_wait3A_342, %dma_wait3A_343] : memref<2x128x128xf32, #tpu.memory_space<vmem>> -> memref<1x128x128xf32, #tpu.memory_space<vmem>>
        %dma_wait3A_345 = tpu.memref_squeeze %dma_wait3A_344 : memref<1x128x128xf32, #tpu.memory_space<vmem>> -> memref<128x128xf32, #tpu.memory_space<vmem>>
        %dma_wait3A_346 = arith.constant 0 : i32
        %dma_wait3A_347 = arith.constant 0 : i32
        %dma_wait3A_348 = tpu.memref_slice %arg14[%dma_wait3A_346, %dma_wait3A_347] : memref<10240x128xf32, #tpu.memory_space<vmem_shared>> -> memref<128x128xf32, #tpu.memory_space<vmem_shared>>
        %dma_wait3A_349 = arith.constant 0 : i32
        %dma_wait3A_350 = arith.constant 0 : i32
        %dma_wait3A_351 = tpu.memref_slice %arg14[%dma_wait3A_349, %dma_wait3A_350] : memref<10240x128xf32, #tpu.memory_space<vmem_shared>> -> memref<128x128xf32, #tpu.memory_space<vmem_shared>>
        %dma_wait3A_352 = arith.constant 0 : i32
        %dma_wait3A_353 = arith.constant 0 : i32
        %dma_wait3A_354 = tpu.memref_slice %arg12[%dma_wait3A_341, %dma_wait3A_352, %dma_wait3A_353] : memref<2x128x128xf32, #tpu.memory_space<vmem>> -> memref<1x128x128xf32, #tpu.memory_space<vmem>>
        %dma_wait3A_355 = tpu.memref_squeeze %dma_wait3A_354 : memref<1x128x128xf32, #tpu.memory_space<vmem>> -> memref<128x128xf32, #tpu.memory_space<vmem>>
        tpu.wait_dma2 semaphore(%arg23 : memref<!tpu.dma_semaphore, #tpu.memory_space<semaphore_mem>>) src(%dma_wait3A_355 : memref<128x128xf32, #tpu.memory_space<vmem>>) dst(%dma_wait3A_351 : memref<128x128xf32, #tpu.memory_space<vmem_shared>>)
        %add3A_356 = arith.constant 2 : i32
        %add3A_357 = arith.addi %add3A_272, %add3A_356 : i32
        %dma_start3A_358 = arith.constant 1 : i32
        %dma_start3A_359 = arith.constant 0 : i32
        %dma_start3A_360 = arith.constant 0 : i32
        %dma_start3A_361 = tpu.memref_slice %arg12[%dma_start3A_358, %dma_start3A_359, %dma_start3A_360] : memref<2x128x128xf32, #tpu.memory_space<vmem>> -> memref<1x128x128xf32, #tpu.memory_space<vmem>>
        %dma_start3A_362 = tpu.memref_squeeze %dma_start3A_361 : memref<1x128x128xf32, #tpu.memory_space<vmem>> -> memref<128x128xf32, #tpu.memory_space<vmem>>
        %dma_start3A_363 = arith.constant 0 : i32
        %dma_start3A_364 = tpu.memref_slice %arg10[%add3A_357, %dma_start3A_363] : memref<40x128xi32, #tpu.memory_space<vmem>> -> memref<1x128xi32, #tpu.memory_space<vmem>>
        %dma_start3A_365 = tpu.memref_squeeze %dma_start3A_364 : memref<1x128xi32, #tpu.memory_space<vmem>> -> memref<128xi32, #tpu.memory_space<vmem>>
        %dma_start3A_366 = arith.constant 0 : i32
        %dma_start3A_367 = arith.constant 0 : i32
        %dma_start3A_368 = tpu.memref_slice %arg2[%dma_start3A_366, %dma_start3A_367] : memref<10240x128xf32, #tpu.memory_space<hbm>> -> memref<10240x128xf32, #tpu.memory_space<hbm>>
        tpu.enqueue_indirect_dma source(%dma_start3A_368 : memref<10240x128xf32, #tpu.memory_space<hbm>>) target(%dma_start3A_362 : memref<128x128xf32, #tpu.memory_space<vmem>>) offsets(%dma_start3A_365 : memref<128xi32, #tpu.memory_space<vmem>>) semaphore(%arg17 : memref<!tpu.dma_semaphore, #tpu.memory_space<semaphore_mem>>)
      } else {
      }
      %scan3A_320 = arith.constant 0 : i32
      scf.yield %scan3A_320 : i32
    }
    %scan3A_59 = arith.constant 20 : i32
    %dma_wait3A = arith.constant 0 : i32
    %dma_wait3A_60 = arith.constant 0 : i32
    %dma_wait3A_61 = arith.constant 0 : i32
    %dma_wait3A_62 = tpu.memref_slice %arg13[%dma_wait3A, %dma_wait3A_61] : memref<2x128xf32, #tpu.memory_space<vmem>> -> memref<1x128xf32, #tpu.memory_space<vmem>>
    %dma_wait3A_63 = tpu.memref_squeeze %dma_wait3A_62 : memref<1x128xf32, #tpu.memory_space<vmem>> -> memref<128xf32, #tpu.memory_space<vmem>>
    %dma_wait3A_64 = arith.constant 0 : i32
    %dma_wait3A_65 = tpu.memref_slice %arg10[%dma_wait3A_60, %dma_wait3A_64] : memref<40x128xi32, #tpu.memory_space<vmem>> -> memref<1x128xi32, #tpu.memory_space<vmem>>
    %dma_wait3A_66 = tpu.memref_squeeze %dma_wait3A_65 : memref<1x128xi32, #tpu.memory_space<vmem>> -> memref<128xi32, #tpu.memory_space<vmem>>
    %dma_wait3A_67 = arith.constant 0 : i32
    %dma_wait3A_68 = tpu.memref_slice %arg15[%dma_wait3A_67] : memref<10240xf32, #tpu.memory_space<vmem_shared>> -> memref<10240xf32, #tpu.memory_space<vmem_shared>>
    tpu.wait_indirect_dma semaphore(%arg20 : memref<!tpu.dma_semaphore, #tpu.memory_space<semaphore_mem>>) src(%dma_wait3A_63 : memref<128xf32, #tpu.memory_space<vmem>>) dst(%dma_wait3A_68 : memref<10240xf32, #tpu.memory_space<vmem_shared>>)
    %dma_wait3A_69 = arith.constant 0 : i32
    %dma_wait3A_70 = arith.constant 0 : i32
    %dma_wait3A_71 = arith.constant 0 : i32
    %dma_wait3A_72 = tpu.memref_slice %arg12[%dma_wait3A_69, %dma_wait3A_70, %dma_wait3A_71] : memref<2x128x128xf32, #tpu.memory_space<vmem>> -> memref<1x128x128xf32, #tpu.memory_space<vmem>>
    %dma_wait3A_73 = tpu.memref_squeeze %dma_wait3A_72 : memref<1x128x128xf32, #tpu.memory_space<vmem>> -> memref<128x128xf32, #tpu.memory_space<vmem>>
    %dma_wait3A_74 = arith.constant 0 : i32
    %dma_wait3A_75 = arith.constant 0 : i32
    %dma_wait3A_76 = tpu.memref_slice %arg14[%dma_wait3A_74, %dma_wait3A_75] : memref<10240x128xf32, #tpu.memory_space<vmem_shared>> -> memref<128x128xf32, #tpu.memory_space<vmem_shared>>
    %dma_wait3A_77 = arith.constant 0 : i32
    %dma_wait3A_78 = arith.constant 0 : i32
    %dma_wait3A_79 = tpu.memref_slice %arg14[%dma_wait3A_77, %dma_wait3A_78] : memref<10240x128xf32, #tpu.memory_space<vmem_shared>> -> memref<128x128xf32, #tpu.memory_space<vmem_shared>>
    %dma_wait3A_80 = arith.constant 0 : i32
    %dma_wait3A_81 = arith.constant 0 : i32
    %dma_wait3A_82 = tpu.memref_slice %arg12[%dma_wait3A_69, %dma_wait3A_80, %dma_wait3A_81] : memref<2x128x128xf32, #tpu.memory_space<vmem>> -> memref<1x128x128xf32, #tpu.memory_space<vmem>>
    %dma_wait3A_83 = tpu.memref_squeeze %dma_wait3A_82 : memref<1x128x128xf32, #tpu.memory_space<vmem>> -> memref<128x128xf32, #tpu.memory_space<vmem>>
    tpu.wait_dma2 semaphore(%arg22 : memref<!tpu.dma_semaphore, #tpu.memory_space<semaphore_mem>>) src(%dma_wait3A_83 : memref<128x128xf32, #tpu.memory_space<vmem>>) dst(%dma_wait3A_79 : memref<128x128xf32, #tpu.memory_space<vmem_shared>>)
    %dma_wait3A_84 = arith.constant 1 : i32
    %dma_wait3A_85 = arith.constant 0 : i32
    %dma_wait3A_86 = arith.constant 0 : i32
    %dma_wait3A_87 = tpu.memref_slice %arg13[%dma_wait3A_84, %dma_wait3A_86] : memref<2x128xf32, #tpu.memory_space<vmem>> -> memref<1x128xf32, #tpu.memory_space<vmem>>
    %dma_wait3A_88 = tpu.memref_squeeze %dma_wait3A_87 : memref<1x128xf32, #tpu.memory_space<vmem>> -> memref<128xf32, #tpu.memory_space<vmem>>
    %dma_wait3A_89 = arith.constant 0 : i32
    %dma_wait3A_90 = tpu.memref_slice %arg10[%dma_wait3A_85, %dma_wait3A_89] : memref<40x128xi32, #tpu.memory_space<vmem>> -> memref<1x128xi32, #tpu.memory_space<vmem>>
    %dma_wait3A_91 = tpu.memref_squeeze %dma_wait3A_90 : memref<1x128xi32, #tpu.memory_space<vmem>> -> memref<128xi32, #tpu.memory_space<vmem>>
    %dma_wait3A_92 = arith.constant 0 : i32
    %dma_wait3A_93 = tpu.memref_slice %arg15[%dma_wait3A_92] : memref<10240xf32, #tpu.memory_space<vmem_shared>> -> memref<10240xf32, #tpu.memory_space<vmem_shared>>
    tpu.wait_indirect_dma semaphore(%arg21 : memref<!tpu.dma_semaphore, #tpu.memory_space<semaphore_mem>>) src(%dma_wait3A_88 : memref<128xf32, #tpu.memory_space<vmem>>) dst(%dma_wait3A_93 : memref<10240xf32, #tpu.memory_space<vmem_shared>>)
    %dma_wait3A_94 = arith.constant 1 : i32
    %dma_wait3A_95 = arith.constant 0 : i32
    %dma_wait3A_96 = arith.constant 0 : i32
    %dma_wait3A_97 = tpu.memref_slice %arg12[%dma_wait3A_94, %dma_wait3A_95, %dma_wait3A_96] : memref<2x128x128xf32, #tpu.memory_space<vmem>> -> memref<1x128x128xf32, #tpu.memory_space<vmem>>
    %dma_wait3A_98 = tpu.memref_squeeze %dma_wait3A_97 : memref<1x128x128xf32, #tpu.memory_space<vmem>> -> memref<128x128xf32, #tpu.memory_space<vmem>>
    %dma_wait3A_99 = arith.constant 0 : i32
    %dma_wait3A_100 = arith.constant 0 : i32
    %dma_wait3A_101 = tpu.memref_slice %arg14[%dma_wait3A_99, %dma_wait3A_100] : memref<10240x128xf32, #tpu.memory_space<vmem_shared>> -> memref<128x128xf32, #tpu.memory_space<vmem_shared>>
    %dma_wait3A_102 = arith.constant 0 : i32
    %dma_wait3A_103 = arith.constant 0 : i32
    %dma_wait3A_104 = tpu.memref_slice %arg14[%dma_wait3A_102, %dma_wait3A_103] : memref<10240x128xf32, #tpu.memory_space<vmem_shared>> -> memref<128x128xf32, #tpu.memory_space<vmem_shared>>
    %dma_wait3A_105 = arith.constant 0 : i32
    %dma_wait3A_106 = arith.constant 0 : i32
    %dma_wait3A_107 = tpu.memref_slice %arg12[%dma_wait3A_94, %dma_wait3A_105, %dma_wait3A_106] : memref<2x128x128xf32, #tpu.memory_space<vmem>> -> memref<1x128x128xf32, #tpu.memory_space<vmem>>
    %dma_wait3A_108 = tpu.memref_squeeze %dma_wait3A_107 : memref<1x128x128xf32, #tpu.memory_space<vmem>> -> memref<128x128xf32, #tpu.memory_space<vmem>>
    tpu.wait_dma2 semaphore(%arg23 : memref<!tpu.dma_semaphore, #tpu.memory_space<semaphore_mem>>) src(%dma_wait3A_108 : memref<128x128xf32, #tpu.memory_space<vmem>>) dst(%dma_wait3A_104 : memref<128x128xf32, #tpu.memory_space<vmem_shared>>)
    %mul3A_109 = arith.constant 80 : i32
    %mul3A_110 = arith.muli %add3A, %mul3A_109 : i32
    %add3A_111 = arith.constant 40 : i32
    %add3A_112 = arith.addi %mul3A_110, %add3A_111 : i32
    "tpu.region"() ({
      %run_scoped3A = tpu.sem_alloc : memref<!tpu.dma_semaphore, #tpu.memory_space<semaphore_mem>>
      %dma_start3A_219 = arith.constant 0 : i32
      %dma_start3A_220 = tpu.memref_slice %arg3[%add3A_112, %dma_start3A_219] : memref<2560x128xi32, #tpu.memory_space<hbm>> -> memref<40x128xi32, #tpu.memory_space<hbm>>
      %dma_start3A_221 = arith.constant 0 : i32
      %dma_start3A_222 = tpu.memref_slice %arg3[%add3A_112, %dma_start3A_221] : memref<2560x128xi32, #tpu.memory_space<hbm>> -> memref<40x128xi32, #tpu.memory_space<hbm>>
      tpu.enqueue_dma source(%dma_start3A_222 : memref<40x128xi32, #tpu.memory_space<hbm>>) target(%arg10 : memref<40x128xi32, #tpu.memory_space<vmem>>) target_semaphore(%run_scoped3A : memref<!tpu.dma_semaphore, #tpu.memory_space<semaphore_mem>>)
      %dma_wait3A_223 = arith.constant 0 : i32
      %dma_wait3A_224 = tpu.memref_slice %arg3[%add3A_112, %dma_wait3A_223] : memref<2560x128xi32, #tpu.memory_space<hbm>> -> memref<40x128xi32, #tpu.memory_space<hbm>>
      %dma_wait3A_225 = arith.constant 0 : i32
      %dma_wait3A_226 = tpu.memref_slice %arg3[%add3A_112, %dma_wait3A_225] : memref<2560x128xi32, #tpu.memory_space<hbm>> -> memref<40x128xi32, #tpu.memory_space<hbm>>
      tpu.wait_dma2 semaphore(%run_scoped3A : memref<!tpu.dma_semaphore, #tpu.memory_space<semaphore_mem>>) src(%dma_wait3A_226 : memref<40x128xi32, #tpu.memory_space<hbm>>) dst(%arg10 : memref<40x128xi32, #tpu.memory_space<vmem>>)
      tpu.yield
    }) : () -> ()
    %mul3A_113 = arith.constant 80 : i32
    %mul3A_114 = arith.muli %add3A, %mul3A_113 : i32
    %add3A_115 = arith.constant 40 : i32
    %add3A_116 = arith.addi %mul3A_114, %add3A_115 : i32
    "tpu.region"() ({
      %run_scoped3A = tpu.sem_alloc : memref<!tpu.dma_semaphore, #tpu.memory_space<semaphore_mem>>
      %dma_start3A_219 = arith.constant 0 : i32
      %dma_start3A_220 = tpu.memref_slice %arg4[%add3A_116, %dma_start3A_219] : memref<2560x128xi32, #tpu.memory_space<hbm>> -> memref<40x128xi32, #tpu.memory_space<hbm>>
      %dma_start3A_221 = arith.constant 0 : i32
      %dma_start3A_222 = tpu.memref_slice %arg4[%add3A_116, %dma_start3A_221] : memref<2560x128xi32, #tpu.memory_space<hbm>> -> memref<40x128xi32, #tpu.memory_space<hbm>>
      tpu.enqueue_dma source(%dma_start3A_222 : memref<40x128xi32, #tpu.memory_space<hbm>>) target(%arg11 : memref<40x128xi32, #tpu.memory_space<vmem>>) target_semaphore(%run_scoped3A : memref<!tpu.dma_semaphore, #tpu.memory_space<semaphore_mem>>)
      %dma_wait3A_223 = arith.constant 0 : i32
      %dma_wait3A_224 = tpu.memref_slice %arg4[%add3A_116, %dma_wait3A_223] : memref<2560x128xi32, #tpu.memory_space<hbm>> -> memref<40x128xi32, #tpu.memory_space<hbm>>
      %dma_wait3A_225 = arith.constant 0 : i32
      %dma_wait3A_226 = tpu.memref_slice %arg4[%add3A_116, %dma_wait3A_225] : memref<2560x128xi32, #tpu.memory_space<hbm>> -> memref<40x128xi32, #tpu.memory_space<hbm>>
      tpu.wait_dma2 semaphore(%run_scoped3A : memref<!tpu.dma_semaphore, #tpu.memory_space<semaphore_mem>>) src(%dma_wait3A_226 : memref<40x128xi32, #tpu.memory_space<hbm>>) dst(%arg11 : memref<40x128xi32, #tpu.memory_space<vmem>>)
      tpu.yield
    }) : () -> ()
    %dma_start3A_117 = arith.constant 0 : i32
    %dma_start3A_118 = arith.constant 0 : i32
    %dma_start3A_119 = arith.constant 0 : i32
    %dma_start3A_120 = arith.constant 0 : i32
    %dma_start3A_121 = tpu.memref_slice %arg12[%dma_start3A_118, %dma_start3A_119, %dma_start3A_120] : memref<2x128x128xf32, #tpu.memory_space<vmem>> -> memref<1x128x128xf32, #tpu.memory_space<vmem>>
    %dma_start3A_122 = tpu.memref_squeeze %dma_start3A_121 : memref<1x128x128xf32, #tpu.memory_space<vmem>> -> memref<128x128xf32, #tpu.memory_space<vmem>>
    %dma_start3A_123 = arith.constant 0 : i32
    %dma_start3A_124 = tpu.memref_slice %arg10[%dma_start3A_117, %dma_start3A_123] : memref<40x128xi32, #tpu.memory_space<vmem>> -> memref<1x128xi32, #tpu.memory_space<vmem>>
    %dma_start3A_125 = tpu.memref_squeeze %dma_start3A_124 : memref<1x128xi32, #tpu.memory_space<vmem>> -> memref<128xi32, #tpu.memory_space<vmem>>
    %dma_start3A_126 = arith.constant 0 : i32
    %dma_start3A_127 = arith.constant 0 : i32
    %dma_start3A_128 = tpu.memref_slice %arg2[%dma_start3A_126, %dma_start3A_127] : memref<10240x128xf32, #tpu.memory_space<hbm>> -> memref<10240x128xf32, #tpu.memory_space<hbm>>
    tpu.enqueue_indirect_dma source(%dma_start3A_128 : memref<10240x128xf32, #tpu.memory_space<hbm>>) target(%dma_start3A_122 : memref<128x128xf32, #tpu.memory_space<vmem>>) offsets(%dma_start3A_125 : memref<128xi32, #tpu.memory_space<vmem>>) semaphore(%arg16 : memref<!tpu.dma_semaphore, #tpu.memory_space<semaphore_mem>>)
    %dma_start3A_129 = arith.constant 0 : i32
    %dma_start3A_130 = arith.constant 0 : i32
    %dma_start3A_131 = arith.constant 0 : i32
    %dma_start3A_132 = tpu.memref_slice %arg13[%dma_start3A_130, %dma_start3A_131] : memref<2x128xf32, #tpu.memory_space<vmem>> -> memref<1x128xf32, #tpu.memory_space<vmem>>
    %dma_start3A_133 = tpu.memref_squeeze %dma_start3A_132 : memref<1x128xf32, #tpu.memory_space<vmem>> -> memref<128xf32, #tpu.memory_space<vmem>>
    %dma_start3A_134 = arith.constant 0 : i32
    %dma_start3A_135 = tpu.memref_slice %arg11[%dma_start3A_129, %dma_start3A_134] : memref<40x128xi32, #tpu.memory_space<vmem>> -> memref<1x128xi32, #tpu.memory_space<vmem>>
    %dma_start3A_136 = tpu.memref_squeeze %dma_start3A_135 : memref<1x128xi32, #tpu.memory_space<vmem>> -> memref<128xi32, #tpu.memory_space<vmem>>
    %dma_start3A_137 = arith.constant 0 : i32
    %dma_start3A_138 = tpu.memref_slice %arg5[%dma_start3A_137] : memref<10240xf32, #tpu.memory_space<hbm>> -> memref<10240xf32, #tpu.memory_space<hbm>>
    tpu.enqueue_indirect_dma source(%dma_start3A_138 : memref<10240xf32, #tpu.memory_space<hbm>>) target(%dma_start3A_133 : memref<128xf32, #tpu.memory_space<vmem>>) offsets(%dma_start3A_136 : memref<128xi32, #tpu.memory_space<vmem>>) semaphore(%arg18 : memref<!tpu.dma_semaphore, #tpu.memory_space<semaphore_mem>>)
    %dma_start3A_139 = arith.constant 1 : i32
    %dma_start3A_140 = arith.constant 1 : i32
    %dma_start3A_141 = arith.constant 0 : i32
    %dma_start3A_142 = arith.constant 0 : i32
    %dma_start3A_143 = tpu.memref_slice %arg12[%dma_start3A_140, %dma_start3A_141, %dma_start3A_142] : memref<2x128x128xf32, #tpu.memory_space<vmem>> -> memref<1x128x128xf32, #tpu.memory_space<vmem>>
    %dma_start3A_144 = tpu.memref_squeeze %dma_start3A_143 : memref<1x128x128xf32, #tpu.memory_space<vmem>> -> memref<128x128xf32, #tpu.memory_space<vmem>>
    %dma_start3A_145 = arith.constant 0 : i32
    %dma_start3A_146 = tpu.memref_slice %arg10[%dma_start3A_139, %dma_start3A_145] : memref<40x128xi32, #tpu.memory_space<vmem>> -> memref<1x128xi32, #tpu.memory_space<vmem>>
    %dma_start3A_147 = tpu.memref_squeeze %dma_start3A_146 : memref<1x128xi32, #tpu.memory_space<vmem>> -> memref<128xi32, #tpu.memory_space<vmem>>
    %dma_start3A_148 = arith.constant 0 : i32
    %dma_start3A_149 = arith.constant 0 : i32
    %dma_start3A_150 = tpu.memref_slice %arg2[%dma_start3A_148, %dma_start3A_149] : memref<10240x128xf32, #tpu.memory_space<hbm>> -> memref<10240x128xf32, #tpu.memory_space<hbm>>
    tpu.enqueue_indirect_dma source(%dma_start3A_150 : memref<10240x128xf32, #tpu.memory_space<hbm>>) target(%dma_start3A_144 : memref<128x128xf32, #tpu.memory_space<vmem>>) offsets(%dma_start3A_147 : memref<128xi32, #tpu.memory_space<vmem>>) semaphore(%arg17 : memref<!tpu.dma_semaphore, #tpu.memory_space<semaphore_mem>>)
    %dma_start3A_151 = arith.constant 1 : i32
    %dma_start3A_152 = arith.constant 1 : i32
    %dma_start3A_153 = arith.constant 0 : i32
    %dma_start3A_154 = tpu.memref_slice %arg13[%dma_start3A_152, %dma_start3A_153] : memref<2x128xf32, #tpu.memory_space<vmem>> -> memref<1x128xf32, #tpu.memory_space<vmem>>
    %dma_start3A_155 = tpu.memref_squeeze %dma_start3A_154 : memref<1x128xf32, #tpu.memory_space<vmem>> -> memref<128xf32, #tpu.memory_space<vmem>>
    %dma_start3A_156 = arith.constant 0 : i32
    %dma_start3A_157 = tpu.memref_slice %arg11[%dma_start3A_151, %dma_start3A_156] : memref<40x128xi32, #tpu.memory_space<vmem>> -> memref<1x128xi32, #tpu.memory_space<vmem>>
    %dma_start3A_158 = tpu.memref_squeeze %dma_start3A_157 : memref<1x128xi32, #tpu.memory_space<vmem>> -> memref<128xi32, #tpu.memory_space<vmem>>
    %dma_start3A_159 = arith.constant 0 : i32
    %dma_start3A_160 = tpu.memref_slice %arg5[%dma_start3A_159] : memref<10240xf32, #tpu.memory_space<hbm>> -> memref<10240xf32, #tpu.memory_space<hbm>>
    tpu.enqueue_indirect_dma source(%dma_start3A_160 : memref<10240xf32, #tpu.memory_space<hbm>>) target(%dma_start3A_155 : memref<128xf32, #tpu.memory_space<vmem>>) offsets(%dma_start3A_158 : memref<128xi32, #tpu.memory_space<vmem>>) semaphore(%arg19 : memref<!tpu.dma_semaphore, #tpu.memory_space<semaphore_mem>>)
    %scan3A_161 = arith.constant 0 : i32
    %scan3A_162 = arith.constant 0 : i32
    %scan3A_163 = arith.constant 20 : i32
    %scan3A_164 = arith.addi %scan3A_162, %scan3A_163 : i32
    %scan3A_165 = arith.constant 1 : i32
    %scan3A_166 = scf.for %scan3A_219 = %scan3A_162 to %scan3A_164 step %scan3A_165 iter_args(%scan3A_220 = %scan3A_161) -> (i32)  : i32 {
      %mul3A_221 = arith.constant 2 : i32
      %mul3A_222 = arith.muli %scan3A_219, %mul3A_221 : i32
      %add3A_223 = arith.constant 0 : i32
      %add3A_224 = arith.addi %mul3A_222, %add3A_223 : i32
      %dma_wait3A_225 = arith.constant 0 : i32
      %dma_wait3A_226 = arith.constant 0 : i32
      %dma_wait3A_227 = arith.constant 0 : i32
      %dma_wait3A_228 = tpu.memref_slice %arg12[%dma_wait3A_225, %dma_wait3A_226, %dma_wait3A_227] : memref<2x128x128xf32, #tpu.memory_space<vmem>> -> memref<1x128x128xf32, #tpu.memory_space<vmem>>
      %dma_wait3A_229 = tpu.memref_squeeze %dma_wait3A_228 : memref<1x128x128xf32, #tpu.memory_space<vmem>> -> memref<128x128xf32, #tpu.memory_space<vmem>>
      %dma_wait3A_230 = arith.constant 0 : i32
      %dma_wait3A_231 = tpu.memref_slice %arg10[%add3A_224, %dma_wait3A_230] : memref<40x128xi32, #tpu.memory_space<vmem>> -> memref<1x128xi32, #tpu.memory_space<vmem>>
      %dma_wait3A_232 = tpu.memref_squeeze %dma_wait3A_231 : memref<1x128xi32, #tpu.memory_space<vmem>> -> memref<128xi32, #tpu.memory_space<vmem>>
      %dma_wait3A_233 = arith.constant 0 : i32
      %dma_wait3A_234 = arith.constant 0 : i32
      %dma_wait3A_235 = tpu.memref_slice %arg2[%dma_wait3A_233, %dma_wait3A_234] : memref<10240x128xf32, #tpu.memory_space<hbm>> -> memref<10240x128xf32, #tpu.memory_space<hbm>>
      tpu.wait_indirect_dma semaphore(%arg16 : memref<!tpu.dma_semaphore, #tpu.memory_space<semaphore_mem>>) src(%dma_wait3A_235 : memref<10240x128xf32, #tpu.memory_space<hbm>>) dst(%dma_wait3A_229 : memref<128x128xf32, #tpu.memory_space<vmem>>)
      %dma_start3A_236 = arith.constant 0 : i32
      %dma_start3A_237 = arith.constant 0 : i32
      %dma_start3A_238 = arith.constant 0 : i32
      %dma_start3A_239 = tpu.memref_slice %arg12[%dma_start3A_236, %dma_start3A_237, %dma_start3A_238] : memref<2x128x128xf32, #tpu.memory_space<vmem>> -> memref<1x128x128xf32, #tpu.memory_space<vmem>>
      %dma_start3A_240 = tpu.memref_squeeze %dma_start3A_239 : memref<1x128x128xf32, #tpu.memory_space<vmem>> -> memref<128x128xf32, #tpu.memory_space<vmem>>
      %dma_start3A_241 = arith.constant 0 : i32
      %dma_start3A_242 = tpu.memref_slice %arg11[%add3A_224, %dma_start3A_241] : memref<40x128xi32, #tpu.memory_space<vmem>> -> memref<1x128xi32, #tpu.memory_space<vmem>>
      %dma_start3A_243 = tpu.memref_squeeze %dma_start3A_242 : memref<1x128xi32, #tpu.memory_space<vmem>> -> memref<128xi32, #tpu.memory_space<vmem>>
      %dma_start3A_244 = arith.constant 0 : i32
      %dma_start3A_245 = arith.constant 0 : i32
      %dma_start3A_246 = tpu.memref_slice %arg14[%dma_start3A_244, %dma_start3A_245] : memref<10240x128xf32, #tpu.memory_space<vmem_shared>> -> memref<10240x128xf32, #tpu.memory_space<vmem_shared>>
      tpu.enqueue_indirect_dma source(%dma_start3A_240 : memref<128x128xf32, #tpu.memory_space<vmem>>) target(%dma_start3A_246 : memref<10240x128xf32, #tpu.memory_space<vmem_shared>>) offsets(%dma_start3A_243 : memref<128xi32, #tpu.memory_space<vmem>>) semaphore(%arg22 : memref<!tpu.dma_semaphore, #tpu.memory_space<semaphore_mem>>) {add = true}
      %dma_wait3A_247 = arith.constant 0 : i32
      %dma_wait3A_248 = arith.constant 0 : i32
      %dma_wait3A_249 = tpu.memref_slice %arg13[%dma_wait3A_247, %dma_wait3A_248] : memref<2x128xf32, #tpu.memory_space<vmem>> -> memref<1x128xf32, #tpu.memory_space<vmem>>
      %dma_wait3A_250 = tpu.memref_squeeze %dma_wait3A_249 : memref<1x128xf32, #tpu.memory_space<vmem>> -> memref<128xf32, #tpu.memory_space<vmem>>
      %dma_wait3A_251 = arith.constant 0 : i32
      %dma_wait3A_252 = tpu.memref_slice %arg11[%add3A_224, %dma_wait3A_251] : memref<40x128xi32, #tpu.memory_space<vmem>> -> memref<1x128xi32, #tpu.memory_space<vmem>>
      %dma_wait3A_253 = tpu.memref_squeeze %dma_wait3A_252 : memref<1x128xi32, #tpu.memory_space<vmem>> -> memref<128xi32, #tpu.memory_space<vmem>>
      %dma_wait3A_254 = arith.constant 0 : i32
      %dma_wait3A_255 = tpu.memref_slice %arg5[%dma_wait3A_254] : memref<10240xf32, #tpu.memory_space<hbm>> -> memref<10240xf32, #tpu.memory_space<hbm>>
      tpu.wait_indirect_dma semaphore(%arg18 : memref<!tpu.dma_semaphore, #tpu.memory_space<semaphore_mem>>) src(%dma_wait3A_255 : memref<10240xf32, #tpu.memory_space<hbm>>) dst(%dma_wait3A_250 : memref<128xf32, #tpu.memory_space<vmem>>)
      %dma_start3A_256 = arith.constant 0 : i32
      %dma_start3A_257 = arith.constant 0 : i32
      %dma_start3A_258 = tpu.memref_slice %arg13[%dma_start3A_256, %dma_start3A_257] : memref<2x128xf32, #tpu.memory_space<vmem>> -> memref<1x128xf32, #tpu.memory_space<vmem>>
      %dma_start3A_259 = tpu.memref_squeeze %dma_start3A_258 : memref<1x128xf32, #tpu.memory_space<vmem>> -> memref<128xf32, #tpu.memory_space<vmem>>
      %dma_start3A_260 = arith.constant 0 : i32
      %dma_start3A_261 = tpu.memref_slice %arg10[%add3A_224, %dma_start3A_260] : memref<40x128xi32, #tpu.memory_space<vmem>> -> memref<1x128xi32, #tpu.memory_space<vmem>>
      %dma_start3A_262 = tpu.memref_squeeze %dma_start3A_261 : memref<1x128xi32, #tpu.memory_space<vmem>> -> memref<128xi32, #tpu.memory_space<vmem>>
      %dma_start3A_263 = arith.constant 0 : i32
      %dma_start3A_264 = tpu.memref_slice %arg15[%dma_start3A_263] : memref<10240xf32, #tpu.memory_space<vmem_shared>> -> memref<10240xf32, #tpu.memory_space<vmem_shared>>
      tpu.enqueue_indirect_dma source(%dma_start3A_259 : memref<128xf32, #tpu.memory_space<vmem>>) target(%dma_start3A_264 : memref<10240xf32, #tpu.memory_space<vmem_shared>>) offsets(%dma_start3A_262 : memref<128xi32, #tpu.memory_space<vmem>>) semaphore(%arg20 : memref<!tpu.dma_semaphore, #tpu.memory_space<semaphore_mem>>) {add = true}
      %add3A_265 = arith.constant 2 : i32
      %add3A_266 = arith.addi %add3A_224, %add3A_265 : i32
      %lt3A = arith.constant 40 : i32
      %lt3A_267 = arith.cmpi slt, %add3A_266, %lt3A : i32
      %convert_element_type3A = arith.extui %lt3A_267 : i1 to i32
      %cond3A = arith.constant 0 : i32
      %cond3A_268 = arith.cmpi ne, %convert_element_type3A, %cond3A : i32
      scf.if %cond3A_268 {
        %dma_wait3A_321 = arith.constant 0 : i32
        %dma_wait3A_322 = arith.constant 0 : i32
        %dma_wait3A_323 = tpu.memref_slice %arg13[%dma_wait3A_321, %dma_wait3A_322] : memref<2x128xf32, #tpu.memory_space<vmem>> -> memref<1x128xf32, #tpu.memory_space<vmem>>
        %dma_wait3A_324 = tpu.memref_squeeze %dma_wait3A_323 : memref<1x128xf32, #tpu.memory_space<vmem>> -> memref<128xf32, #tpu.memory_space<vmem>>
        %dma_wait3A_325 = arith.constant 0 : i32
        %dma_wait3A_326 = tpu.memref_slice %arg10[%add3A_224, %dma_wait3A_325] : memref<40x128xi32, #tpu.memory_space<vmem>> -> memref<1x128xi32, #tpu.memory_space<vmem>>
        %dma_wait3A_327 = tpu.memref_squeeze %dma_wait3A_326 : memref<1x128xi32, #tpu.memory_space<vmem>> -> memref<128xi32, #tpu.memory_space<vmem>>
        %dma_wait3A_328 = arith.constant 0 : i32
        %dma_wait3A_329 = tpu.memref_slice %arg15[%dma_wait3A_328] : memref<10240xf32, #tpu.memory_space<vmem_shared>> -> memref<10240xf32, #tpu.memory_space<vmem_shared>>
        tpu.wait_indirect_dma semaphore(%arg20 : memref<!tpu.dma_semaphore, #tpu.memory_space<semaphore_mem>>) src(%dma_wait3A_324 : memref<128xf32, #tpu.memory_space<vmem>>) dst(%dma_wait3A_329 : memref<10240xf32, #tpu.memory_space<vmem_shared>>)
        %add3A_330 = arith.constant 2 : i32
        %add3A_331 = arith.addi %add3A_224, %add3A_330 : i32
        %dma_start3A_332 = arith.constant 0 : i32
        %dma_start3A_333 = arith.constant 0 : i32
        %dma_start3A_334 = tpu.memref_slice %arg13[%dma_start3A_332, %dma_start3A_333] : memref<2x128xf32, #tpu.memory_space<vmem>> -> memref<1x128xf32, #tpu.memory_space<vmem>>
        %dma_start3A_335 = tpu.memref_squeeze %dma_start3A_334 : memref<1x128xf32, #tpu.memory_space<vmem>> -> memref<128xf32, #tpu.memory_space<vmem>>
        %dma_start3A_336 = arith.constant 0 : i32
        %dma_start3A_337 = tpu.memref_slice %arg11[%add3A_331, %dma_start3A_336] : memref<40x128xi32, #tpu.memory_space<vmem>> -> memref<1x128xi32, #tpu.memory_space<vmem>>
        %dma_start3A_338 = tpu.memref_squeeze %dma_start3A_337 : memref<1x128xi32, #tpu.memory_space<vmem>> -> memref<128xi32, #tpu.memory_space<vmem>>
        %dma_start3A_339 = arith.constant 0 : i32
        %dma_start3A_340 = tpu.memref_slice %arg5[%dma_start3A_339] : memref<10240xf32, #tpu.memory_space<hbm>> -> memref<10240xf32, #tpu.memory_space<hbm>>
        tpu.enqueue_indirect_dma source(%dma_start3A_340 : memref<10240xf32, #tpu.memory_space<hbm>>) target(%dma_start3A_335 : memref<128xf32, #tpu.memory_space<vmem>>) offsets(%dma_start3A_338 : memref<128xi32, #tpu.memory_space<vmem>>) semaphore(%arg18 : memref<!tpu.dma_semaphore, #tpu.memory_space<semaphore_mem>>)
        %dma_wait3A_341 = arith.constant 0 : i32
        %dma_wait3A_342 = arith.constant 0 : i32
        %dma_wait3A_343 = arith.constant 0 : i32
        %dma_wait3A_344 = tpu.memref_slice %arg12[%dma_wait3A_341, %dma_wait3A_342, %dma_wait3A_343] : memref<2x128x128xf32, #tpu.memory_space<vmem>> -> memref<1x128x128xf32, #tpu.memory_space<vmem>>
        %dma_wait3A_345 = tpu.memref_squeeze %dma_wait3A_344 : memref<1x128x128xf32, #tpu.memory_space<vmem>> -> memref<128x128xf32, #tpu.memory_space<vmem>>
        %dma_wait3A_346 = arith.constant 0 : i32
        %dma_wait3A_347 = arith.constant 0 : i32
        %dma_wait3A_348 = tpu.memref_slice %arg14[%dma_wait3A_346, %dma_wait3A_347] : memref<10240x128xf32, #tpu.memory_space<vmem_shared>> -> memref<128x128xf32, #tpu.memory_space<vmem_shared>>
        %dma_wait3A_349 = arith.constant 0 : i32
        %dma_wait3A_350 = arith.constant 0 : i32
        %dma_wait3A_351 = tpu.memref_slice %arg14[%dma_wait3A_349, %dma_wait3A_350] : memref<10240x128xf32, #tpu.memory_space<vmem_shared>> -> memref<128x128xf32, #tpu.memory_space<vmem_shared>>
        %dma_wait3A_352 = arith.constant 0 : i32
        %dma_wait3A_353 = arith.constant 0 : i32
        %dma_wait3A_354 = tpu.memref_slice %arg12[%dma_wait3A_341, %dma_wait3A_352, %dma_wait3A_353] : memref<2x128x128xf32, #tpu.memory_space<vmem>> -> memref<1x128x128xf32, #tpu.memory_space<vmem>>
        %dma_wait3A_355 = tpu.memref_squeeze %dma_wait3A_354 : memref<1x128x128xf32, #tpu.memory_space<vmem>> -> memref<128x128xf32, #tpu.memory_space<vmem>>
        tpu.wait_dma2 semaphore(%arg22 : memref<!tpu.dma_semaphore, #tpu.memory_space<semaphore_mem>>) src(%dma_wait3A_355 : memref<128x128xf32, #tpu.memory_space<vmem>>) dst(%dma_wait3A_351 : memref<128x128xf32, #tpu.memory_space<vmem_shared>>)
        %add3A_356 = arith.constant 2 : i32
        %add3A_357 = arith.addi %add3A_224, %add3A_356 : i32
        %dma_start3A_358 = arith.constant 0 : i32
        %dma_start3A_359 = arith.constant 0 : i32
        %dma_start3A_360 = arith.constant 0 : i32
        %dma_start3A_361 = tpu.memref_slice %arg12[%dma_start3A_358, %dma_start3A_359, %dma_start3A_360] : memref<2x128x128xf32, #tpu.memory_space<vmem>> -> memref<1x128x128xf32, #tpu.memory_space<vmem>>
        %dma_start3A_362 = tpu.memref_squeeze %dma_start3A_361 : memref<1x128x128xf32, #tpu.memory_space<vmem>> -> memref<128x128xf32, #tpu.memory_space<vmem>>
        %dma_start3A_363 = arith.constant 0 : i32
        %dma_start3A_364 = tpu.memref_slice %arg10[%add3A_357, %dma_start3A_363] : memref<40x128xi32, #tpu.memory_space<vmem>> -> memref<1x128xi32, #tpu.memory_space<vmem>>
        %dma_start3A_365 = tpu.memref_squeeze %dma_start3A_364 : memref<1x128xi32, #tpu.memory_space<vmem>> -> memref<128xi32, #tpu.memory_space<vmem>>
        %dma_start3A_366 = arith.constant 0 : i32
        %dma_start3A_367 = arith.constant 0 : i32
        %dma_start3A_368 = tpu.memref_slice %arg2[%dma_start3A_366, %dma_start3A_367] : memref<10240x128xf32, #tpu.memory_space<hbm>> -> memref<10240x128xf32, #tpu.memory_space<hbm>>
        tpu.enqueue_indirect_dma source(%dma_start3A_368 : memref<10240x128xf32, #tpu.memory_space<hbm>>) target(%dma_start3A_362 : memref<128x128xf32, #tpu.memory_space<vmem>>) offsets(%dma_start3A_365 : memref<128xi32, #tpu.memory_space<vmem>>) semaphore(%arg16 : memref<!tpu.dma_semaphore, #tpu.memory_space<semaphore_mem>>)
      } else {
      }
      %mul3A_269 = arith.constant 2 : i32
      %mul3A_270 = arith.muli %scan3A_219, %mul3A_269 : i32
      %add3A_271 = arith.constant 1 : i32
      %add3A_272 = arith.addi %mul3A_270, %add3A_271 : i32
      %dma_wait3A_273 = arith.constant 1 : i32
      %dma_wait3A_274 = arith.constant 0 : i32
      %dma_wait3A_275 = arith.constant 0 : i32
      %dma_wait3A_276 = tpu.memref_slice %arg12[%dma_wait3A_273, %dma_wait3A_274, %dma_wait3A_275] : memref<2x128x128xf32, #tpu.memory_space<vmem>> -> memref<1x128x128xf32, #tpu.memory_space<vmem>>
      %dma_wait3A_277 = tpu.memref_squeeze %dma_wait3A_276 : memref<1x128x128xf32, #tpu.memory_space<vmem>> -> memref<128x128xf32, #tpu.memory_space<vmem>>
      %dma_wait3A_278 = arith.constant 0 : i32
      %dma_wait3A_279 = tpu.memref_slice %arg10[%add3A_272, %dma_wait3A_278] : memref<40x128xi32, #tpu.memory_space<vmem>> -> memref<1x128xi32, #tpu.memory_space<vmem>>
      %dma_wait3A_280 = tpu.memref_squeeze %dma_wait3A_279 : memref<1x128xi32, #tpu.memory_space<vmem>> -> memref<128xi32, #tpu.memory_space<vmem>>
      %dma_wait3A_281 = arith.constant 0 : i32
      %dma_wait3A_282 = arith.constant 0 : i32
      %dma_wait3A_283 = tpu.memref_slice %arg2[%dma_wait3A_281, %dma_wait3A_282] : memref<10240x128xf32, #tpu.memory_space<hbm>> -> memref<10240x128xf32, #tpu.memory_space<hbm>>
      tpu.wait_indirect_dma semaphore(%arg17 : memref<!tpu.dma_semaphore, #tpu.memory_space<semaphore_mem>>) src(%dma_wait3A_283 : memref<10240x128xf32, #tpu.memory_space<hbm>>) dst(%dma_wait3A_277 : memref<128x128xf32, #tpu.memory_space<vmem>>)
      %dma_start3A_284 = arith.constant 1 : i32
      %dma_start3A_285 = arith.constant 0 : i32
      %dma_start3A_286 = arith.constant 0 : i32
      %dma_start3A_287 = tpu.memref_slice %arg12[%dma_start3A_284, %dma_start3A_285, %dma_start3A_286] : memref<2x128x128xf32, #tpu.memory_space<vmem>> -> memref<1x128x128xf32, #tpu.memory_space<vmem>>
      %dma_start3A_288 = tpu.memref_squeeze %dma_start3A_287 : memref<1x128x128xf32, #tpu.memory_space<vmem>> -> memref<128x128xf32, #tpu.memory_space<vmem>>
      %dma_start3A_289 = arith.constant 0 : i32
      %dma_start3A_290 = tpu.memref_slice %arg11[%add3A_272, %dma_start3A_289] : memref<40x128xi32, #tpu.memory_space<vmem>> -> memref<1x128xi32, #tpu.memory_space<vmem>>
      %dma_start3A_291 = tpu.memref_squeeze %dma_start3A_290 : memref<1x128xi32, #tpu.memory_space<vmem>> -> memref<128xi32, #tpu.memory_space<vmem>>
      %dma_start3A_292 = arith.constant 0 : i32
      %dma_start3A_293 = arith.constant 0 : i32
      %dma_start3A_294 = tpu.memref_slice %arg14[%dma_start3A_292, %dma_start3A_293] : memref<10240x128xf32, #tpu.memory_space<vmem_shared>> -> memref<10240x128xf32, #tpu.memory_space<vmem_shared>>
      tpu.enqueue_indirect_dma source(%dma_start3A_288 : memref<128x128xf32, #tpu.memory_space<vmem>>) target(%dma_start3A_294 : memref<10240x128xf32, #tpu.memory_space<vmem_shared>>) offsets(%dma_start3A_291 : memref<128xi32, #tpu.memory_space<vmem>>) semaphore(%arg23 : memref<!tpu.dma_semaphore, #tpu.memory_space<semaphore_mem>>) {add = true}
      %dma_wait3A_295 = arith.constant 1 : i32
      %dma_wait3A_296 = arith.constant 0 : i32
      %dma_wait3A_297 = tpu.memref_slice %arg13[%dma_wait3A_295, %dma_wait3A_296] : memref<2x128xf32, #tpu.memory_space<vmem>> -> memref<1x128xf32, #tpu.memory_space<vmem>>
      %dma_wait3A_298 = tpu.memref_squeeze %dma_wait3A_297 : memref<1x128xf32, #tpu.memory_space<vmem>> -> memref<128xf32, #tpu.memory_space<vmem>>
      %dma_wait3A_299 = arith.constant 0 : i32
      %dma_wait3A_300 = tpu.memref_slice %arg11[%add3A_272, %dma_wait3A_299] : memref<40x128xi32, #tpu.memory_space<vmem>> -> memref<1x128xi32, #tpu.memory_space<vmem>>
      %dma_wait3A_301 = tpu.memref_squeeze %dma_wait3A_300 : memref<1x128xi32, #tpu.memory_space<vmem>> -> memref<128xi32, #tpu.memory_space<vmem>>
      %dma_wait3A_302 = arith.constant 0 : i32
      %dma_wait3A_303 = tpu.memref_slice %arg5[%dma_wait3A_302] : memref<10240xf32, #tpu.memory_space<hbm>> -> memref<10240xf32, #tpu.memory_space<hbm>>
      tpu.wait_indirect_dma semaphore(%arg19 : memref<!tpu.dma_semaphore, #tpu.memory_space<semaphore_mem>>) src(%dma_wait3A_303 : memref<10240xf32, #tpu.memory_space<hbm>>) dst(%dma_wait3A_298 : memref<128xf32, #tpu.memory_space<vmem>>)
      %dma_start3A_304 = arith.constant 1 : i32
      %dma_start3A_305 = arith.constant 0 : i32
      %dma_start3A_306 = tpu.memref_slice %arg13[%dma_start3A_304, %dma_start3A_305] : memref<2x128xf32, #tpu.memory_space<vmem>> -> memref<1x128xf32, #tpu.memory_space<vmem>>
      %dma_start3A_307 = tpu.memref_squeeze %dma_start3A_306 : memref<1x128xf32, #tpu.memory_space<vmem>> -> memref<128xf32, #tpu.memory_space<vmem>>
      %dma_start3A_308 = arith.constant 0 : i32
      %dma_start3A_309 = tpu.memref_slice %arg10[%add3A_272, %dma_start3A_308] : memref<40x128xi32, #tpu.memory_space<vmem>> -> memref<1x128xi32, #tpu.memory_space<vmem>>
      %dma_start3A_310 = tpu.memref_squeeze %dma_start3A_309 : memref<1x128xi32, #tpu.memory_space<vmem>> -> memref<128xi32, #tpu.memory_space<vmem>>
      %dma_start3A_311 = arith.constant 0 : i32
      %dma_start3A_312 = tpu.memref_slice %arg15[%dma_start3A_311] : memref<10240xf32, #tpu.memory_space<vmem_shared>> -> memref<10240xf32, #tpu.memory_space<vmem_shared>>
      tpu.enqueue_indirect_dma source(%dma_start3A_307 : memref<128xf32, #tpu.memory_space<vmem>>) target(%dma_start3A_312 : memref<10240xf32, #tpu.memory_space<vmem_shared>>) offsets(%dma_start3A_310 : memref<128xi32, #tpu.memory_space<vmem>>) semaphore(%arg21 : memref<!tpu.dma_semaphore, #tpu.memory_space<semaphore_mem>>) {add = true}
      %add3A_313 = arith.constant 2 : i32
      %add3A_314 = arith.addi %add3A_272, %add3A_313 : i32
      %lt3A_315 = arith.constant 40 : i32
      %lt3A_316 = arith.cmpi slt, %add3A_314, %lt3A_315 : i32
      %convert_element_type3A_317 = arith.extui %lt3A_316 : i1 to i32
      %cond3A_318 = arith.constant 0 : i32
      %cond3A_319 = arith.cmpi ne, %convert_element_type3A_317, %cond3A_318 : i32
      scf.if %cond3A_319 {
        %dma_wait3A_321 = arith.constant 1 : i32
        %dma_wait3A_322 = arith.constant 0 : i32
        %dma_wait3A_323 = tpu.memref_slice %arg13[%dma_wait3A_321, %dma_wait3A_322] : memref<2x128xf32, #tpu.memory_space<vmem>> -> memref<1x128xf32, #tpu.memory_space<vmem>>
        %dma_wait3A_324 = tpu.memref_squeeze %dma_wait3A_323 : memref<1x128xf32, #tpu.memory_space<vmem>> -> memref<128xf32, #tpu.memory_space<vmem>>
        %dma_wait3A_325 = arith.constant 0 : i32
        %dma_wait3A_326 = tpu.memref_slice %arg10[%add3A_272, %dma_wait3A_325] : memref<40x128xi32, #tpu.memory_space<vmem>> -> memref<1x128xi32, #tpu.memory_space<vmem>>
        %dma_wait3A_327 = tpu.memref_squeeze %dma_wait3A_326 : memref<1x128xi32, #tpu.memory_space<vmem>> -> memref<128xi32, #tpu.memory_space<vmem>>
        %dma_wait3A_328 = arith.constant 0 : i32
        %dma_wait3A_329 = tpu.memref_slice %arg15[%dma_wait3A_328] : memref<10240xf32, #tpu.memory_space<vmem_shared>> -> memref<10240xf32, #tpu.memory_space<vmem_shared>>
        tpu.wait_indirect_dma semaphore(%arg21 : memref<!tpu.dma_semaphore, #tpu.memory_space<semaphore_mem>>) src(%dma_wait3A_324 : memref<128xf32, #tpu.memory_space<vmem>>) dst(%dma_wait3A_329 : memref<10240xf32, #tpu.memory_space<vmem_shared>>)
        %add3A_330 = arith.constant 2 : i32
        %add3A_331 = arith.addi %add3A_272, %add3A_330 : i32
        %dma_start3A_332 = arith.constant 1 : i32
        %dma_start3A_333 = arith.constant 0 : i32
        %dma_start3A_334 = tpu.memref_slice %arg13[%dma_start3A_332, %dma_start3A_333] : memref<2x128xf32, #tpu.memory_space<vmem>> -> memref<1x128xf32, #tpu.memory_space<vmem>>
        %dma_start3A_335 = tpu.memref_squeeze %dma_start3A_334 : memref<1x128xf32, #tpu.memory_space<vmem>> -> memref<128xf32, #tpu.memory_space<vmem>>
        %dma_start3A_336 = arith.constant 0 : i32
        %dma_start3A_337 = tpu.memref_slice %arg11[%add3A_331, %dma_start3A_336] : memref<40x128xi32, #tpu.memory_space<vmem>> -> memref<1x128xi32, #tpu.memory_space<vmem>>
        %dma_start3A_338 = tpu.memref_squeeze %dma_start3A_337 : memref<1x128xi32, #tpu.memory_space<vmem>> -> memref<128xi32, #tpu.memory_space<vmem>>
        %dma_start3A_339 = arith.constant 0 : i32
        %dma_start3A_340 = tpu.memref_slice %arg5[%dma_start3A_339] : memref<10240xf32, #tpu.memory_space<hbm>> -> memref<10240xf32, #tpu.memory_space<hbm>>
        tpu.enqueue_indirect_dma source(%dma_start3A_340 : memref<10240xf32, #tpu.memory_space<hbm>>) target(%dma_start3A_335 : memref<128xf32, #tpu.memory_space<vmem>>) offsets(%dma_start3A_338 : memref<128xi32, #tpu.memory_space<vmem>>) semaphore(%arg19 : memref<!tpu.dma_semaphore, #tpu.memory_space<semaphore_mem>>)
        %dma_wait3A_341 = arith.constant 1 : i32
        %dma_wait3A_342 = arith.constant 0 : i32
        %dma_wait3A_343 = arith.constant 0 : i32
        %dma_wait3A_344 = tpu.memref_slice %arg12[%dma_wait3A_341, %dma_wait3A_342, %dma_wait3A_343] : memref<2x128x128xf32, #tpu.memory_space<vmem>> -> memref<1x128x128xf32, #tpu.memory_space<vmem>>
        %dma_wait3A_345 = tpu.memref_squeeze %dma_wait3A_344 : memref<1x128x128xf32, #tpu.memory_space<vmem>> -> memref<128x128xf32, #tpu.memory_space<vmem>>
        %dma_wait3A_346 = arith.constant 0 : i32
        %dma_wait3A_347 = arith.constant 0 : i32
        %dma_wait3A_348 = tpu.memref_slice %arg14[%dma_wait3A_346, %dma_wait3A_347] : memref<10240x128xf32, #tpu.memory_space<vmem_shared>> -> memref<128x128xf32, #tpu.memory_space<vmem_shared>>
        %dma_wait3A_349 = arith.constant 0 : i32
        %dma_wait3A_350 = arith.constant 0 : i32
        %dma_wait3A_351 = tpu.memref_slice %arg14[%dma_wait3A_349, %dma_wait3A_350] : memref<10240x128xf32, #tpu.memory_space<vmem_shared>> -> memref<128x128xf32, #tpu.memory_space<vmem_shared>>
        %dma_wait3A_352 = arith.constant 0 : i32
        %dma_wait3A_353 = arith.constant 0 : i32
        %dma_wait3A_354 = tpu.memref_slice %arg12[%dma_wait3A_341, %dma_wait3A_352, %dma_wait3A_353] : memref<2x128x128xf32, #tpu.memory_space<vmem>> -> memref<1x128x128xf32, #tpu.memory_space<vmem>>
        %dma_wait3A_355 = tpu.memref_squeeze %dma_wait3A_354 : memref<1x128x128xf32, #tpu.memory_space<vmem>> -> memref<128x128xf32, #tpu.memory_space<vmem>>
        tpu.wait_dma2 semaphore(%arg23 : memref<!tpu.dma_semaphore, #tpu.memory_space<semaphore_mem>>) src(%dma_wait3A_355 : memref<128x128xf32, #tpu.memory_space<vmem>>) dst(%dma_wait3A_351 : memref<128x128xf32, #tpu.memory_space<vmem_shared>>)
        %add3A_356 = arith.constant 2 : i32
        %add3A_357 = arith.addi %add3A_272, %add3A_356 : i32
        %dma_start3A_358 = arith.constant 1 : i32
        %dma_start3A_359 = arith.constant 0 : i32
        %dma_start3A_360 = arith.constant 0 : i32
        %dma_start3A_361 = tpu.memref_slice %arg12[%dma_start3A_358, %dma_start3A_359, %dma_start3A_360] : memref<2x128x128xf32, #tpu.memory_space<vmem>> -> memref<1x128x128xf32, #tpu.memory_space<vmem>>
        %dma_start3A_362 = tpu.memref_squeeze %dma_start3A_361 : memref<1x128x128xf32, #tpu.memory_space<vmem>> -> memref<128x128xf32, #tpu.memory_space<vmem>>
        %dma_start3A_363 = arith.constant 0 : i32
        %dma_start3A_364 = tpu.memref_slice %arg10[%add3A_357, %dma_start3A_363] : memref<40x128xi32, #tpu.memory_space<vmem>> -> memref<1x128xi32, #tpu.memory_space<vmem>>
        %dma_start3A_365 = tpu.memref_squeeze %dma_start3A_364 : memref<1x128xi32, #tpu.memory_space<vmem>> -> memref<128xi32, #tpu.memory_space<vmem>>
        %dma_start3A_366 = arith.constant 0 : i32
        %dma_start3A_367 = arith.constant 0 : i32
        %dma_start3A_368 = tpu.memref_slice %arg2[%dma_start3A_366, %dma_start3A_367] : memref<10240x128xf32, #tpu.memory_space<hbm>> -> memref<10240x128xf32, #tpu.memory_space<hbm>>
        tpu.enqueue_indirect_dma source(%dma_start3A_368 : memref<10240x128xf32, #tpu.memory_space<hbm>>) target(%dma_start3A_362 : memref<128x128xf32, #tpu.memory_space<vmem>>) offsets(%dma_start3A_365 : memref<128xi32, #tpu.memory_space<vmem>>) semaphore(%arg17 : memref<!tpu.dma_semaphore, #tpu.memory_space<semaphore_mem>>)
      } else {
      }
      %scan3A_320 = arith.constant 0 : i32
      scf.yield %scan3A_320 : i32
    }
    %scan3A_167 = arith.constant 20 : i32
    %dma_wait3A_168 = arith.constant 0 : i32
    %dma_wait3A_169 = arith.constant 0 : i32
    %dma_wait3A_170 = arith.constant 0 : i32
    %dma_wait3A_171 = tpu.memref_slice %arg13[%dma_wait3A_168, %dma_wait3A_170] : memref<2x128xf32, #tpu.memory_space<vmem>> -> memref<1x128xf32, #tpu.memory_space<vmem>>
    %dma_wait3A_172 = tpu.memref_squeeze %dma_wait3A_171 : memref<1x128xf32, #tpu.memory_space<vmem>> -> memref<128xf32, #tpu.memory_space<vmem>>
    %dma_wait3A_173 = arith.constant 0 : i32
    %dma_wait3A_174 = tpu.memref_slice %arg10[%dma_wait3A_169, %dma_wait3A_173] : memref<40x128xi32, #tpu.memory_space<vmem>> -> memref<1x128xi32, #tpu.memory_space<vmem>>
    %dma_wait3A_175 = tpu.memref_squeeze %dma_wait3A_174 : memref<1x128xi32, #tpu.memory_space<vmem>> -> memref<128xi32, #tpu.memory_space<vmem>>
    %dma_wait3A_176 = arith.constant 0 : i32
    %dma_wait3A_177 = tpu.memref_slice %arg15[%dma_wait3A_176] : memref<10240xf32, #tpu.memory_space<vmem_shared>> -> memref<10240xf32, #tpu.memory_space<vmem_shared>>
    tpu.wait_indirect_dma semaphore(%arg20 : memref<!tpu.dma_semaphore, #tpu.memory_space<semaphore_mem>>) src(%dma_wait3A_172 : memref<128xf32, #tpu.memory_space<vmem>>) dst(%dma_wait3A_177 : memref<10240xf32, #tpu.memory_space<vmem_shared>>)
    %dma_wait3A_178 = arith.constant 0 : i32
    %dma_wait3A_179 = arith.constant 0 : i32
    %dma_wait3A_180 = arith.constant 0 : i32
    %dma_wait3A_181 = tpu.memref_slice %arg12[%dma_wait3A_178, %dma_wait3A_179, %dma_wait3A_180] : memref<2x128x128xf32, #tpu.memory_space<vmem>> -> memref<1x128x128xf32, #tpu.memory_space<vmem>>
    %dma_wait3A_182 = tpu.memref_squeeze %dma_wait3A_181 : memref<1x128x128xf32, #tpu.memory_space<vmem>> -> memref<128x128xf32, #tpu.memory_space<vmem>>
    %dma_wait3A_183 = arith.constant 0 : i32
    %dma_wait3A_184 = arith.constant 0 : i32
    %dma_wait3A_185 = tpu.memref_slice %arg14[%dma_wait3A_183, %dma_wait3A_184] : memref<10240x128xf32, #tpu.memory_space<vmem_shared>> -> memref<128x128xf32, #tpu.memory_space<vmem_shared>>
    %dma_wait3A_186 = arith.constant 0 : i32
    %dma_wait3A_187 = arith.constant 0 : i32
    %dma_wait3A_188 = tpu.memref_slice %arg14[%dma_wait3A_186, %dma_wait3A_187] : memref<10240x128xf32, #tpu.memory_space<vmem_shared>> -> memref<128x128xf32, #tpu.memory_space<vmem_shared>>
    %dma_wait3A_189 = arith.constant 0 : i32
    %dma_wait3A_190 = arith.constant 0 : i32
    %dma_wait3A_191 = tpu.memref_slice %arg12[%dma_wait3A_178, %dma_wait3A_189, %dma_wait3A_190] : memref<2x128x128xf32, #tpu.memory_space<vmem>> -> memref<1x128x128xf32, #tpu.memory_space<vmem>>
    %dma_wait3A_192 = tpu.memref_squeeze %dma_wait3A_191 : memref<1x128x128xf32, #tpu.memory_space<vmem>> -> memref<128x128xf32, #tpu.memory_space<vmem>>
    tpu.wait_dma2 semaphore(%arg22 : memref<!tpu.dma_semaphore, #tpu.memory_space<semaphore_mem>>) src(%dma_wait3A_192 : memref<128x128xf32, #tpu.memory_space<vmem>>) dst(%dma_wait3A_188 : memref<128x128xf32, #tpu.memory_space<vmem_shared>>)
    %dma_wait3A_193 = arith.constant 1 : i32
    %dma_wait3A_194 = arith.constant 0 : i32
    %dma_wait3A_195 = arith.constant 0 : i32
    %dma_wait3A_196 = tpu.memref_slice %arg13[%dma_wait3A_193, %dma_wait3A_195] : memref<2x128xf32, #tpu.memory_space<vmem>> -> memref<1x128xf32, #tpu.memory_space<vmem>>
    %dma_wait3A_197 = tpu.memref_squeeze %dma_wait3A_196 : memref<1x128xf32, #tpu.memory_space<vmem>> -> memref<128xf32, #tpu.memory_space<vmem>>
    %dma_wait3A_198 = arith.constant 0 : i32
    %dma_wait3A_199 = tpu.memref_slice %arg10[%dma_wait3A_194, %dma_wait3A_198] : memref<40x128xi32, #tpu.memory_space<vmem>> -> memref<1x128xi32, #tpu.memory_space<vmem>>
    %dma_wait3A_200 = tpu.memref_squeeze %dma_wait3A_199 : memref<1x128xi32, #tpu.memory_space<vmem>> -> memref<128xi32, #tpu.memory_space<vmem>>
    %dma_wait3A_201 = arith.constant 0 : i32
    %dma_wait3A_202 = tpu.memref_slice %arg15[%dma_wait3A_201] : memref<10240xf32, #tpu.memory_space<vmem_shared>> -> memref<10240xf32, #tpu.memory_space<vmem_shared>>
    tpu.wait_indirect_dma semaphore(%arg21 : memref<!tpu.dma_semaphore, #tpu.memory_space<semaphore_mem>>) src(%dma_wait3A_197 : memref<128xf32, #tpu.memory_space<vmem>>) dst(%dma_wait3A_202 : memref<10240xf32, #tpu.memory_space<vmem_shared>>)
    %dma_wait3A_203 = arith.constant 1 : i32
    %dma_wait3A_204 = arith.constant 0 : i32
    %dma_wait3A_205 = arith.constant 0 : i32
    %dma_wait3A_206 = tpu.memref_slice %arg12[%dma_wait3A_203, %dma_wait3A_204, %dma_wait3A_205] : memref<2x128x128xf32, #tpu.memory_space<vmem>> -> memref<1x128x128xf32, #tpu.memory_space<vmem>>
    %dma_wait3A_207 = tpu.memref_squeeze %dma_wait3A_206 : memref<1x128x128xf32, #tpu.memory_space<vmem>> -> memref<128x128xf32, #tpu.memory_space<vmem>>
    %dma_wait3A_208 = arith.constant 0 : i32
    %dma_wait3A_209 = arith.constant 0 : i32
    %dma_wait3A_210 = tpu.memref_slice %arg14[%dma_wait3A_208, %dma_wait3A_209] : memref<10240x128xf32, #tpu.memory_space<vmem_shared>> -> memref<128x128xf32, #tpu.memory_space<vmem_shared>>
    %dma_wait3A_211 = arith.constant 0 : i32
    %dma_wait3A_212 = arith.constant 0 : i32
    %dma_wait3A_213 = tpu.memref_slice %arg14[%dma_wait3A_211, %dma_wait3A_212] : memref<10240x128xf32, #tpu.memory_space<vmem_shared>> -> memref<128x128xf32, #tpu.memory_space<vmem_shared>>
    %dma_wait3A_214 = arith.constant 0 : i32
    %dma_wait3A_215 = arith.constant 0 : i32
    %dma_wait3A_216 = tpu.memref_slice %arg12[%dma_wait3A_203, %dma_wait3A_214, %dma_wait3A_215] : memref<2x128x128xf32, #tpu.memory_space<vmem>> -> memref<1x128x128xf32, #tpu.memory_space<vmem>>
    %dma_wait3A_217 = tpu.memref_squeeze %dma_wait3A_216 : memref<1x128x128xf32, #tpu.memory_space<vmem>> -> memref<128x128xf32, #tpu.memory_space<vmem>>
    tpu.wait_dma2 semaphore(%arg23 : memref<!tpu.dma_semaphore, #tpu.memory_space<semaphore_mem>>) src(%dma_wait3A_217 : memref<128x128xf32, #tpu.memory_space<vmem>>) dst(%dma_wait3A_213 : memref<128x128xf32, #tpu.memory_space<vmem_shared>>)
    %barrier3A_218 = arith.constant 0 : index
    tpu.barrier barrier_id(%barrier3A_218)
    "tpu.region"() ({
      %run_scoped3A = tpu.sem_alloc : memref<!tpu.dma_semaphore, #tpu.memory_space<semaphore_mem>>
      %dma_start3A_219 = arith.constant 0 : i32
      %dma_start3A_220 = tpu.memref_slice %arg8[%arg0, %mul3A_2, %dma_start3A_219] : memref<2x10240x128xf32, #tpu.memory_space<hbm>> -> memref<1x640x128xf32, #tpu.memory_space<hbm>>
      %dma_start3A_221 = tpu.memref_squeeze %dma_start3A_220 : memref<1x640x128xf32, #tpu.memory_space<hbm>> -> memref<640x128xf32, #tpu.memory_space<hbm>>
      %dma_start3A_222 = arith.constant 0 : i32
      %dma_start3A_223 = tpu.memref_slice %arg14[%mul3A_2, %dma_start3A_222] : memref<10240x128xf32, #tpu.memory_space<vmem_shared>> -> memref<640x128xf32, #tpu.memory_space<vmem_shared>>
      tpu.enqueue_dma source(%dma_start3A_223 : memref<640x128xf32, #tpu.memory_space<vmem_shared>>) target(%dma_start3A_221 : memref<640x128xf32, #tpu.memory_space<hbm>>) target_semaphore(%run_scoped3A : memref<!tpu.dma_semaphore, #tpu.memory_space<semaphore_mem>>)
      %dma_wait3A_224 = arith.constant 0 : i32
      %dma_wait3A_225 = tpu.memref_slice %arg8[%arg0, %mul3A_2, %dma_wait3A_224] : memref<2x10240x128xf32, #tpu.memory_space<hbm>> -> memref<1x640x128xf32, #tpu.memory_space<hbm>>
      %dma_wait3A_226 = tpu.memref_squeeze %dma_wait3A_225 : memref<1x640x128xf32, #tpu.memory_space<hbm>> -> memref<640x128xf32, #tpu.memory_space<hbm>>
      %dma_wait3A_227 = arith.constant 0 : i32
      %dma_wait3A_228 = tpu.memref_slice %arg14[%mul3A_2, %dma_wait3A_227] : memref<10240x128xf32, #tpu.memory_space<vmem_shared>> -> memref<640x128xf32, #tpu.memory_space<vmem_shared>>
      tpu.wait_dma2 semaphore(%run_scoped3A : memref<!tpu.dma_semaphore, #tpu.memory_space<semaphore_mem>>) src(%dma_wait3A_228 : memref<640x128xf32, #tpu.memory_space<vmem_shared>>) dst(%dma_wait3A_226 : memref<640x128xf32, #tpu.memory_space<hbm>>)
      tpu.yield
    }) : () -> ()
    "tpu.region"() ({
      %run_scoped3A = tpu.sem_alloc : memref<!tpu.dma_semaphore, #tpu.memory_space<semaphore_mem>>
      %dma_start3A_219 = tpu.memref_slice %arg9[%arg0, %mul3A_2] : memref<2x10240xf32, #tpu.memory_space<hbm>> -> memref<1x640xf32, #tpu.memory_space<hbm>>
      %dma_start3A_220 = tpu.memref_squeeze %dma_start3A_219 : memref<1x640xf32, #tpu.memory_space<hbm>> -> memref<640xf32, #tpu.memory_space<hbm>>
      %dma_start3A_221 = tpu.memref_slice %arg15[%mul3A_2] : memref<10240xf32, #tpu.memory_space<vmem_shared>> -> memref<640xf32, #tpu.memory_space<vmem_shared>>
      tpu.enqueue_dma source(%dma_start3A_221 : memref<640xf32, #tpu.memory_space<vmem_shared>>) target(%dma_start3A_220 : memref<640xf32, #tpu.memory_space<hbm>>) target_semaphore(%run_scoped3A : memref<!tpu.dma_semaphore, #tpu.memory_space<semaphore_mem>>)
      %dma_wait3A_222 = tpu.memref_slice %arg9[%arg0, %mul3A_2] : memref<2x10240xf32, #tpu.memory_space<hbm>> -> memref<1x640xf32, #tpu.memory_space<hbm>>
      %dma_wait3A_223 = tpu.memref_squeeze %dma_wait3A_222 : memref<1x640xf32, #tpu.memory_space<hbm>> -> memref<640xf32, #tpu.memory_space<hbm>>
      %dma_wait3A_224 = tpu.memref_slice %arg15[%mul3A_2] : memref<10240xf32, #tpu.memory_space<vmem_shared>> -> memref<640xf32, #tpu.memory_space<vmem_shared>>
      tpu.wait_dma2 semaphore(%run_scoped3A : memref<!tpu.dma_semaphore, #tpu.memory_space<semaphore_mem>>) src(%dma_wait3A_224 : memref<640xf32, #tpu.memory_space<vmem_shared>>) dst(%dma_wait3A_223 : memref<640xf32, #tpu.memory_space<hbm>>)
      tpu.yield
    }) : () -> ()
    return
  }
}

module attributes {stable_mosaic.version = 14 : i64} {
  func.func @_fuse_body(%arg0: i32, %arg1: memref<1024x128xf32, #tpu.memory_space<vmem>>, %arg2: memref<128x128xf32, #tpu.memory_space<vmem>>, %arg3: memref<2x1024x1xf32, #tpu.memory_space<vmem>>, %arg4: memref<2x1024x1xf32, #tpu.memory_space<vmem>>, %arg5: memref<1024x128xf32, #tpu.memory_space<vmem>>, %arg6: memref<1024x1xf32, #tpu.memory_space<vmem>>, %arg7: memref<1024x1xf32, #tpu.memory_space<vmem>>) attributes {dimension_semantics = [#tpu.dimension_semantics<arbitrary>], iteration_bounds = array<i64: 10>, scalar_prefetch = 0 : i64, scratch_operands = 0 : i64, tpu.core_type = #tpu.core_type<tc>, window_params = [{transform_indices = @transform_0, window_bounds = array<i64: 1024, 128>}, {pipeline_mode = #tpu.pipeline_mode<synchronous>, transform_indices = @transform_1, window_bounds = array<i64: 128, 128>}, {transform_indices = @transform_2, window_bounds = array<i64: 2, 1024, 1>}, {transform_indices = @transform_3, window_bounds = array<i64: 2, 1024, 1>}, {transform_indices = @transform_4, window_bounds = array<i64: 1024, 128>}, {transform_indices = @transform_5, window_bounds = array<i64: 1024, 1>}, {transform_indices = @transform_6, window_bounds = array<i64: 1024, 1>}]} {
    %get3A = arith.constant 0 : index
    %get3A_0 = arith.constant 0 : index
    %get3A_1 = arith.constant 0 : index
    %get3A_2 = vector.load %arg3[%get3A, %get3A_0, %get3A_1] : memref<2x1024x1xf32, #tpu.memory_space<vmem>>, vector<1x1024x1xf32>
    %get3A_3 = vector.shape_cast %get3A_2 : vector<1x1024x1xf32> to vector<1024x1xf32>
    %get3A_4 = arith.constant 1 : index
    %get3A_5 = arith.constant 0 : index
    %get3A_6 = arith.constant 0 : index
    %get3A_7 = vector.load %arg3[%get3A_4, %get3A_5, %get3A_6] : memref<2x1024x1xf32, #tpu.memory_space<vmem>>, vector<1x1024x1xf32>
    %get3A_8 = vector.shape_cast %get3A_7 : vector<1x1024x1xf32> to vector<1024x1xf32>
    %add3A = arith.addf %get3A_3, %get3A_8 : vector<1024x1xf32>
    %get3A_9 = arith.constant 0 : index
    %get3A_10 = arith.constant 0 : index
    %get3A_11 = arith.constant 0 : index
    %get3A_12 = vector.load %arg4[%get3A_9, %get3A_10, %get3A_11] : memref<2x1024x1xf32, #tpu.memory_space<vmem>>, vector<1x1024x1xf32>
    %get3A_13 = vector.shape_cast %get3A_12 : vector<1x1024x1xf32> to vector<1024x1xf32>
    %get3A_14 = arith.constant 1 : index
    %get3A_15 = arith.constant 0 : index
    %get3A_16 = arith.constant 0 : index
    %get3A_17 = vector.load %arg4[%get3A_14, %get3A_15, %get3A_16] : memref<2x1024x1xf32, #tpu.memory_space<vmem>>, vector<1x1024x1xf32>
    %get3A_18 = vector.shape_cast %get3A_17 : vector<1x1024x1xf32> to vector<1024x1xf32>
    %add3A_19 = arith.addf %get3A_13, %get3A_18 : vector<1024x1xf32>
    %max3A = arith.constant 1.000000e+00 : f32
    %max3A_20 = vector.broadcast %max3A : f32 to vector<1024x1xf32>
    %max3A_21 = arith.maximumf %add3A, %max3A_20 : vector<1024x1xf32>
    %rsqrt3A = math.rsqrt %max3A_21 : vector<1024x1xf32>
    %max3A_22 = arith.constant 1.000000e+00 : f32
    %max3A_23 = vector.broadcast %max3A_22 : f32 to vector<1024x1xf32>
    %max3A_24 = arith.maximumf %add3A_19, %max3A_23 : vector<1024x1xf32>
    %rsqrt3A_25 = math.rsqrt %max3A_24 : vector<1024x1xf32>
    %get3A_26 = arith.constant 0 : index
    %get3A_27 = arith.constant 0 : index
    %get3A_28 = vector.load %arg1[%get3A_26, %get3A_27] : memref<1024x128xf32, #tpu.memory_space<vmem>>, vector<1024x128xf32>
    %sin3A = math.sin %get3A_28 : vector<1024x128xf32>
    %mul3A = vector.broadcast %rsqrt3A : vector<1024x1xf32> to vector<1024x128xf32>
    %mul3A_29 = arith.mulf %sin3A, %mul3A : vector<1024x128xf32>
    %get3A_30 = arith.constant 0 : index
    %get3A_31 = arith.constant 0 : index
    %get3A_32 = vector.load %arg2[%get3A_30, %get3A_31] : memref<128x128xf32, #tpu.memory_space<vmem>>, vector<128x128xf32>
    %dot_general3A = arith.constant dense<0.000000e+00> : vector<1024x128xf32>
    %dot_general3A_33 = tpu.matmul %mul3A_29, %get3A_32, %dot_general3A {dimension_numbers = #tpu.dot_dimension_numbers<[1], [0], [0], [1], [0, 0, 1, 1], [], []>, transpose_lhs_hint = false} : vector<1024x128xf32>, vector<128x128xf32>, vector<1024x128xf32> -> vector<1024x128xf32>
    %swap3A = arith.constant 0 : index
    %swap3A_34 = arith.constant 0 : index
    %swap3A_35 = vector.load %arg5[%swap3A, %swap3A_34] : memref<1024x128xf32, #tpu.memory_space<vmem>>, vector<1024x128xf32>
    tpu.vector_store %arg5[%swap3A, %swap3A_34], %dot_general3A_33 {strides = array<i32>} : memref<1024x128xf32, #tpu.memory_space<vmem>>, vector<1024x128xf32>,
    %swap3A_36 = arith.constant 0 : index
    %swap3A_37 = arith.constant 0 : index
    %swap3A_38 = vector.load %arg6[%swap3A_36, %swap3A_37] : memref<1024x1xf32, #tpu.memory_space<vmem>>, vector<1024x1xf32>
    tpu.vector_store %arg6[%swap3A_36, %swap3A_37], %rsqrt3A {strides = array<i32>} : memref<1024x1xf32, #tpu.memory_space<vmem>>, vector<1024x1xf32>,
    %swap3A_39 = arith.constant 0 : index
    %swap3A_40 = arith.constant 0 : index
    %swap3A_41 = vector.load %arg7[%swap3A_39, %swap3A_40] : memref<1024x1xf32, #tpu.memory_space<vmem>>, vector<1024x1xf32>
    tpu.vector_store %arg7[%swap3A_39, %swap3A_40], %rsqrt3A_25 {strides = array<i32>} : memref<1024x1xf32, #tpu.memory_space<vmem>>, vector<1024x1xf32>,
    return
  }
  func.func @transform_0(%arg0: i32) -> (i32, i32) {
    %c0_i32 = arith.constant 0 : i32
    %c0_i32_0 = arith.constant 0 : i32
    return %arg0, %c0_i32 : i32, i32
  }
  func.func @transform_1(%arg0: i32) -> (i32, i32) {
    %c0_i32 = arith.constant 0 : i32
    %c0_i32_0 = arith.constant 0 : i32
    %c0_i32_1 = arith.constant 0 : i32
    return %c0_i32, %c0_i32_0 : i32, i32
  }
  func.func @transform_2(%arg0: i32) -> (i32, i32, i32) {
    %c0_i32 = arith.constant 0 : i32
    %c0_i32_0 = arith.constant 0 : i32
    %c0_i32_1 = arith.constant 0 : i32
    return %c0_i32, %arg0, %c0_i32_0 : i32, i32, i32
  }
  func.func @transform_3(%arg0: i32) -> (i32, i32, i32) {
    %c0_i32 = arith.constant 0 : i32
    %c0_i32_0 = arith.constant 0 : i32
    %c0_i32_1 = arith.constant 0 : i32
    return %c0_i32, %arg0, %c0_i32_0 : i32, i32, i32
  }
  func.func @transform_4(%arg0: i32) -> (i32, i32) {
    %c0_i32 = arith.constant 0 : i32
    %c0_i32_0 = arith.constant 0 : i32
    return %arg0, %c0_i32 : i32, i32
  }
  func.func @transform_5(%arg0: i32) -> (i32, i32) {
    %c0_i32 = arith.constant 0 : i32
    %c0_i32_0 = arith.constant 0 : i32
    return %arg0, %c0_i32 : i32, i32
  }
  func.func @transform_6(%arg0: i32) -> (i32, i32) {
    %c0_i32 = arith.constant 0 : i32
    %c0_i32_0 = arith.constant 0 : i32
    return %arg0, %c0_i32 : i32, i32
  }
}

module attributes {stable_mosaic.version = 14 : i64} {
  func.func @_final_body(%arg0: i32, %arg1: memref<2x1024x128xf32, #tpu.memory_space<vmem>>, %arg2: memref<1024x1xf32, #tpu.memory_space<vmem>>, %arg3: memref<1x128xf32, #tpu.memory_space<vmem>>, %arg4: memref<128x128xf32, #tpu.memory_space<vmem>>, %arg5: memref<1024x1xf32, #tpu.memory_space<vmem>>, %arg6: memref<2x1024x1xf32, #tpu.memory_space<vmem>>, %arg7: memref<1x128xf32, #tpu.memory_space<vmem>>, %arg8: memref<1x1xf32, #tpu.memory_space<vmem>>) attributes {dimension_semantics = [#tpu.dimension_semantics<arbitrary>], iteration_bounds = array<i64: 10>, scalar_prefetch = 0 : i64, scratch_operands = 0 : i64, tpu.core_type = #tpu.core_type<tc>, window_params = [{transform_indices = @transform_0, window_bounds = array<i64: 2, 1024, 128>}, {transform_indices = @transform_1, window_bounds = array<i64: 1024, 1>}, {pipeline_mode = #tpu.pipeline_mode<synchronous>, transform_indices = @transform_2, window_bounds = array<i64: 1, 128>}, {pipeline_mode = #tpu.pipeline_mode<synchronous>, transform_indices = @transform_3, window_bounds = array<i64: 128, 128>}, {transform_indices = @transform_4, window_bounds = array<i64: 1024, 1>}, {transform_indices = @transform_5, window_bounds = array<i64: 2, 1024, 1>}, {pipeline_mode = #tpu.pipeline_mode<synchronous>, transform_indices = @transform_6, window_bounds = array<i64: 1, 128>}, {pipeline_mode = #tpu.pipeline_mode<synchronous>, transform_indices = @transform_7, window_bounds = array<i64: 1, 1>}]} {
    %get3A = arith.constant 0 : index
    %get3A_0 = arith.constant 0 : index
    %get3A_1 = arith.constant 0 : index
    %get3A_2 = vector.load %arg1[%get3A, %get3A_0, %get3A_1] : memref<2x1024x128xf32, #tpu.memory_space<vmem>>, vector<1x1024x128xf32>
    %get3A_3 = vector.shape_cast %get3A_2 : vector<1x1024x128xf32> to vector<1024x128xf32>
    %get3A_4 = arith.constant 1 : index
    %get3A_5 = arith.constant 0 : index
    %get3A_6 = arith.constant 0 : index
    %get3A_7 = vector.load %arg1[%get3A_4, %get3A_5, %get3A_6] : memref<2x1024x128xf32, #tpu.memory_space<vmem>>, vector<1x1024x128xf32>
    %get3A_8 = vector.shape_cast %get3A_7 : vector<1x1024x128xf32> to vector<1024x128xf32>
    %add3A = arith.addf %get3A_3, %get3A_8 : vector<1024x128xf32>
    %get3A_9 = arith.constant 0 : index
    %get3A_10 = arith.constant 0 : index
    %get3A_11 = vector.load %arg2[%get3A_9, %get3A_10] : memref<1024x1xf32, #tpu.memory_space<vmem>>, vector<1024x1xf32>
    %mul3A = vector.broadcast %get3A_11 : vector<1024x1xf32> to vector<1024x128xf32>
    %mul3A_12 = arith.mulf %add3A, %mul3A : vector<1024x128xf32>
    %get3A_13 = arith.constant 0 : index
    %get3A_14 = arith.constant 0 : index
    %get3A_15 = vector.load %arg3[%get3A_13, %get3A_14] : memref<1x128xf32, #tpu.memory_space<vmem>>, vector<1x128xf32>
    %add3A_16 = vector.broadcast %get3A_15 : vector<1x128xf32> to vector<1024x128xf32>
    %add3A_17 = arith.addf %mul3A_12, %add3A_16 : vector<1024x128xf32>
    %tanh3A = math.tanh %add3A_17 : vector<1024x128xf32>
    %get3A_18 = arith.constant 0 : index
    %get3A_19 = arith.constant 0 : index
    %get3A_20 = vector.load %arg4[%get3A_18, %get3A_19] : memref<128x128xf32, #tpu.memory_space<vmem>>, vector<128x128xf32>
    %reduce_sum3A = arith.constant dense<0.000000e+00> : vector<128xf32>
    %reduce_sum3A_21 = vector.multi_reduction <add>, %get3A_20, %reduce_sum3A [1] : vector<128x128xf32> to vector<128xf32>
    %broadcast_in_dim3A = vector.shape_cast %reduce_sum3A_21 : vector<128xf32> to vector<128x1xf32>
    %dot_general3A = arith.constant dense<0.000000e+00> : vector<1024x1xf32>
    %dot_general3A_22 = tpu.matmul %tanh3A, %broadcast_in_dim3A, %dot_general3A {dimension_numbers = #tpu.dot_dimension_numbers<[1], [0], [0], [1], [0, 0, 1, 1], [], []>, transpose_lhs_hint = false} : vector<1024x128xf32>, vector<128x1xf32>, vector<1024x1xf32> -> vector<1024x1xf32>
    %get3A_23 = arith.constant 0 : index
    %get3A_24 = arith.constant 0 : index
    %get3A_25 = arith.constant 0 : index
    %get3A_26 = vector.load %arg6[%get3A_23, %get3A_24, %get3A_25] : memref<2x1024x1xf32, #tpu.memory_space<vmem>>, vector<1x1024x1xf32>
    %get3A_27 = vector.shape_cast %get3A_26 : vector<1x1024x1xf32> to vector<1024x1xf32>
    %get3A_28 = arith.constant 1 : index
    %get3A_29 = arith.constant 0 : index
    %get3A_30 = arith.constant 0 : index
    %get3A_31 = vector.load %arg6[%get3A_28, %get3A_29, %get3A_30] : memref<2x1024x1xf32, #tpu.memory_space<vmem>>, vector<1x1024x1xf32>
    %get3A_32 = vector.shape_cast %get3A_31 : vector<1x1024x1xf32> to vector<1024x1xf32>
    %add3A_33 = arith.addf %get3A_27, %get3A_32 : vector<1024x1xf32>
    %mul3A_34 = arith.constant 1024 : i32
    %mul3A_35 = arith.muli %arg0, %mul3A_34 : i32
    %iota3A = tpu.iota {dimensions = array<i32: 0>} : vector<1024x1xi32>
    %add3A_36 = vector.broadcast %mul3A_35 : i32 to vector<1024x1xi32>
    %add3A_37 = arith.addi %add3A_36, %iota3A : vector<1024x1xi32>
    %lt3A = arith.constant 10000 : i32
    %lt3A_38 = vector.broadcast %lt3A : i32 to vector<1024x1xi32>
    %lt3A_39 = arith.cmpi slt, %add3A_37, %lt3A_38 : vector<1024x1xi32>
    %jit3A = arith.constant 1.000000e+00 : f32
    %jit3A_40 = arith.constant 0.000000e+00 : f32
    %broadcast_in_dim3A_41 = vector.broadcast %jit3A : f32 to vector<1024x1xf32>
    %broadcast_in_dim3A_42 = vector.broadcast %jit3A_40 : f32 to vector<1024x1xf32>
    %select_n3A = arith.select %lt3A_39, %broadcast_in_dim3A_41, %broadcast_in_dim3A_42 : vector<1024x1xi1>, vector<1024x1xf32>
    %get3A_43 = arith.constant 0 : index
    %get3A_44 = arith.constant 0 : index
    %get3A_45 = vector.load %arg5[%get3A_43, %get3A_44] : memref<1024x1xf32, #tpu.memory_space<vmem>>, vector<1024x1xf32>
    %mul3A_46 = arith.mulf %get3A_45, %dot_general3A_22 : vector<1024x1xf32>
    %mul3A_47 = arith.mulf %mul3A_46, %add3A_33 : vector<1024x1xf32>
    %mul3A_48 = arith.mulf %mul3A_47, %select_n3A : vector<1024x1xf32>
    %reduce_sum3A_49 = vector.shape_cast %mul3A_48 : vector<1024x1xf32> to vector<1x1024x1xf32>
    %reduce_sum3A_50 = arith.constant dense<0.000000e+00> : vector<1xf32>
    %reduce_sum3A_51 = vector.multi_reduction <add>, %reduce_sum3A_49, %reduce_sum3A_50 [1, 2] : vector<1x1024x1xf32> to vector<1xf32>
    %reduce_sum3A_52 = vector.shape_cast %reduce_sum3A_51 : vector<1xf32> to vector<1x1x1xf32>
    %reduce_sum3A_53 = vector.extract %reduce_sum3A_52[0, 0, 0] : f32 from vector<1x1x1xf32>
    %broadcast_in_dim3A_54 = vector.broadcast %reduce_sum3A_53 : f32 to vector<1x1xf32>
    %eq3A = arith.constant 0 : i32
    %eq3A_55 = arith.cmpi eq, %arg0, %eq3A : i32
    %convert_element_type3A = arith.extui %eq3A_55 : i1 to i32
    %cond3A = arith.constant 0 : i32
    %cond3A_56 = arith.cmpi ne, %convert_element_type3A, %cond3A : i32
    scf.if %cond3A_56 {
      %get3A_63 = arith.constant 0 : index
      %get3A_64 = arith.constant 0 : index
      %get3A_65 = vector.load %arg7[%get3A_63, %get3A_64] : memref<1x128xf32, #tpu.memory_space<vmem>>, vector<1x128xf32>
      %reduce_sum3A_66 = vector.shape_cast %get3A_65 : vector<1x128xf32> to vector<1x1x128xf32>
      %reduce_sum3A_67 = arith.constant dense<0.000000e+00> : vector<1xf32>
      %reduce_sum3A_68 = vector.multi_reduction <add>, %reduce_sum3A_66, %reduce_sum3A_67 [1, 2] : vector<1x1x128xf32> to vector<1xf32>
      %reduce_sum3A_69 = vector.shape_cast %reduce_sum3A_68 : vector<1xf32> to vector<1x1x1xf32>
      %reduce_sum3A_70 = vector.extract %reduce_sum3A_69[0, 0, 0] : f32 from vector<1x1x1xf32>
      %broadcast_in_dim3A_71 = vector.broadcast %reduce_sum3A_70 : f32 to vector<1x1xf32>
      %mul3A_72 = arith.constant 1.000000e+04 : f32
      %mul3A_73 = vector.broadcast %mul3A_72 : f32 to vector<1x1xf32>
      %mul3A_74 = arith.mulf %mul3A_73, %broadcast_in_dim3A_71 : vector<1x1xf32>
      %swap3A_75 = arith.constant 0 : index
      %swap3A_76 = arith.constant 0 : index
      %swap3A_77 = vector.load %arg8[%swap3A_75, %swap3A_76] : memref<1x1xf32, #tpu.memory_space<vmem>>, vector<1x1xf32>
      tpu.vector_store %arg8[%swap3A_75, %swap3A_76], %mul3A_74 {strides = array<i32>} : memref<1x1xf32, #tpu.memory_space<vmem>>, vector<1x1xf32>,
    } else {
    }
    %get3A_57 = arith.constant 0 : index
    %get3A_58 = arith.constant 0 : index
    %get3A_59 = vector.load %arg8[%get3A_57, %get3A_58] : memref<1x1xf32, #tpu.memory_space<vmem>>, vector<1x1xf32>
    %add3A_60 = arith.addf %get3A_59, %broadcast_in_dim3A_54 : vector<1x1xf32>
    %swap3A = arith.constant 0 : index
    %swap3A_61 = arith.constant 0 : index
    %swap3A_62 = vector.load %arg8[%swap3A, %swap3A_61] : memref<1x1xf32, #tpu.memory_space<vmem>>, vector<1x1xf32>
    tpu.vector_store %arg8[%swap3A, %swap3A_61], %add3A_60 {strides = array<i32>} : memref<1x1xf32, #tpu.memory_space<vmem>>, vector<1x1xf32>,
    return
  }
  func.func @transform_0(%arg0: i32) -> (i32, i32, i32) {
    %c0_i32 = arith.constant 0 : i32
    %c0_i32_0 = arith.constant 0 : i32
    %c0_i32_1 = arith.constant 0 : i32
    return %c0_i32, %arg0, %c0_i32_0 : i32, i32, i32
  }
  func.func @transform_1(%arg0: i32) -> (i32, i32) {
    %c0_i32 = arith.constant 0 : i32
    %c0_i32_0 = arith.constant 0 : i32
    return %arg0, %c0_i32 : i32, i32
  }
  func.func @transform_2(%arg0: i32) -> (i32, i32) {
    %c0_i32 = arith.constant 0 : i32
    %c0_i32_0 = arith.constant 0 : i32
    %c0_i32_1 = arith.constant 0 : i32
    return %c0_i32, %c0_i32_0 : i32, i32
  }
  func.func @transform_3(%arg0: i32) -> (i32, i32) {
    %c0_i32 = arith.constant 0 : i32
    %c0_i32_0 = arith.constant 0 : i32
    %c0_i32_1 = arith.constant 0 : i32
    return %c0_i32, %c0_i32_0 : i32, i32
  }
  func.func @transform_4(%arg0: i32) -> (i32, i32) {
    %c0_i32 = arith.constant 0 : i32
    %c0_i32_0 = arith.constant 0 : i32
    return %arg0, %c0_i32 : i32, i32
  }
  func.func @transform_5(%arg0: i32) -> (i32, i32, i32) {
    %c0_i32 = arith.constant 0 : i32
    %c0_i32_0 = arith.constant 0 : i32
    %c0_i32_1 = arith.constant 0 : i32
    return %c0_i32, %arg0, %c0_i32_0 : i32, i32, i32
  }
  func.func @transform_6(%arg0: i32) -> (i32, i32) {
    %c0_i32 = arith.constant 0 : i32
    %c0_i32_0 = arith.constant 0 : i32
    %c0_i32_1 = arith.constant 0 : i32
    return %c0_i32, %c0_i32_0 : i32, i32
  }
  func.func @transform_7(%arg0: i32) -> (i32, i32) {
    %c0_i32 = arith.constant 0 : i32
    %c0_i32_0 = arith.constant 0 : i32
    %c0_i32_1 = arith.constant 0 : i32
    return %c0_i32, %c0_i32_0 : i32, i32
  }
}

</mosaic_0001>

<sc_bundles>
// kernel: kernel.6.cloned.1.call-start
scs
__scs_entry_jumppad:
0x0: {  	(pc) =	sbr.rel $0x88, $3  }
0x1: {  	(tag) =	ssettag $0x0;
	lr =	simm.s32 $0x1  }
0x2: {  	[smem:$0x3F9B] =	sst lr;
	_ =	strace $0xD0000000  }
0x3: {  	_ = 	snop  }
0x4: {  	_ = 	snop  }
0x5: {  	_ = 	snop  }
0x6: {  	_ = 	snop  }
0x7: {  	_ = 	snop  }
__scs_overlays_trampoline_lowered:
0x8: {  	[smem:$0x3FAA] =	sst s0  }
0x9: {  	[smem:$0x3FAB] =	sst s1  }
0xa: {  	[smem:$0x3FAC] =	sst s2  }
0xb: {  	[smem:$0x3FAD] =	sst s3  }
0xc: {  	[smem:$0x3FAE] =	sst s4  }
0xd: {  	[smem:$0x3FAF] =	sst s5  }
0xe: {  	[smem:$0x3FB0] =	sst s6  }
0xf: {  	[smem:$0x3FB1] =	sst s7  }
0x10: {  	[smem:$0x3FB2] =	sst s8  }
0x11: {  	[smem:$0x3FB3] =	sst s9;
	s0 =	simm.s32 @!p0 $0x0  }
0x12: {  	s1 =	sld [smem:$0x3F99];
	s0 =	simm.s32 @p0 $0x1  }
0x13: {  	[smem:$0x3FB4] =	sst s0;
	s0 =	simm.s32 @!p1 $0x0  }
0x14: {  	s2 =	sld [smem:$0x3F98];
	s0 =	simm.s32 @p1 $0x1  }
0x15: {  	[smem:$0x3FB5] =	sst s0;
	s0 =	simm.s32 @!p2 $0x0  }
0x16: {  	s3 =	sld [smem:$0x3FDB];
	s0 =	simm.s32 @p2 $0x1  }
0x17: {  	s4 =	simm.s32 $0x1BF5;
	[smem:$0x3FB7] =	sst s0  }
0x18: {  	s0 =	sld [smem:$0x3F9A];
	_ =	swait.ge [sflag:s4], $0x0  }
0x19: {  	s7 =	sld [smem:$0x3F9B]  }
0x1a: {  	s8 =	sadd.s32 $0xFFFFE003, lr  }
0x1b: {  	s9 =	sadd.s32 $0xFFFFFEF7, lr;
	s5 =	simm.s32 $0xFFFFFFFF;
	p2 =	slt.u32 s8, $0xFFFFF086  }
0x1c: {  	p1 =	slt.u32 s9, $0xF7A;
	s5 =	simm.s32 @!p2 $0x0  }
0x1d: {  	s5 =	simm.s32 @p1 $0x1;
	p0 =	seq.s32 s7, s2  }
0x1e: {  	s7 =	smul.u32 @!p0 $0xF7A, s2;
	p2 =	seq.s32 @!p0 s5, $0x0  }
0x1f: {  	s9 =	smul.u32 $0xF7A, s1;
	s8 =	simm.s32 @!p0 $0x1BF5;
	p2 =	por !p2, p0  }
0x20: {  	[sflag:s8] =	ssyncset.s32 @!p0 $0xFFFFF086;
	s6 =	sadd.s32 @!p0 s3, s7;
	s7 =	simm.s32 @!p0 $0x108  }
0x21: {  	s3 =	sadd.s32 s3, s9;
	s6 =	sadd.s32 @!p0 $0x88, s6;
	s7 =	simm.s32 @p2 $0x1082  }
0x22: {  	[simem:s7], [sflag:s8] =	dma.local @!p0 [hbm:s6], $0xF7A  }
0x23: {  	s9 =	sor.u32 $0xD0000000, s2;
	s6 =	simm.s32 $0x108;
	_ =	swait.ge @!p0 [sflag:s8], $0x0  }
0x24: {  	s3 =	sadd.s32 $0x88, s3;
	s6 =	simm.s32 @!p1 $0x1082;
	[sflag:s4] =	ssyncset.s32 $0xFFFFF086  }
0x25: {  	[simem:s6], [sflag:s4] =	dma.local [hbm:s3], $0xF7A  }
0x26: {  	[smem:$0x3F9B] =	sst s1;
	(tag) =	ssettag s2;
	_ =	strace s9  }
0x27: {  	s1 =	sld [smem:$0x3FAB]  }
0x28: {  	s2 =	sld [smem:$0x3FAC]  }
0x29: {  	s4 =	sld [smem:$0x3FAE]  }
0x2a: {  	p0 =	seq.s32 s5, $0x0;
	s5 =	sld [smem:$0x3FAF]  }
0x2b: {  	s6 =	sld [smem:$0x3FB0]  }
0x2c: {  	s7 =	sld [smem:$0x3FB1]  }
0x2d: {  	s3 =	simm.s32 $0x108;
	s8 =	sld [smem:$0x3FB2]  }
0x2e: {  	s3 =	simm.s32 @!p0 $0x1082;
	s9 =	sld [smem:$0x3FB3]  }
0x2f: {  	lr =	sadd.s32 s0, s3;
	s0 =	sld [smem:$0x3FAA]  }
0x30: {  	s3 =	sld [smem:$0x3FAD]  }
0x31: {  	[smem:$0x3FB6] =	sst s10  }
0x32: {  	s10 =	sld [smem:$0x3FB4];
	_ =	sdelay $0x3  }
0x33: {  	p0 =	seq.s32 s10, $0x1;
	s10 =	sld [smem:$0x3FB6];
	_ =	sdelay $0x3  }
0x34: {  	[smem:$0x3FB6] =	sst s10  }
0x35: {  	s10 =	sld [smem:$0x3FB5];
	_ =	sdelay $0x3  }
0x36: {  	p1 =	seq.s32 s10, $0x1;
	s10 =	sld [smem:$0x3FB6];
	_ =	sdelay $0x3  }
0x37: {  	[smem:$0x3FB6] =	sst s10  }
0x38: {  	s10 =	sld [smem:$0x3FB7]  }
0x39: {  	_ = 	snop;
	(pc) =	sbr.ind lr, $3  }
0x3a: {  	_ = 	snop  }
0x3b: {  	_ = 	snop  }
0x3c: {  	p2 =	seq.s32 s10, $0x1;
	s10 =	sld [smem:$0x3FB6]  }
0x3d: {  	_ =	shalt  }
0x3e: {  	_ =	shalt  }
0x3f: {  	_ =	shalt  }
0x40: {  	_ =	shalt  }
0x41: {  	_ =	shalt  }
0x42: {  	_ =	shalt  }
0x43: {  	_ =	shalt  }
0x44: {  	_ =	shalt  }
0x45: {  	_ =	shalt  }
0x46: {  	_ =	shalt  }
0x47: {  	_ =	shalt  }
0x48: {  	_ =	shalt  }
0x49: {  	_ =	shalt  }
0x4a: {  	_ =	shalt  }
0x4b: {  	_ =	shalt  }
0x4c: {  	_ =	shalt  }
0x4d: {  	_ =	shalt  }
0x4e: {  	_ =	shalt  }
0x4f: {  	_ =	shalt  }
0x50: {  	_ =	shalt  }
0x51: {  	_ =	shalt  }
0x52: {  	_ =	shalt  }
0x53: {  	_ =	shalt  }
0x54: {  	_ =	shalt  }
0x55: {  	_ =	shalt  }
0x56: {  	_ =	shalt  }
0x57: {  	_ =	shalt  }
0x58: {  	_ =	shalt  }
0x59: {  	_ =	shalt  }
0x5a: {  	_ =	shalt  }
0x5b: {  	_ =	shalt  }
0x5c: {  	_ =	shalt  }
0x5d: {  	_ =	shalt  }
0x5e: {  	_ =	shalt  }
0x5f: {  	_ =	shalt  }
0x60: {  	_ =	shalt  }
0x61: {  	_ =	shalt  }
0x62: {  	_ =	shalt  }
0x63: {  	_ =	shalt  }
0x64: {  	_ =	shalt  }
0x65: {  	_ =	shalt  }
0x66: {  	_ =	shalt  }
0x67: {  	_ =	shalt  }
0x68: {  	_ =	shalt  }
0x69: {  	_ =	shalt  }
0x6a: {  	_ =	shalt  }
0x6b: {  	_ =	shalt  }
0x6c: {  	_ =	shalt  }
0x6d: {  	_ =	shalt  }
0x6e: {  	_ =	shalt  }
0x6f: {  	_ =	shalt  }
0x70: {  	_ =	shalt  }
0x71: {  	_ =	shalt  }
0x72: {  	_ =	shalt  }
0x73: {  	_ =	shalt  }
0x74: {  	_ =	shalt  }
0x75: {  	_ =	shalt  }
0x76: {  	_ =	shalt  }
0x77: {  	_ =	shalt  }
0x78: {  	_ =	shalt  }
0x79: {  	_ =	shalt  }
0x7a: {  	_ =	shalt  }
0x7b: {  	_ =	shalt  }
0x7c: {  	_ =	shalt  }
0x7d: {  	_ =	shalt  }
0x7e: {  	_ =	shalt  }
0x7f: {  	_ =	shalt  }
0x80: {  	_ =	shalt  }
0x81: {  	_ =	shalt  }
0x82: {  	_ =	shalt  }
0x83: {  	_ =	shalt  }
0x84: {  	_ =	shalt  }
0x85: {  	_ =	shalt  }
0x86: {  	_ =	shalt  }
0x87: {  	_ =	shalt  }
.Lfunc_end0:
.L_simem_size_0:
called_computation_lowered:
.L_overlay_start_0:
0x88: {  	s2 =	sld [smem:$0x3FD9]  }
0x89: {  	s3 =	sld [smem:$0x3FFE];
	_ =	sdelay $0x1  }
0x8a: {  	s1 =	srdreg.scid  }
0x8b: {  	s0 =	sand.u32 $0x1, s1  }
0x8c: {  	s16 =	sshll.u32 s0, $0xA;
	s2 =	sadd.s32 s3, s2  }
0x8d: {  	s2 =	sadd.s32 s2, s16  }
0x8e: {  	[smem:$0x3FC2] =	sst s2  }
0x8f: {  	_ = 	snop  }
0x90: {  	(tm) =	ssettm $0x1  }
0x91: {  	s17 =	sld [smem:$0x3FFB];
	_ =	sdelay $0x3  }
0x92: {  	_ =	strace s17  }
0x93: {  	s2 =	sld [smem:$0x3FFC];
	_ =	sdelay $0x3  }
0x94: {  	_ =	strace s2  }
0x95: {  	s2 =	sld [smem:$0x3FFD];
	_ =	sdelay $0x3  }
0x96: {  	_ =	strace s2  }
0x97: {  	_ =	strace $0x8FFFFFFF  }
0x98: {  	s18 =	sld [smem:$0x3FDB];
	_ =	sdelay $0x1  }
0x99: {  	s19 =	simm.s32 $_scs_section_size  }
0x9a: {  	s4 =	simm.s32 $_size__tile_overlayer_lowered;
	s5 =	simm.s32 $_tile_overlayer_lowered  }
0x9b: {  	s22 =	simm.s32 $0x1BFF;
	s21 =	sshll.u32 s5, $0x1;
	s2 =	sadd.s32 s19, s18  }
0x9c: {  	s6 =	simm.s32 $0x0;
	s20 =	sshll.u32 s4, $0x1;
	s4 =	sadd.s32 s21, s2  }
0x9d: {  	[timem:s6], [sflag:s22] =	dma.local [hbm:s4], s20  }
0x9e: {  	_ =	swait.ge [sflag:s22], s20  }
0x9f: {  	s3 =	ssub.s32 $0x0, s20;
	[sflag:s22] =	ssyncset.done $0x0  }
0xa0: {  	[sflag:s22] =	ssyncadd.s32 s3;
	_ =	sdelay $0x1  }
0xa1: {  	s23 =	simm.s32 $0x1B8B  }
0xa2: {  	_ =	swait.ge [sflag:s23], $0x1  }
0xa3: {  	[sflag:s23] =	ssyncset.done $0x0  }
0xa4: {  	s25 =	simm.s32 $0x1B8E;
	s24 =	sld [smem:$0x3FFE];
	[sflag:s23] =	ssyncadd.s32 $0xFFFFFFFF  }
0xa5: {  	s26 =	simm.s32 $execute0_lowered;
	[smem:$0x3FD2] =	sst s25  }
0xa6: {  	s4 =	sshll.u32 s26, $0x1;
	_ =	strace $0x80000046;
	[dreg:$0x1] =	wrdreg $0xFFFFFFFF  }
0xa7: {  	s28 =	simm.s32 $_size_execute0_lowered;
	s2 =	sadd.s32 s2, s4;
	[dreg:$0x0] =	wrdreg $0x0  }
0xa8: {  	s4 =	sshll.u32 s28, $0x1;
	[dreg:$0x2] =	wrdreg s2  }
0xa9: {  	[dreg:$0x3] =	wrdreg s4  }
0xaa: {  	[dreg:$0x4] =	wrdreg $0xC0  }
0xab: {  	_ =	task [dreg:s6], $0x5FFFF  }
0xac: {  	[dreg:$0x1] =	wrdreg $0xFFFFFFFF  }
0xad: {  	[dreg:$0x0] =	wrdreg $0x60  }
0xae: {  	[dreg:$0x2] =	wrdreg s24  }
0xaf: {  	[dreg:$0x3] =	wrdreg $0x50800  }
0xb0: {  	[dreg:$0x4] =	wrdreg $0x53000  }
0xb1: {  	[dreg:$0x5] =	wrdreg $0x9  }
0xb2: {  	_ =	task.clear_ibuf [dreg:s6], $0x6FFFF;
	_ =	strace $0x90000046  }
0xb3: {  	s29 =	simm.s32 $0x9;
	_ =	strace $0x80000048  }
0xb4: {  	_ =	swait.ge [sflag:s29], $0x1  }
0xb5: {  	[sflag:s29] =	ssyncadd.s32 $0xFFFFFFFF  }
0xb6: {  	_ =	strace $0x90000048  }
0xb7: {  	_ =	sfence  }
0xb8: {  	s30 =	sld [smem:$0x0];
	_ =	sdelay $0x2  }
0xb9: {  	s31 =	sshll.u32 s1, $0xD;
	s1 =	sshrl.u32 s1, $0x2  }
0xba: {  	s3 =	sand.u32 $0x4000, s31;
	s1 =	sadd.s32 s1, s30  }
0xbb: {  	s0 =	sor.u32 s3, s0;
	s1 =	sshll.u32 s1, $0x11  }
0xbc: {  	s0 =	sor.u32 s1, s0  }
0xbd: {  	s0 =	sadd.s32 $0x8F2B, s0  }
0xbe: {  	[sflag:s0] =	ssyncadd.remote.s32 $0x1  }
0xbf: {  	_ =	sfence.sel $0xFFFF  }
0xc0: {  	[dreg:$0x0] =	wrdreg $0xFFFFFFFF;
	(pc) =	sbr.abs _section_cstart, $3  }
0xc1: {  	[dreg:$0x1] =	wrdreg $0xFFFFFFFF  }
0xc2: {  	_ =	task.clear_ibuf [dreg:s6], $0x2FFFF;
	_ =	strace $0x9FFFFFFF  }
0xc3: {  	(tm) =	ssettm $0x7FFFFFFF  }
tec
execute0_lowered:
.L_overlay_start_1:
0x0: {  	(tag) =	ssettag $0x1  }
0x1: {  	s6 =	rddreg [dreg:$0x0]  }
0x2: {  	s0 =	srdreg.scid;
	s2 =	rddreg [dreg:$0x1]  }
0x3: {  	s3 =	rddreg [dreg:$0x2];
	s4 =	simm.s32 $0x0;
	s15 =	simm.s32 $0x2800  }
0x4: {  	s16 =	simm.s32 $0x80;
	s17 =	simm.s32 $0x5000;
	s18 =	simm.s32 $0x1  }
0x5: {  	s19 =	simm.s32 $0x20;
	s5 =	sand.u32 $0x1, s0;
	s0 =	stileid.u32  }
0x6: {  	s20 =	simm.s32 $0x10;
	s21 =	simm.s32 $0x0;
	s8 =	smul.u32 $0x500, s0  }
0x7: {  	[smem:$0x7FF] =	sst s4;
	s1 =	sshll.u32 s5, $0x4;
	s9 =	smul.u32 $0x280, s0  }
0x8: {  	s10 =	sshll.u32 s5, $0x7;
	s5 =	ssub.s32 $0x2, s5;
	s1 =	sor.u32 s0, s1  }
0x9: {  	s31 =	sshll.u32 s0, $0x6;
	s30 =	sshrl.u32 s5, $0x1;
	s7 =	smul.u32 $0x500, s1  }
0xa: {  	s1 =	rddreg [dreg:$0x3];
	_ =	strace $0x80000047;
	s26 =	sor.u32 s10, s8  }
0xb: {  	s28 =	sshrl.u32 s9, $0x3;
	s12 =	ssub.s32 s5, s30;
	s14 =	sadd.s32 s9, s3  }
0xc: {  	s13 =	sadd.s32 s9, s2;
	s8 =	sadd.s32 s28, s6;
	s14 =	sshrl.u32 s14, $0x3  }
0xd: {  	s11 =	sadd.s32 s7, s6;
	s7 =	sshrl.u32 s26, $0x3;
	s5 =	sadd.s32 $0x15C00, s8  }
0xe: {  	s29 =	sadd.s32 s7, s6;
	s6 =	sor.u32 $0x1C02, s31;
	s7 =	sadd.s32 $0xBC00, s11  }
0xf: {  	s8 =	sadd.s32 $0x1C00, s11;
	s11 =	smax.u32 s12, $0x1;
	s12 =	sshrl.u32 s13, $0x3  }
0x10: {  	v0 =	vimm.f32 $1.000000000e+00;
	s13 =	simm.s32 $0x2;
	s9 =	sadd.s32 $0x16200, s29;
	s10 =	sadd.s32 $0x16C00, s29  }
.LBB2_1:
0x11: {  	[tilespmem:$0x5000] =	vst v0  }
0x12: {  	[tilespmem:$0x5010] =	vst v0  }
0x13: {  	[tilespmem:$0x5020] =	vst v0  }
0x14: {  	[tilespmem:$0x5030] =	vst v0  }
0x15: {  	[tilespmem:$0x5040] =	vst v0  }
0x16: {  	[tilespmem:$0x5050] =	vst v0  }
0x17: {  	[tilespmem:$0x5060] =	vst v0  }
0x18: {  	[tilespmem:$0x5070] =	vst v0  }
0x19: {  	[spmem:s12], [sflag:s6] =	dma.local [hbm:s5], $0x50  }
0x1a: {  	_ =	swait.ge [sflag:s13], $0x50  }
0x1b: {  	[sflag:s13] =	ssyncset.done $0x0  }
0x1c: {  	[sflag:s13] =	ssyncadd.s32 $0xFFFFFFB0  }
0x1d: {  	[spmem:s14], [sflag:s6] =	dma.local [hbm:s5], $0x50  }
0x1e: {  	_ =	swait.ge [sflag:s13], $0x50  }
0x1f: {  	[sflag:s13] =	ssyncset.done $0x0  }
0x20: {  	[sflag:s13] =	ssyncadd.s32 $0xFFFFFFB0  }
0x21: {  	[tilespmem:s4], [sflag:$0x2] =	stream.linear.gather [hbm4b:s7+s4], $0x2800, $0x38;
	[tilespmem:$0x5580] =	vst v63  }
0x22: {  	_ =	swait.ge [sflag:s13], $0x2800  }
0x23: {  	[sflag:s13] =	ssyncset.done $0x0  }
0x24: {  	[sflag:s13] =	ssyncadd.s32 $0xFFFFD800  }
0x25: {  	[tilespmem:s15], [sflag:$0x2] =	stream.linear.gather [hbm4b:s8+s4], $0x2800, $0x38;
	[tilespmem:$0x5580] =	vst v63  }
0x26: {  	_ =	swait.ge [sflag:s13], $0x2800  }
0x27: {  	[sflag:s13] =	ssyncset.done $0x0  }
0x28: {  	[sflag:s13] =	ssyncadd.s32 $0xFFFFD800  }
0x29: {  	s22 =	simm.s32 $0x0;
	[bflag:$0x0] =	sbarrier.arrive $0xFFFF  }
0x2a: {  	[spmem:s2] =	stream.indirect.scatter.add.f32 [tilespmem:s17], [sflag:$0x1], $0x1, s22, s16, $0xb8;
	[tilespmem:$0x5580] =	vst v63  }
0x2b: {  	s24 =	simm.s32 $0x2800  }
0x2c: {  	[spmem:s3] =	stream.indirect.scatter.add.f32 [tilespmem:s17], [sflag:$0x1], $0x1, s24, s16, $0xb8;
	[tilespmem:$0x5580] =	vst v63  }
0x2d: {  	s25 =	simm.s32 $0x80  }
0x2e: {  	[spmem:s2] =	stream.indirect.scatter.add.f32 [tilespmem:s17], [sflag:$0x1], $0x1, s25, s16, $0xb8;
	[tilespmem:$0x5580] =	vst v63  }
0x2f: {  	s26 =	simm.s32 $0x2880  }
0x30: {  	[spmem:s3] =	stream.indirect.scatter.add.f32 [tilespmem:s17], [sflag:$0x1], $0x1, s26, s16, $0xb8;
	[tilespmem:$0x5580] =	vst v63  }
0x31: {  	s28 =	simm.s32 $0x100  }
0x32: {  	[spmem:s2] =	stream.indirect.scatter.add.f32 [tilespmem:s17], [sflag:$0x1], $0x1, s28, s16, $0xb8;
	[tilespmem:$0x5580] =	vst v63  }
0x33: {  	s29 =	simm.s32 $0x2900  }
0x34: {  	[spmem:s3] =	stream.indirect.scatter.add.f32 [tilespmem:s17], [sflag:$0x1], $0x1, s29, s16, $0xb8;
	[tilespmem:$0x5580] =	vst v63  }
0x35: {  	s30 =	simm.s32 $0x180  }
0x36: {  	[spmem:s2] =	stream.indirect.scatter.add.f32 [tilespmem:s17], [sflag:$0x1], $0x1, s30, s16, $0xb8;
	[tilespmem:$0x5580] =	vst v63  }
0x37: {  	s31 =	simm.s32 $0x2980  }
0x38: {  	[spmem:s3] =	stream.indirect.scatter.add.f32 [tilespmem:s17], [sflag:$0x1], $0x1, s31, s16, $0xb8;
	[tilespmem:$0x5580] =	vst v63  }
0x39: {  	s23 =	simm.s32 $0x200  }
0x3a: {  	[spmem:s2] =	stream.indirect.scatter.add.f32 [tilespmem:s17], [sflag:$0x1], $0x1, s23, s16, $0xb8;
	[tilespmem:$0x5580] =	vst v63  }
0x3b: {  	s24 =	simm.s32 $0x2A00  }
0x3c: {  	[spmem:s3] =	stream.indirect.scatter.add.f32 [tilespmem:s17], [sflag:$0x1], $0x1, s24, s16, $0xb8;
	[tilespmem:$0x5580] =	vst v63  }
0x3d: {  	s25 =	simm.s32 $0x280  }
0x3e: {  	[spmem:s2] =	stream.indirect.scatter.add.f32 [tilespmem:s17], [sflag:$0x1], $0x1, s25, s16, $0xb8;
	[tilespmem:$0x5580] =	vst v63  }
0x3f: {  	s26 =	simm.s32 $0x2A80  }
0x40: {  	[spmem:s3] =	stream.indirect.scatter.add.f32 [tilespmem:s17], [sflag:$0x1], $0x1, s26, s16, $0xb8;
	[tilespmem:$0x5580] =	vst v63  }
0x41: {  	s28 =	simm.s32 $0x300  }
0x42: {  	[spmem:s2] =	stream.indirect.scatter.add.f32 [tilespmem:s17], [sflag:$0x1], $0x1, s28, s16, $0xb8;
	[tilespmem:$0x5580] =	vst v63  }
0x43: {  	s29 =	simm.s32 $0x2B00  }
0x44: {  	[spmem:s3] =	stream.indirect.scatter.add.f32 [tilespmem:s17], [sflag:$0x1], $0x1, s29, s16, $0xb8;
	[tilespmem:$0x5580] =	vst v63  }
0x45: {  	s30 =	simm.s32 $0x380  }
0x46: {  	[spmem:s2] =	stream.indirect.scatter.add.f32 [tilespmem:s17], [sflag:$0x1], $0x1, s30, s16, $0xb8;
	[tilespmem:$0x5580] =	vst v63  }
0x47: {  	s31 =	simm.s32 $0x2B80  }
0x48: {  	[spmem:s3] =	stream.indirect.scatter.add.f32 [tilespmem:s17], [sflag:$0x1], $0x1, s31, s16, $0xb8;
	[tilespmem:$0x5580] =	vst v63  }
0x49: {  	_ =	swait.ge [sflag:s18], $0x80  }
0x4a: {  	[sflag:s18] =	ssyncset.done $0x0  }
0x4b: {  	[sflag:s18] =	ssyncadd.s32 $0xFFFFFF80  }
0x4c: {  	_ =	swait.ge [sflag:s18], $0x80  }
0x4d: {  	[sflag:s18] =	ssyncset.done $0x0  }
0x4e: {  	[sflag:s18] =	ssyncadd.s32 $0xFFFFFF80  }
0x4f: {  	_ =	swait.ge [sflag:s18], $0x80  }
0x50: {  	[sflag:s18] =	ssyncset.done $0x0  }
0x51: {  	[sflag:s18] =	ssyncadd.s32 $0xFFFFFF80  }
0x52: {  	_ =	swait.ge [sflag:s18], $0x80  }
0x53: {  	[sflag:s18] =	ssyncset.done $0x0  }
0x54: {  	[sflag:s18] =	ssyncadd.s32 $0xFFFFFF80  }
0x55: {  	_ =	swait.ge [sflag:s18], $0x80  }
0x56: {  	[sflag:s18] =	ssyncset.done $0x0  }
0x57: {  	[sflag:s18] =	ssyncadd.s32 $0xFFFFFF80  }
0x58: {  	_ =	swait.ge [sflag:s18], $0x80  }
0x59: {  	[sflag:s18] =	ssyncset.done $0x0  }
0x5a: {  	[sflag:s18] =	ssyncadd.s32 $0xFFFFFF80  }
0x5b: {  	_ =	swait.ge [sflag:s18], $0x80  }
0x5c: {  	[sflag:s18] =	ssyncset.done $0x0  }
0x5d: {  	[sflag:s18] =	ssyncadd.s32 $0xFFFFFF80  }
0x5e: {  	_ =	swait.ge [sflag:s18], $0x80  }
0x5f: {  	[sflag:s18] =	ssyncset.done $0x0  }
0x60: {  	[sflag:s18] =	ssyncadd.s32 $0xFFFFFF80  }
0x61: {  	_ =	swait.ge [sflag:s18], $0x80  }
0x62: {  	[sflag:s18] =	ssyncset.done $0x0  }
0x63: {  	[sflag:s18] =	ssyncadd.s32 $0xFFFFFF80  }
0x64: {  	_ =	swait.ge [sflag:s18], $0x80  }
0x65: {  	[sflag:s18] =	ssyncset.done $0x0  }
0x66: {  	[sflag:s18] =	ssyncadd.s32 $0xFFFFFF80  }
0x67: {  	_ =	swait.ge [sflag:s18], $0x80  }
0x68: {  	[sflag:s18] =	ssyncset.done $0x0  }
0x69: {  	[sflag:s18] =	ssyncadd.s32 $0xFFFFFF80  }
0x6a: {  	_ =	swait.ge [sflag:s18], $0x80  }
0x6b: {  	[sflag:s18] =	ssyncset.done $0x0  }
0x6c: {  	[sflag:s18] =	ssyncadd.s32 $0xFFFFFF80  }
0x6d: {  	_ =	swait.ge [sflag:s18], $0x80  }
0x6e: {  	[sflag:s18] =	ssyncset.done $0x0  }
0x6f: {  	[sflag:s18] =	ssyncadd.s32 $0xFFFFFF80  }
0x70: {  	_ =	swait.ge [sflag:s18], $0x80  }
0x71: {  	[sflag:s18] =	ssyncset.done $0x0  }
0x72: {  	[sflag:s18] =	ssyncadd.s32 $0xFFFFFF80  }
0x73: {  	_ =	swait.ge [sflag:s18], $0x80  }
0x74: {  	[sflag:s18] =	ssyncset.done $0x0  }
0x75: {  	[sflag:s18] =	ssyncadd.s32 $0xFFFFFF80  }
0x76: {  	_ =	swait.ge [sflag:s18], $0x80  }
0x77: {  	s22 =	simm.s32 $0x1000;
	s25 =	simm.s32 $0x2000;
	[sflag:s18] =	ssyncset.done $0x0  }
.LBB2_2:
0x78: {  	s24 =	sshra.s32 s22, $0x2  }
0x79: {  	[sflag:s18] =	ssyncadd.s32 $0xFFFFFF80;
	s22 =	smov.u32 s25;
	s23 =	sadd.s32 $0x1000, s25  }
0x7a: {  	[spmem:s2] =	stream.indirect.scatter.add.f32 [tilespmem:s17], [sflag:$0x1], $0x1, s24, s16, $0xb8;
	[tilespmem:$0x5580] =	vst v63  }
0x7b: {  	p0 =	sne.s32 s25, $0x9000;
	s25 =	sadd.s32 $0x2800, s24  }
0x7c: {  	[spmem:s3] =	stream.indirect.scatter.add.f32 [tilespmem:s17], [sflag:$0x1], $0x1, s25, s16, $0xb8;
	[tilespmem:$0x5580] =	vst v63  }
0x7d: {  	s25 =	sadd.s32 $0x80, s24  }
0x7e: {  	[spmem:s2] =	stream.indirect.scatter.add.f32 [tilespmem:s17], [sflag:$0x1], $0x1, s25, s16, $0xb8;
	[tilespmem:$0x5580] =	vst v63  }
0x7f: {  	s25 =	sadd.s32 $0x2880, s24  }
0x80: {  	[spmem:s3] =	stream.indirect.scatter.add.f32 [tilespmem:s17], [sflag:$0x1], $0x1, s25, s16, $0xb8;
	[tilespmem:$0x5580] =	vst v63  }
0x81: {  	s25 =	sadd.s32 $0x100, s24  }
0x82: {  	[spmem:s2] =	stream.indirect.scatter.add.f32 [tilespmem:s17], [sflag:$0x1], $0x1, s25, s16, $0xb8;
	[tilespmem:$0x5580] =	vst v63  }
0x83: {  	s25 =	sadd.s32 $0x2900, s24  }
0x84: {  	[spmem:s3] =	stream.indirect.scatter.add.f32 [tilespmem:s17], [sflag:$0x1], $0x1, s25, s16, $0xb8;
	[tilespmem:$0x5580] =	vst v63  }
0x85: {  	s25 =	sadd.s32 $0x180, s24  }
0x86: {  	[spmem:s2] =	stream.indirect.scatter.add.f32 [tilespmem:s17], [sflag:$0x1], $0x1, s25, s16, $0xb8;
	[tilespmem:$0x5580] =	vst v63  }
0x87: {  	s25 =	sadd.s32 $0x2980, s24  }
0x88: {  	[spmem:s3] =	stream.indirect.scatter.add.f32 [tilespmem:s17], [sflag:$0x1], $0x1, s25, s16, $0xb8;
	[tilespmem:$0x5580] =	vst v63  }
0x89: {  	s25 =	sadd.s32 $0x200, s24  }
0x8a: {  	[spmem:s2] =	stream.indirect.scatter.add.f32 [tilespmem:s17], [sflag:$0x1], $0x1, s25, s16, $0xb8;
	[tilespmem:$0x5580] =	vst v63  }
0x8b: {  	s25 =	sadd.s32 $0x2A00, s24  }
0x8c: {  	[spmem:s3] =	stream.indirect.scatter.add.f32 [tilespmem:s17], [sflag:$0x1], $0x1, s25, s16, $0xb8;
	[tilespmem:$0x5580] =	vst v63  }
0x8d: {  	s25 =	sadd.s32 $0x280, s24  }
0x8e: {  	[spmem:s2] =	stream.indirect.scatter.add.f32 [tilespmem:s17], [sflag:$0x1], $0x1, s25, s16, $0xb8;
	[tilespmem:$0x5580] =	vst v63  }
0x8f: {  	s25 =	sadd.s32 $0x2A80, s24  }
0x90: {  	[spmem:s3] =	stream.indirect.scatter.add.f32 [tilespmem:s17], [sflag:$0x1], $0x1, s25, s16, $0xb8;
	[tilespmem:$0x5580] =	vst v63  }
0x91: {  	s25 =	sadd.s32 $0x300, s24  }
0x92: {  	[spmem:s2] =	stream.indirect.scatter.add.f32 [tilespmem:s17], [sflag:$0x1], $0x1, s25, s16, $0xb8;
	[tilespmem:$0x5580] =	vst v63  }
0x93: {  	s25 =	sadd.s32 $0x2B00, s24  }
0x94: {  	[spmem:s3] =	stream.indirect.scatter.add.f32 [tilespmem:s17], [sflag:$0x1], $0x1, s25, s16, $0xb8;
	[tilespmem:$0x5580] =	vst v63  }
0x95: {  	s25 =	sadd.s32 $0x380, s24  }
0x96: {  	[spmem:s2] =	stream.indirect.scatter.add.f32 [tilespmem:s17], [sflag:$0x1], $0x1, s25, s16, $0xb8;
	[tilespmem:$0x5580] =	vst v63  }
0x97: {  	s24 =	sadd.s32 $0x2B80, s24  }
0x98: {  	[spmem:s3] =	stream.indirect.scatter.add.f32 [tilespmem:s17], [sflag:$0x1], $0x1, s24, s16, $0xb8;
	[tilespmem:$0x5580] =	vst v63  }
0x99: {  	_ =	swait.ge [sflag:s18], $0x80  }
0x9a: {  	[sflag:s18] =	ssyncset.done $0x0  }
0x9b: {  	[sflag:s18] =	ssyncadd.s32 $0xFFFFFF80  }
0x9c: {  	_ =	swait.ge [sflag:s18], $0x80  }
0x9d: {  	[sflag:s18] =	ssyncset.done $0x0  }
0x9e: {  	[sflag:s18] =	ssyncadd.s32 $0xFFFFFF80  }
0x9f: {  	_ =	swait.ge [sflag:s18], $0x80  }
0xa0: {  	[sflag:s18] =	ssyncset.done $0x0  }
0xa1: {  	[sflag:s18] =	ssyncadd.s32 $0xFFFFFF80  }
0xa2: {  	_ =	swait.ge [sflag:s18], $0x80  }
0xa3: {  	[sflag:s18] =	ssyncset.done $0x0  }
0xa4: {  	[sflag:s18] =	ssyncadd.s32 $0xFFFFFF80  }
0xa5: {  	_ =	swait.ge [sflag:s18], $0x80  }
0xa6: {  	[sflag:s18] =	ssyncset.done $0x0  }
0xa7: {  	[sflag:s18] =	ssyncadd.s32 $0xFFFFFF80  }
0xa8: {  	_ =	swait.ge [sflag:s18], $0x80  }
0xa9: {  	[sflag:s18] =	ssyncset.done $0x0  }
0xaa: {  	[sflag:s18] =	ssyncadd.s32 $0xFFFFFF80  }
0xab: {  	_ =	swait.ge [sflag:s18], $0x80  }
0xac: {  	[sflag:s18] =	ssyncset.done $0x0  }
0xad: {  	[sflag:s18] =	ssyncadd.s32 $0xFFFFFF80  }
0xae: {  	_ =	swait.ge [sflag:s18], $0x80  }
0xaf: {  	[sflag:s18] =	ssyncset.done $0x0  }
0xb0: {  	[sflag:s18] =	ssyncadd.s32 $0xFFFFFF80  }
0xb1: {  	_ =	swait.ge [sflag:s18], $0x80  }
0xb2: {  	[sflag:s18] =	ssyncset.done $0x0  }
0xb3: {  	[sflag:s18] =	ssyncadd.s32 $0xFFFFFF80  }
0xb4: {  	_ =	swait.ge [sflag:s18], $0x80  }
0xb5: {  	[sflag:s18] =	ssyncset.done $0x0  }
0xb6: {  	[sflag:s18] =	ssyncadd.s32 $0xFFFFFF80  }
0xb7: {  	_ =	swait.ge [sflag:s18], $0x80  }
0xb8: {  	[sflag:s18] =	ssyncset.done $0x0  }
0xb9: {  	[sflag:s18] =	ssyncadd.s32 $0xFFFFFF80  }
0xba: {  	_ =	swait.ge [sflag:s18], $0x80  }
0xbb: {  	[sflag:s18] =	ssyncset.done $0x0  }
0xbc: {  	[sflag:s18] =	ssyncadd.s32 $0xFFFFFF80  }
0xbd: {  	_ =	swait.ge [sflag:s18], $0x80  }
0xbe: {  	[sflag:s18] =	ssyncset.done $0x0  }
0xbf: {  	[sflag:s18] =	ssyncadd.s32 $0xFFFFFF80  }
0xc0: {  	_ =	swait.ge [sflag:s18], $0x80  }
0xc1: {  	[sflag:s18] =	ssyncset.done $0x0  }
0xc2: {  	[sflag:s18] =	ssyncadd.s32 $0xFFFFFF80  }
.Ltmp0:
0xc3: {  	_ =	swait.ge [sflag:s18], $0x80;
	(pc) =	sbr.rel @p0 .LBB2_2-.Ltmp0, $4  }
0xc4: {  	[sflag:s18] =	ssyncset.done $0x0  }
0xc5: {  	[sflag:s18] =	ssyncadd.s32 $0xFFFFFF80  }
0xc6: {  	_ =	swait.ge [sflag:s18], $0x80  }
0xc7: {  	s25 =	smov.u32 s23;
	[sflag:s18] =	ssyncset.done $0x0  }
0xc8: {  	s22 =	sshra.s32 s22, $0x2;
	[sflag:s18] =	ssyncadd.s32 $0xFFFFFF80  }
0xc9: {  	[spmem:s2] =	stream.indirect.scatter.add.f32 [tilespmem:s17], [sflag:$0x1], $0x1, s22, s16, $0xb8;
	[tilespmem:$0x5580] =	vst v63  }
0xca: {  	s23 =	sadd.s32 $0x2800, s22  }
0xcb: {  	[spmem:s3] =	stream.indirect.scatter.add.f32 [tilespmem:s17], [sflag:$0x1], $0x1, s23, s16, $0xb8;
	[tilespmem:$0x5580] =	vst v63  }
0xcc: {  	s25 =	sadd.s32 $0x80, s22  }
0xcd: {  	[spmem:s2] =	stream.indirect.scatter.add.f32 [tilespmem:s17], [sflag:$0x1], $0x1, s25, s16, $0xb8;
	[tilespmem:$0x5580] =	vst v63  }
0xce: {  	s26 =	sadd.s32 $0x2880, s22  }
0xcf: {  	[spmem:s3] =	stream.indirect.scatter.add.f32 [tilespmem:s17], [sflag:$0x1], $0x1, s26, s16, $0xb8;
	[tilespmem:$0x5580] =	vst v63  }
0xd0: {  	s28 =	sadd.s32 $0x100, s22  }
0xd1: {  	[spmem:s2] =	stream.indirect.scatter.add.f32 [tilespmem:s17], [sflag:$0x1], $0x1, s28, s16, $0xb8;
	[tilespmem:$0x5580] =	vst v63  }
0xd2: {  	s29 =	sadd.s32 $0x2900, s22  }
0xd3: {  	[spmem:s3] =	stream.indirect.scatter.add.f32 [tilespmem:s17], [sflag:$0x1], $0x1, s29, s16, $0xb8;
	[tilespmem:$0x5580] =	vst v63  }
0xd4: {  	s30 =	sadd.s32 $0x180, s22  }
0xd5: {  	[spmem:s2] =	stream.indirect.scatter.add.f32 [tilespmem:s17], [sflag:$0x1], $0x1, s30, s16, $0xb8;
	[tilespmem:$0x5580] =	vst v63  }
0xd6: {  	s31 =	sadd.s32 $0x2980, s22  }
0xd7: {  	[spmem:s3] =	stream.indirect.scatter.add.f32 [tilespmem:s17], [sflag:$0x1], $0x1, s31, s16, $0xb8;
	[tilespmem:$0x5580] =	vst v63  }
0xd8: {  	s24 =	sadd.s32 $0x200, s22  }
0xd9: {  	[spmem:s2] =	stream.indirect.scatter.add.f32 [tilespmem:s17], [sflag:$0x1], $0x1, s24, s16, $0xb8;
	[tilespmem:$0x5580] =	vst v63  }
0xda: {  	s25 =	sadd.s32 $0x2A00, s22  }
0xdb: {  	[spmem:s3] =	stream.indirect.scatter.add.f32 [tilespmem:s17], [sflag:$0x1], $0x1, s25, s16, $0xb8;
	[tilespmem:$0x5580] =	vst v63  }
0xdc: {  	s26 =	sadd.s32 $0x280, s22  }
0xdd: {  	[spmem:s2] =	stream.indirect.scatter.add.f32 [tilespmem:s17], [sflag:$0x1], $0x1, s26, s16, $0xb8;
	[tilespmem:$0x5580] =	vst v63  }
0xde: {  	s28 =	sadd.s32 $0x2A80, s22  }
0xdf: {  	[spmem:s3] =	stream.indirect.scatter.add.f32 [tilespmem:s17], [sflag:$0x1], $0x1, s28, s16, $0xb8;
	[tilespmem:$0x5580] =	vst v63  }
0xe0: {  	s29 =	sadd.s32 $0x300, s22  }
0xe1: {  	[spmem:s2] =	stream.indirect.scatter.add.f32 [tilespmem:s17], [sflag:$0x1], $0x1, s29, s16, $0xb8;
	[tilespmem:$0x5580] =	vst v63  }
0xe2: {  	s30 =	sadd.s32 $0x2B00, s22  }
0xe3: {  	[spmem:s3] =	stream.indirect.scatter.add.f32 [tilespmem:s17], [sflag:$0x1], $0x1, s30, s16, $0xb8;
	[tilespmem:$0x5580] =	vst v63  }
0xe4: {  	s31 =	sadd.s32 $0x380, s22  }
0xe5: {  	[spmem:s2] =	stream.indirect.scatter.add.f32 [tilespmem:s17], [sflag:$0x1], $0x1, s31, s16, $0xb8;
	[tilespmem:$0x5580] =	vst v63  }
0xe6: {  	s22 =	sadd.s32 $0x2B80, s22  }
0xe7: {  	[spmem:s3] =	stream.indirect.scatter.add.f32 [tilespmem:s17], [sflag:$0x1], $0x1, s22, s16, $0xb8;
	[tilespmem:$0x5580] =	vst v63  }
0xe8: {  	_ =	swait.ge [sflag:s18], $0x80  }
0xe9: {  	[sflag:s18] =	ssyncset.done $0x0  }
0xea: {  	[sflag:s18] =	ssyncadd.s32 $0xFFFFFF80  }
0xeb: {  	_ =	swait.ge [sflag:s18], $0x80  }
0xec: {  	[sflag:s18] =	ssyncset.done $0x0  }
0xed: {  	[sflag:s18] =	ssyncadd.s32 $0xFFFFFF80  }
0xee: {  	_ =	swait.ge [sflag:s18], $0x80  }
0xef: {  	[sflag:s18] =	ssyncset.done $0x0  }
0xf0: {  	[sflag:s18] =	ssyncadd.s32 $0xFFFFFF80  }
0xf1: {  	_ =	swait.ge [sflag:s18], $0x80  }
0xf2: {  	[sflag:s18] =	ssyncset.done $0x0  }
0xf3: {  	[sflag:s18] =	ssyncadd.s32 $0xFFFFFF80  }
0xf4: {  	_ =	swait.ge [sflag:s18], $0x80  }
0xf5: {  	[sflag:s18] =	ssyncset.done $0x0  }
0xf6: {  	[sflag:s18] =	ssyncadd.s32 $0xFFFFFF80  }
0xf7: {  	_ =	swait.ge [sflag:s18], $0x80  }
0xf8: {  	[sflag:s18] =	ssyncset.done $0x0  }
0xf9: {  	[sflag:s18] =	ssyncadd.s32 $0xFFFFFF80  }
0xfa: {  	_ =	swait.ge [sflag:s18], $0x80  }
0xfb: {  	[sflag:s18] =	ssyncset.done $0x0  }
0xfc: {  	[sflag:s18] =	ssyncadd.s32 $0xFFFFFF80  }
0xfd: {  	_ =	swait.ge [sflag:s18], $0x80  }
0xfe: {  	[sflag:s18] =	ssyncset.done $0x0  }
0xff: {  	[sflag:s18] =	ssyncadd.s32 $0xFFFFFF80  }
0x100: {  	_ =	swait.ge [sflag:s18], $0x80  }
0x101: {  	[sflag:s18] =	ssyncset.done $0x0  }
0x102: {  	[sflag:s18] =	ssyncadd.s32 $0xFFFFFF80  }
0x103: {  	_ =	swait.ge [sflag:s18], $0x80  }
0x104: {  	[sflag:s18] =	ssyncset.done $0x0  }
0x105: {  	[sflag:s18] =	ssyncadd.s32 $0xFFFFFF80  }
0x106: {  	_ =	swait.ge [sflag:s18], $0x80  }
0x107: {  	[sflag:s18] =	ssyncset.done $0x0  }
0x108: {  	[sflag:s18] =	ssyncadd.s32 $0xFFFFFF80  }
0x109: {  	_ =	swait.ge [sflag:s18], $0x80  }
0x10a: {  	[sflag:s18] =	ssyncset.done $0x0  }
0x10b: {  	[sflag:s18] =	ssyncadd.s32 $0xFFFFFF80  }
0x10c: {  	_ =	swait.ge [sflag:s18], $0x80  }
0x10d: {  	[sflag:s18] =	ssyncset.done $0x0  }
0x10e: {  	[sflag:s18] =	ssyncadd.s32 $0xFFFFFF80  }
0x10f: {  	_ =	swait.ge [sflag:s18], $0x80  }
0x110: {  	[sflag:s18] =	ssyncset.done $0x0  }
0x111: {  	[sflag:s18] =	ssyncadd.s32 $0xFFFFFF80  }
0x112: {  	_ =	swait.ge [sflag:s18], $0x80  }
0x113: {  	[sflag:s18] =	ssyncset.done $0x0  }
0x114: {  	[sflag:s18] =	ssyncadd.s32 $0xFFFFFF80  }
0x115: {  	_ =	swait.ge [sflag:s18], $0x80  }
0x116: {  	[sflag:s18] =	ssyncset.done $0x0  }
0x117: {  	[sflag:s18] =	ssyncadd.s32 $0xFFFFFF80  }
0x118: {  	[bflag:$0x0] =	sbarrier.arrive $0xFFFF  }
0x119: {  	[hbm:s9@s19], [sflag:s6] =	dma.strided [spmem:s12@s20], $0x50, s18, $0x10   }
0x11a: {  	s21 =	sadd.s32 $0x1, s21;
	_ =	swait.ge [sflag:s13], $0x50  }
0x11b: {  	p0 =	sne.s32 s21, s11;
	[sflag:s13] =	ssyncset.done $0x0  }
.Ltmp1:
0x11c: {  	[sflag:s13] =	ssyncadd.s32 $0xFFFFFFB0;
	(pc) =	sbr.rel @p0 .LBB2_1-.Ltmp1, $4  }
0x11d: {  	[hbm:s10@s19], [sflag:s6] =	dma.strided [spmem:s14@s20], $0x50, s18, $0x10   }
0x11e: {  	_ =	swait.ge [sflag:s13], $0x50  }
0x11f: {  	[sflag:s13] =	ssyncset.done $0x0  }
0x120: {  	[sflag:s13] =	ssyncadd.s32 $0xFFFFFFB0  }
0x121: {  	_ =	sfence.sel $0x180000  }
0x122: {  	[bflag:$0x0] =	sbarrier.arrive $0xFFFF  }
0x123: {  	p0 =	sne.s32 s0, $0x0;
	_ =	strace $0x90000047  }
0x124: {  	s0 =	sadd.s32 @!p0 $0x100000, s1;
	[bflag:$0x2] =	sbarrier.arrive $0xFFFF  }
0x125: {  	[sflag:s0] =	ssyncadd.tile.s32 @!p0 $0x1;
	_ =	shalt  }
.Lfunc_end2:
_tile_overlayer_lowered:
.L_overlay_start_2:
0x126: {  	(tag) =	ssettag $0x2  }
0x127: {  	s0 =	rddreg [dreg:$0x0];
	s2 =	stileid.u32  }
0x128: {  	s1 =	rddreg [dreg:$0x1];
	p0 =	sne.s32 s2, $0x0  }
0x129: {  	s3 =	rddreg [dreg:$0x2];
	[bflag:$0x3] =	sbarrier.arrive $0xFFFF;
	s2 =	simm.s32 @!p0 $0x1C02  }
0x12a: {  	[timem:s3], [sflag:s2] =	dma.local @!p0 [hbm:s0], s1  }
0x12b: {  	s0 =	simm.s32 @!p0 $0x2  }
0x12c: {  	_ =	swait.ge @!p0 [sflag:s0], s1  }
0x12d: {  	s1 =	ssub.s32 @!p0 $0x0, s1;
	[sflag:s0] =	ssyncset.done @!p0 $0x0  }
0x12e: {  	[sflag:s0] =	ssyncadd.s32 @!p0 s1  }
0x12f: {  	[bflag:$0x3] =	sbarrier.arrive $0xFFFF  }
0x130: {  	_ =	shalt  }

// kernel: kernel.9.cloned.1.call-start
scs
__scs_entry_jumppad:
0x0: {  	(pc) =	sbr.rel $0x88, $3  }
0x1: {  	(tag) =	ssettag $0x0;
	lr =	simm.s32 $0x1  }
0x2: {  	[smem:$0x3F9B] =	sst lr;
	_ =	strace $0xD0000000  }
0x3: {  	_ = 	snop  }
0x4: {  	_ = 	snop  }
0x5: {  	_ = 	snop  }
0x6: {  	_ = 	snop  }
0x7: {  	_ = 	snop  }
__scs_overlays_trampoline_lowered:
0x8: {  	[smem:$0x3FAA] =	sst s0  }
0x9: {  	[smem:$0x3FAB] =	sst s1  }
0xa: {  	[smem:$0x3FAC] =	sst s2  }
0xb: {  	[smem:$0x3FAD] =	sst s3  }
0xc: {  	[smem:$0x3FAE] =	sst s4  }
0xd: {  	[smem:$0x3FAF] =	sst s5  }
0xe: {  	[smem:$0x3FB0] =	sst s6  }
0xf: {  	[smem:$0x3FB1] =	sst s7  }
0x10: {  	[smem:$0x3FB2] =	sst s8  }
0x11: {  	[smem:$0x3FB3] =	sst s9;
	s0 =	simm.s32 @!p0 $0x0  }
0x12: {  	s1 =	sld [smem:$0x3F99];
	s0 =	simm.s32 @p0 $0x1  }
0x13: {  	[smem:$0x3FB4] =	sst s0;
	s0 =	simm.s32 @!p1 $0x0  }
0x14: {  	s2 =	sld [smem:$0x3F98];
	s0 =	simm.s32 @p1 $0x1  }
0x15: {  	[smem:$0x3FB5] =	sst s0;
	s0 =	simm.s32 @!p2 $0x0  }
0x16: {  	s3 =	sld [smem:$0x3FDB];
	s0 =	simm.s32 @p2 $0x1  }
0x17: {  	s4 =	simm.s32 $0x1BF5;
	[smem:$0x3FB7] =	sst s0  }
0x18: {  	s0 =	sld [smem:$0x3F9A];
	_ =	swait.ge [sflag:s4], $0x0  }
0x19: {  	s7 =	sld [smem:$0x3F9B]  }
0x1a: {  	s8 =	sadd.s32 $0xFFFFE003, lr  }
0x1b: {  	s9 =	sadd.s32 $0xFFFFFEF7, lr;
	s5 =	simm.s32 $0xFFFFFFFF;
	p2 =	slt.u32 s8, $0xFFFFF086  }
0x1c: {  	p1 =	slt.u32 s9, $0xF7A;
	s5 =	simm.s32 @!p2 $0x0  }
0x1d: {  	s5 =	simm.s32 @p1 $0x1;
	p0 =	seq.s32 s7, s2  }
0x1e: {  	s7 =	smul.u32 @!p0 $0xF7A, s2;
	p2 =	seq.s32 @!p0 s5, $0x0  }
0x1f: {  	s9 =	smul.u32 $0xF7A, s1;
	s8 =	simm.s32 @!p0 $0x1BF5;
	p2 =	por !p2, p0  }
0x20: {  	[sflag:s8] =	ssyncset.s32 @!p0 $0xFFFFF086;
	s6 =	sadd.s32 @!p0 s3, s7;
	s7 =	simm.s32 @!p0 $0x108  }
0x21: {  	s3 =	sadd.s32 s3, s9;
	s6 =	sadd.s32 @!p0 $0x88, s6;
	s7 =	simm.s32 @p2 $0x1082  }
0x22: {  	[simem:s7], [sflag:s8] =	dma.local @!p0 [hbm:s6], $0xF7A  }
0x23: {  	s9 =	sor.u32 $0xD0000000, s2;
	s6 =	simm.s32 $0x108;
	_ =	swait.ge @!p0 [sflag:s8], $0x0  }
0x24: {  	s3 =	sadd.s32 $0x88, s3;
	s6 =	simm.s32 @!p1 $0x1082;
	[sflag:s4] =	ssyncset.s32 $0xFFFFF086  }
0x25: {  	[simem:s6], [sflag:s4] =	dma.local [hbm:s3], $0xF7A  }
0x26: {  	[smem:$0x3F9B] =	sst s1;
	(tag) =	ssettag s2;
	_ =	strace s9  }
0x27: {  	s1 =	sld [smem:$0x3FAB]  }
0x28: {  	s2 =	sld [smem:$0x3FAC]  }
0x29: {  	s4 =	sld [smem:$0x3FAE]  }
0x2a: {  	p0 =	seq.s32 s5, $0x0;
	s5 =	sld [smem:$0x3FAF]  }
0x2b: {  	s6 =	sld [smem:$0x3FB0]  }
0x2c: {  	s7 =	sld [smem:$0x3FB1]  }
0x2d: {  	s3 =	simm.s32 $0x108;
	s8 =	sld [smem:$0x3FB2]  }
0x2e: {  	s3 =	simm.s32 @!p0 $0x1082;
	s9 =	sld [smem:$0x3FB3]  }
0x2f: {  	lr =	sadd.s32 s0, s3;
	s0 =	sld [smem:$0x3FAA]  }
0x30: {  	s3 =	sld [smem:$0x3FAD]  }
0x31: {  	[smem:$0x3FB6] =	sst s10  }
0x32: {  	s10 =	sld [smem:$0x3FB4];
	_ =	sdelay $0x3  }
0x33: {  	p0 =	seq.s32 s10, $0x1;
	s10 =	sld [smem:$0x3FB6];
	_ =	sdelay $0x3  }
0x34: {  	[smem:$0x3FB6] =	sst s10  }
0x35: {  	s10 =	sld [smem:$0x3FB5];
	_ =	sdelay $0x3  }
0x36: {  	p1 =	seq.s32 s10, $0x1;
	s10 =	sld [smem:$0x3FB6];
	_ =	sdelay $0x3  }
0x37: {  	[smem:$0x3FB6] =	sst s10  }
0x38: {  	s10 =	sld [smem:$0x3FB7]  }
0x39: {  	_ = 	snop;
	(pc) =	sbr.ind lr, $3  }
0x3a: {  	_ = 	snop  }
0x3b: {  	_ = 	snop  }
0x3c: {  	p2 =	seq.s32 s10, $0x1;
	s10 =	sld [smem:$0x3FB6]  }
0x3d: {  	_ =	shalt  }
0x3e: {  	_ =	shalt  }
0x3f: {  	_ =	shalt  }
0x40: {  	_ =	shalt  }
0x41: {  	_ =	shalt  }
0x42: {  	_ =	shalt  }
0x43: {  	_ =	shalt  }
0x44: {  	_ =	shalt  }
0x45: {  	_ =	shalt  }
0x46: {  	_ =	shalt  }
0x47: {  	_ =	shalt  }
0x48: {  	_ =	shalt  }
0x49: {  	_ =	shalt  }
0x4a: {  	_ =	shalt  }
0x4b: {  	_ =	shalt  }
0x4c: {  	_ =	shalt  }
0x4d: {  	_ =	shalt  }
0x4e: {  	_ =	shalt  }
0x4f: {  	_ =	shalt  }
0x50: {  	_ =	shalt  }
0x51: {  	_ =	shalt  }
0x52: {  	_ =	shalt  }
0x53: {  	_ =	shalt  }
0x54: {  	_ =	shalt  }
0x55: {  	_ =	shalt  }
0x56: {  	_ =	shalt  }
0x57: {  	_ =	shalt  }
0x58: {  	_ =	shalt  }
0x59: {  	_ =	shalt  }
0x5a: {  	_ =	shalt  }
0x5b: {  	_ =	shalt  }
0x5c: {  	_ =	shalt  }
0x5d: {  	_ =	shalt  }
0x5e: {  	_ =	shalt  }
0x5f: {  	_ =	shalt  }
0x60: {  	_ =	shalt  }
0x61: {  	_ =	shalt  }
0x62: {  	_ =	shalt  }
0x63: {  	_ =	shalt  }
0x64: {  	_ =	shalt  }
0x65: {  	_ =	shalt  }
0x66: {  	_ =	shalt  }
0x67: {  	_ =	shalt  }
0x68: {  	_ =	shalt  }
0x69: {  	_ =	shalt  }
0x6a: {  	_ =	shalt  }
0x6b: {  	_ =	shalt  }
0x6c: {  	_ =	shalt  }
0x6d: {  	_ =	shalt  }
0x6e: {  	_ =	shalt  }
0x6f: {  	_ =	shalt  }
0x70: {  	_ =	shalt  }
0x71: {  	_ =	shalt  }
0x72: {  	_ =	shalt  }
0x73: {  	_ =	shalt  }
0x74: {  	_ =	shalt  }
0x75: {  	_ =	shalt  }
0x76: {  	_ =	shalt  }
0x77: {  	_ =	shalt  }
0x78: {  	_ =	shalt  }
0x79: {  	_ =	shalt  }
0x7a: {  	_ =	shalt  }
0x7b: {  	_ =	shalt  }
0x7c: {  	_ =	shalt  }
0x7d: {  	_ =	shalt  }
0x7e: {  	_ =	shalt  }
0x7f: {  	_ =	shalt  }
0x80: {  	_ =	shalt  }
0x81: {  	_ =	shalt  }
0x82: {  	_ =	shalt  }
0x83: {  	_ =	shalt  }
0x84: {  	_ =	shalt  }
0x85: {  	_ =	shalt  }
0x86: {  	_ =	shalt  }
0x87: {  	_ =	shalt  }
.Lfunc_end0:
.L_simem_size_0:
called_computation.1_lowered:
.L_overlay_start_0:
0x88: {  	s2 =	sld [smem:$0x3FD9]  }
0x89: {  	s3 =	sld [smem:$0x3FFE];
	_ =	sdelay $0x1  }
0x8a: {  	s1 =	srdreg.scid  }
0x8b: {  	s0 =	sand.u32 $0x1, s1  }
0x8c: {  	s16 =	sshll.u32 s0, $0xA;
	s2 =	sadd.s32 s3, s2  }
0x8d: {  	s2 =	sadd.s32 s2, s16  }
0x8e: {  	[smem:$0x3FC2] =	sst s2  }
0x8f: {  	_ = 	snop  }
0x90: {  	(tm) =	ssettm $0x1  }
0x91: {  	s17 =	sld [smem:$0x3FFB];
	_ =	sdelay $0x3  }
0x92: {  	_ =	strace s17  }
0x93: {  	s2 =	sld [smem:$0x3FFC];
	_ =	sdelay $0x3  }
0x94: {  	_ =	strace s2  }
0x95: {  	s2 =	sld [smem:$0x3FFD];
	_ =	sdelay $0x3  }
0x96: {  	_ =	strace s2  }
0x97: {  	_ =	strace $0x8FFFFFFF  }
0x98: {  	s18 =	sld [smem:$0x3FDB];
	_ =	sdelay $0x1  }
0x99: {  	s19 =	simm.s32 $_scs_section_size  }
0x9a: {  	s4 =	simm.s32 $_size__tile_overlayer_lowered;
	s5 =	simm.s32 $_tile_overlayer_lowered  }
0x9b: {  	s22 =	simm.s32 $0x1BFF;
	s21 =	sshll.u32 s5, $0x1;
	s2 =	sadd.s32 s19, s18  }
0x9c: {  	s6 =	simm.s32 $0x0;
	s20 =	sshll.u32 s4, $0x1;
	s4 =	sadd.s32 s21, s2  }
0x9d: {  	[timem:s6], [sflag:s22] =	dma.local [hbm:s4], s20  }
0x9e: {  	_ =	swait.ge [sflag:s22], s20  }
0x9f: {  	s3 =	ssub.s32 $0x0, s20;
	[sflag:s22] =	ssyncset.done $0x0  }
0xa0: {  	[sflag:s22] =	ssyncadd.s32 s3;
	_ =	sdelay $0x1  }
0xa1: {  	s23 =	simm.s32 $0x1B8B  }
0xa2: {  	_ =	swait.ge [sflag:s23], $0x1  }
0xa3: {  	[sflag:s23] =	ssyncset.done $0x0  }
0xa4: {  	s25 =	simm.s32 $0x1B8E;
	s24 =	sld [smem:$0x3FFE];
	[sflag:s23] =	ssyncadd.s32 $0xFFFFFFFF  }
0xa5: {  	s26 =	simm.s32 $execute0_lowered;
	[smem:$0x3FD2] =	sst s25  }
0xa6: {  	s4 =	sshll.u32 s26, $0x1;
	_ =	strace $0x80000049;
	[dreg:$0x1] =	wrdreg $0xFFFFFFFF  }
0xa7: {  	s28 =	simm.s32 $_size_execute0_lowered;
	s2 =	sadd.s32 s2, s4;
	[dreg:$0x0] =	wrdreg $0x0  }
0xa8: {  	s4 =	sshll.u32 s28, $0x1;
	[dreg:$0x2] =	wrdreg s2  }
0xa9: {  	[dreg:$0x3] =	wrdreg s4  }
0xaa: {  	[dreg:$0x4] =	wrdreg $0xC0  }
0xab: {  	_ =	task [dreg:s6], $0x5FFFF  }
0xac: {  	[dreg:$0x1] =	wrdreg $0xFFFFFFFF  }
0xad: {  	[dreg:$0x0] =	wrdreg $0x60  }
0xae: {  	[dreg:$0x2] =	wrdreg s24  }
0xaf: {  	[dreg:$0x3] =	wrdreg $0xA9000  }
0xb0: {  	[dreg:$0x4] =	wrdreg $0x1E9000  }
0xb1: {  	[dreg:$0x5] =	wrdreg $0x9  }
0xb2: {  	_ =	task.clear_ibuf [dreg:s6], $0x6FFFF;
	_ =	strace $0x90000049  }
0xb3: {  	s29 =	simm.s32 $0x9;
	_ =	strace $0x8000004B  }
0xb4: {  	_ =	swait.ge [sflag:s29], $0x1  }
0xb5: {  	[sflag:s29] =	ssyncadd.s32 $0xFFFFFFFF  }
0xb6: {  	_ =	strace $0x9000004B  }
0xb7: {  	_ =	sfence  }
0xb8: {  	s30 =	sld [smem:$0x0];
	_ =	sdelay $0x2  }
0xb9: {  	s31 =	sshll.u32 s1, $0xD;
	s1 =	sshrl.u32 s1, $0x2  }
0xba: {  	s3 =	sand.u32 $0x4000, s31;
	s1 =	sadd.s32 s1, s30  }
0xbb: {  	s0 =	sor.u32 s3, s0;
	s1 =	sshll.u32 s1, $0x11  }
0xbc: {  	s0 =	sor.u32 s1, s0  }
0xbd: {  	s0 =	sadd.s32 $0x8F2B, s0  }
0xbe: {  	[sflag:s0] =	ssyncadd.remote.s32 $0x1  }
0xbf: {  	_ =	sfence.sel $0xFFFF  }
0xc0: {  	[dreg:$0x0] =	wrdreg $0xFFFFFFFF;
	(pc) =	sbr.abs _section_cstart, $3  }
0xc1: {  	[dreg:$0x1] =	wrdreg $0xFFFFFFFF  }
0xc2: {  	_ =	task.clear_ibuf [dreg:s6], $0x2FFFF;
	_ =	strace $0x9FFFFFFF  }
0xc3: {  	(tm) =	ssettm $0x7FFFFFFF  }
tec
execute0_lowered:
.L_overlay_start_1:
0x0: {  	(tag) =	ssettag $0x1  }
0x1: {  	s0 =	rddreg [dreg:$0x0]  }
0x2: {  	s1 =	rddreg [dreg:$0x1]  }
0x3: {  	s2 =	rddreg [dreg:$0x2];
	s4 =	simm.s32 $0x0;
	s16 =	stileid.u32  }
0x4: {  	s6 =	srdreg.scid;
	s28 =	simm.s32 $0x1;
	s29 =	simm.s32 $0x3  }
0x5: {  	s30 =	simm.s32 $0x5;
	s31 =	simm.s32 $0x7;
	s3 =	smul.u32 $0x14000, s16  }
0x6: {  	[smem:$0x7FF] =	sst s4;
	s5 =	sadd.s32 $0x16200, s0;
	s9 =	smul.u32 $0x280, s16  }
0x7: {  	s7 =	sadd.s32 $0xBC00, s0;
	s8 =	sand.u32 $0x1, s6;
	s13 =	smul.u32 $0x500, s16  }
0x8: {  	s10 =	sadd.s32 $0x1C00, s0;
	s6 =	sadd.s32 $0x3E200, s0;
	s26 =	smul.u32 $0x50000, s16  }
0x9: {  	s19 =	sshll.u32 s16, $0x6;
	_ =	strace $0x8000004A;
	s12 =	smul.u32 $0x140000, s8  }
0xa: {  	s25 =	sshll.u32 s8, $0x7;
	s17 =	ssub.s32 $0x2, s8;
	s8 =	sshll.u32 s8, $0x4  }
0xb: {  	s11 =	sshrl.u32 s3, $0x3;
	s14 =	sshrl.u32 s9, $0x3;
	s15 =	sshrl.u32 s17, $0x1  }
0xc: {  	s8 =	sor.u32 s16, s8;
	s9 =	sadd.s32 s9, s2;
	s11 =	sadd.s32 s11, s0  }
0xd: {  	s3 =	sadd.s32 s3, s12;
	s14 =	sadd.s32 s14, s0;
	s18 =	smul.u32 $0x2800, s8  }
0xe: {  	s12 =	sor.u32 s25, s13;
	s13 =	sshrl.u32 s26, $0x2;
	s20 =	smul.u32 $0x500, s8  }
0xf: {  	s8 =	sor.u32 $0x1C09, s19;
	[dreg:$0x5] =	wrdreg s9;
	s19 =	simm.s32 $0x9  }
0x10: {  	s3 =	sshrl.u32 s3, $0x3;
	s12 =	sshrl.u32 s12, $0x3;
	s13 =	sadd.s32 s13, s1  }
0x11: {  	s11 =	sadd.s32 $0x3E800, s11;
	s22 =	sadd.s32 $0x15C00, s14;
	s14 =	simm.s32 $0x0  }
0x12: {  	s3 =	sadd.s32 s3, s0;
	s0 =	sadd.s32 s12, s0;
	[dreg:$0x4] =	wrdreg s11  }
0x13: {  	s12 =	ssub.s32 s17, s15;
	s21 =	sshrl.u32 s18, $0x3;
	[dreg:$0x6] =	wrdreg s22  }
0x14: {  	s23 =	sadd.s32 s7, s20;
	s24 =	sadd.s32 s10, s20;
	s18 =	sshrl.u32 s13, $0x3  }
0x15: {  	s20 =	simm.s32 $0x1400;
	s22 =	simm.s32 $0x2800;
	s11 =	simm.s32 $0x1300  }
0x16: {  	s13 =	simm.s32 $0x1380;
	[dreg:$0x7] =	wrdreg s23;
	s9 =	sadd.s32 $0x280, s21  }
0x17: {  	[dreg:$0x8] =	wrdreg s24;
	s3 =	sadd.s32 $0x67200, s3;
	s0 =	sadd.s32 $0x66800, s0  }
0x18: {  	s26 =	smax.u32 s12, $0x1;
	s21 =	simm.s32 $0x80;
	s23 =	simm.s32 $0xA800  }
0x19: {  	s24 =	simm.s32 $0x6800;
	s12 =	simm.s32 $0x2780;
	[dreg:$0xb] =	wrdreg s3  }
0x1a: {  	s7 =	sadd.s32 s7, s9;
	s25 =	sadd.s32 s10, s9;
	[dreg:$0xc] =	wrdreg s0  }
0x1b: {  	[dreg:$0xd] =	wrdreg s26;
	s26 =	simm.s32 $0xA880;
	s0 =	simm.s32 $0x2  }
0x1c: {  	s3 =	simm.s32 $0x4;
	s9 =	simm.s32 $0x8;
	[dreg:$0x9] =	wrdreg s7  }
0x1d: {  	s10 =	simm.s32 $0x2700;
	[dreg:$0xa] =	wrdreg s25;
	s7 =	simm.s32 $0x6  }
.LBB2_1:
0x1e: {  	s15 =	rddreg [dreg:$0x4]  }
0x1f: {  	[spmem:s18], [sflag:s8] =	dma.local [hbm:s15], $0x2800  }
0x20: {  	_ =	swait.ge [sflag:s19], $0x2800  }
0x21: {  	[sflag:s19] =	ssyncset.done $0x0;
	s16 =	rddreg [dreg:$0x5]  }
0x22: {  	[sflag:s19] =	ssyncadd.s32 $0xFFFFD800;
	s15 =	sshrl.u32 s16, $0x3;
	s16 =	rddreg [dreg:$0x6]  }
0x23: {  	[spmem:s15], [sflag:s8] =	dma.local [hbm:s16], $0x50  }
0x24: {  	_ =	swait.ge [sflag:s19], $0x50  }
0x25: {  	[sflag:s19] =	ssyncset.done $0x0  }
0x26: {  	[sflag:s19] =	ssyncadd.s32 $0xFFFFFFB0  }
0x27: {  	[bflag:$0x0] =	sbarrier.arrive $0xFFFF  }
0x28: {  	s17 =	rddreg [dreg:$0x7]  }
0x29: {  	[tilespmem:s4], [sflag:$0x9] =	stream.linear.gather [hbm4b:s17+s4], $0x1400, $0x38;
	[tilespmem:$0x1EB80] =	vst v63  }
0x2a: {  	_ =	swait.ge [sflag:s19], $0x1400  }
0x2b: {  	[sflag:s19] =	ssyncset.done $0x0  }
0x2c: {  	s25 =	rddreg [dreg:$0x8];
	[sflag:s19] =	ssyncadd.s32 $0xFFFFEC00  }
0x2d: {  	[tilespmem:s20], [sflag:$0x9] =	stream.linear.gather [hbm4b:s25+s4], $0x1400, $0x38;
	[tilespmem:$0x1EB80] =	vst v63  }
0x2e: {  	_ =	swait.ge [sflag:s19], $0x1400  }
0x2f: {  	[sflag:s19] =	ssyncset.done $0x0  }
0x30: {  	[sflag:s19] =	ssyncadd.s32 $0xFFFFEC00  }
0x31: {  	[tilespmem:s22], [sflag:$0x1] =	stream.indirect.gather [hbm4b:s5+s21], $0x80, s4, s21, $0xb8;
	[tilespmem:$0x1EB80] =	vst v63  }
0x32: {  	_ = 	snop  }
0x33: {  	[tilespmem:s23], [sflag:$0x3] =	stream.indirect.gather [hbm4b:s6+s21], $0x1, s20, s21, $0xb8;
	[tilespmem:$0x1EB80] =	vst v63  }
0x34: {  	_ = 	snop  }
0x35: {  	[tilespmem:s24], [sflag:$0x2] =	stream.indirect.gather [hbm4b:s5+s21], $0x80, s21, s21, $0xb8;
	[tilespmem:$0x1EB80] =	vst v63  }
0x36: {  	s17 =	simm.s32 $0x1480  }
0x37: {  	[tilespmem:s26], [sflag:$0x4] =	stream.indirect.gather [hbm4b:s6+s21], $0x1, s17, s21, $0xb8;
	[tilespmem:$0x1EB80] =	vst v63  }
0x38: {  	_ =	swait.ge [sflag:s28], $0x4000  }
0x39: {  	[sflag:s28] =	ssyncset.done $0x0  }
0x3a: {  	s25 =	simm.s32 $0x1400;
	[sflag:s28] =	ssyncadd.s32 $0xFFFFC000  }
0x3b: {  	[spmem:s1] =	stream.indirect.scatter.add.f32 [tilespmem:s22], [sflag:$0x7], $0x80, s25, s21, $0xb8;
	[tilespmem:$0x1EB80] =	vst v63  }
0x3c: {  	_ =	swait.ge [sflag:s29], $0x80  }
0x3d: {  	[sflag:s29] =	ssyncset.done $0x0  }
0x3e: {  	s17 =	simm.s32 $0x0;
	[sflag:s29] =	ssyncadd.s32 $0xFFFFFF80  }
0x3f: {  	[spmem:s2] =	stream.indirect.scatter.add.f32 [tilespmem:s23], [sflag:$0x5], $0x1, s17, s21, $0xb8;
	[tilespmem:$0x1EB80] =	vst v63  }
0x40: {  	_ =	swait.ge [sflag:s30], $0x80  }
0x41: {  	[sflag:s30] =	ssyncset.done $0x0  }
0x42: {  	s25 =	simm.s32 $0x1500;
	[sflag:s30] =	ssyncadd.s32 $0xFFFFFF80  }
0x43: {  	[tilespmem:s23], [sflag:$0x3] =	stream.indirect.gather [hbm4b:s6+s21], $0x1, s25, s21, $0xb8;
	[tilespmem:$0x1EB80] =	vst v63  }
0x44: {  	_ =	swait.ge [sflag:s31], $0x4000  }
0x45: {  	[sflag:s31] =	ssyncset.done $0x0  }
0x46: {  	s17 =	simm.s32 $0x100;
	[sflag:s31] =	ssyncadd.s32 $0xFFFFC000  }
0x47: {  	[tilespmem:s22], [sflag:$0x1] =	stream.indirect.gather [hbm4b:s5+s21], $0x80, s17, s21, $0xb8;
	[tilespmem:$0x1EB80] =	vst v63  }
0x48: {  	_ =	swait.ge [sflag:s0], $0x4000  }
0x49: {  	[sflag:s0] =	ssyncset.done $0x0  }
0x4a: {  	s25 =	simm.s32 $0x1480;
	[sflag:s0] =	ssyncadd.s32 $0xFFFFC000  }
0x4b: {  	[spmem:s1] =	stream.indirect.scatter.add.f32 [tilespmem:s24], [sflag:$0x8], $0x80, s25, s21, $0xb8;
	[tilespmem:$0x1EB80] =	vst v63  }
0x4c: {  	_ =	swait.ge [sflag:s3], $0x80  }
0x4d: {  	[sflag:s3] =	ssyncset.done $0x0  }
0x4e: {  	s17 =	simm.s32 $0x80;
	[sflag:s3] =	ssyncadd.s32 $0xFFFFFF80  }
0x4f: {  	[spmem:s2] =	stream.indirect.scatter.add.f32 [tilespmem:s26], [sflag:$0x6], $0x1, s17, s21, $0xb8;
	[tilespmem:$0x1EB80] =	vst v63  }
0x50: {  	_ =	swait.ge [sflag:s7], $0x80  }
0x51: {  	[sflag:s7] =	ssyncset.done $0x0  }
0x52: {  	s25 =	simm.s32 $0x1580;
	[sflag:s7] =	ssyncadd.s32 $0xFFFFFF80  }
0x53: {  	[tilespmem:s26], [sflag:$0x4] =	stream.indirect.gather [hbm4b:s6+s21], $0x1, s25, s21, $0xb8;
	[tilespmem:$0x1EB80] =	vst v63  }
0x54: {  	_ =	swait.ge [sflag:s9], $0x4000  }
0x55: {  	[sflag:s9] =	ssyncset.done $0x0  }
0x56: {  	s16 =	simm.s32 $0x400;
	s17 =	simm.s32 $0x180;
	[sflag:s9] =	ssyncadd.s32 $0xFFFFC000  }
.LBB2_2:
0x57: {  	[tilespmem:s24], [sflag:$0x2] =	stream.indirect.gather [hbm4b:s5+s21], $0x80, s17, s21, $0xb8;
	[tilespmem:$0x1EB80] =	vst v63  }
0x58: {  	s17 =	smov.u32 s16  }
0x59: {  	p0 =	sne.s32 s16, $0x4800;
	s16 =	sadd.s32 $0x400, s16;
	_ =	swait.ge [sflag:s28], $0x4000  }
0x5a: {  	s17 =	sshra.s32 s17, $0x2;
	[sflag:s28] =	ssyncset.done $0x0  }
0x5b: {  	s25 =	sadd.s32 $0x1400, s17;
	[sflag:s28] =	ssyncadd.s32 $0xFFFFC000  }
0x5c: {  	[spmem:s1] =	stream.indirect.scatter.add.f32 [tilespmem:s22], [sflag:$0x7], $0x80, s25, s21, $0xb8;
	[tilespmem:$0x1EB80] =	vst v63  }
0x5d: {  	_ =	swait.ge [sflag:s29], $0x80  }
0x5e: {  	[sflag:s29] =	ssyncset.done $0x0  }
0x5f: {  	[sflag:s29] =	ssyncadd.s32 $0xFFFFFF80  }
0x60: {  	[spmem:s2] =	stream.indirect.scatter.add.f32 [tilespmem:s23], [sflag:$0x5], $0x1, s17, s21, $0xb8;
	[tilespmem:$0x1EB80] =	vst v63  }
0x61: {  	_ =	swait.ge [sflag:s30], $0x80  }
0x62: {  	[sflag:s30] =	ssyncset.done $0x0  }
0x63: {  	s25 =	sadd.s32 $0x1500, s17;
	[sflag:s30] =	ssyncadd.s32 $0xFFFFFF80  }
0x64: {  	[tilespmem:s23], [sflag:$0x3] =	stream.indirect.gather [hbm4b:s6+s21], $0x1, s25, s21, $0xb8;
	[tilespmem:$0x1EB80] =	vst v63  }
0x65: {  	_ =	swait.ge [sflag:s31], $0x4000  }
0x66: {  	[sflag:s31] =	ssyncset.done $0x0  }
0x67: {  	s25 =	sadd.s32 $0x100, s17;
	[sflag:s31] =	ssyncadd.s32 $0xFFFFC000  }
0x68: {  	[tilespmem:s22], [sflag:$0x1] =	stream.indirect.gather [hbm4b:s5+s21], $0x80, s25, s21, $0xb8;
	[tilespmem:$0x1EB80] =	vst v63  }
0x69: {  	_ =	swait.ge [sflag:s0], $0x4000  }
0x6a: {  	[sflag:s0] =	ssyncset.done $0x0  }
0x6b: {  	s25 =	sadd.s32 $0x1480, s17;
	[sflag:s0] =	ssyncadd.s32 $0xFFFFC000  }
0x6c: {  	[spmem:s1] =	stream.indirect.scatter.add.f32 [tilespmem:s24], [sflag:$0x8], $0x80, s25, s21, $0xb8;
	[tilespmem:$0x1EB80] =	vst v63  }
0x6d: {  	_ =	swait.ge [sflag:s3], $0x80  }
0x6e: {  	[sflag:s3] =	ssyncset.done $0x0  }
0x6f: {  	s25 =	sadd.s32 $0x80, s17;
	[sflag:s3] =	ssyncadd.s32 $0xFFFFFF80  }
0x70: {  	[spmem:s2] =	stream.indirect.scatter.add.f32 [tilespmem:s26], [sflag:$0x6], $0x1, s25, s21, $0xb8;
	[tilespmem:$0x1EB80] =	vst v63  }
0x71: {  	_ =	swait.ge [sflag:s7], $0x80  }
0x72: {  	[sflag:s7] =	ssyncset.done $0x0  }
.Ltmp0:
0x73: {  	s25 =	sadd.s32 $0x1580, s17;
	[sflag:s7] =	ssyncadd.s32 $0xFFFFFF80;
	(pc) =	sbr.rel @p0 .LBB2_2-.Ltmp0, $4  }
0x74: {  	[tilespmem:s26], [sflag:$0x4] =	stream.indirect.gather [hbm4b:s6+s21], $0x1, s25, s21, $0xb8;
	[tilespmem:$0x1EB80] =	vst v63  }
0x75: {  	_ =	swait.ge [sflag:s9], $0x4000  }
0x76: {  	[sflag:s9] =	ssyncset.done $0x0  }
0x77: {  	s17 =	sadd.s32 $0x180, s17;
	[sflag:s9] =	ssyncadd.s32 $0xFFFFC000  }
0x78: {  	[tilespmem:s24], [sflag:$0x2] =	stream.indirect.gather [hbm4b:s5+s21], $0x80, s17, s21, $0xb8;
	[tilespmem:$0x1EB80] =	vst v63  }
0x79: {  	_ =	swait.ge [sflag:s28], $0x4000  }
0x7a: {  	[sflag:s28] =	ssyncset.done $0x0  }
0x7b: {  	[sflag:s28] =	ssyncadd.s32 $0xFFFFC000  }
0x7c: {  	[spmem:s1] =	stream.indirect.scatter.add.f32 [tilespmem:s22], [sflag:$0x7], $0x80, s10, s21, $0xb8;
	[tilespmem:$0x1EB80] =	vst v63  }
0x7d: {  	_ =	swait.ge [sflag:s29], $0x80  }
0x7e: {  	[sflag:s29] =	ssyncset.done $0x0  }
0x7f: {  	[sflag:s29] =	ssyncadd.s32 $0xFFFFFF80  }
0x80: {  	[spmem:s2] =	stream.indirect.scatter.add.f32 [tilespmem:s23], [sflag:$0x5], $0x1, s11, s21, $0xb8;
	[tilespmem:$0x1EB80] =	vst v63  }
0x81: {  	_ =	swait.ge [sflag:s0], $0x4000  }
0x82: {  	[sflag:s0] =	ssyncset.done $0x0  }
0x83: {  	[sflag:s0] =	ssyncadd.s32 $0xFFFFC000  }
0x84: {  	[spmem:s1] =	stream.indirect.scatter.add.f32 [tilespmem:s24], [sflag:$0x8], $0x80, s12, s21, $0xb8;
	[tilespmem:$0x1EB80] =	vst v63  }
0x85: {  	_ =	swait.ge [sflag:s3], $0x80  }
0x86: {  	[sflag:s3] =	ssyncset.done $0x0  }
0x87: {  	[sflag:s3] =	ssyncadd.s32 $0xFFFFFF80  }
0x88: {  	[spmem:s2] =	stream.indirect.scatter.add.f32 [tilespmem:s26], [sflag:$0x6], $0x1, s13, s21, $0xb8;
	[tilespmem:$0x1EB80] =	vst v63  }
0x89: {  	_ =	swait.ge [sflag:s30], $0x80  }
0x8a: {  	[sflag:s30] =	ssyncset.done $0x0  }
0x8b: {  	[sflag:s30] =	ssyncadd.s32 $0xFFFFFF80  }
0x8c: {  	_ =	swait.ge [sflag:s31], $0x4000  }
0x8d: {  	[sflag:s31] =	ssyncset.done $0x0  }
0x8e: {  	[sflag:s31] =	ssyncadd.s32 $0xFFFFC000  }
0x8f: {  	_ =	swait.ge [sflag:s7], $0x80  }
0x90: {  	[sflag:s7] =	ssyncset.done $0x0  }
0x91: {  	[sflag:s7] =	ssyncadd.s32 $0xFFFFFF80  }
0x92: {  	_ =	swait.ge [sflag:s9], $0x4000  }
0x93: {  	[sflag:s9] =	ssyncset.done $0x0  }
0x94: {  	s16 =	simm.s32 $0x0;
	s25 =	rddreg [dreg:$0x9];
	[sflag:s9] =	ssyncadd.s32 $0xFFFFC000  }
0x95: {  	[tilespmem:s16], [sflag:$0x9] =	stream.linear.gather [hbm4b:s25+s16], $0x1400, $0x38;
	[tilespmem:$0x1EB80] =	vst v63  }
0x96: {  	_ =	swait.ge [sflag:s19], $0x1400  }
0x97: {  	[sflag:s19] =	ssyncset.done $0x0  }
0x98: {  	s25 =	rddreg [dreg:$0xa];
	[sflag:s19] =	ssyncadd.s32 $0xFFFFEC00  }
0x99: {  	[tilespmem:s20], [sflag:$0x9] =	stream.linear.gather [hbm4b:s25+s16], $0x1400, $0x38;
	[tilespmem:$0x1EB80] =	vst v63  }
0x9a: {  	_ =	swait.ge [sflag:s19], $0x1400  }
0x9b: {  	[sflag:s19] =	ssyncset.done $0x0  }
0x9c: {  	[sflag:s19] =	ssyncadd.s32 $0xFFFFEC00  }
0x9d: {  	[tilespmem:s22], [sflag:$0x1] =	stream.indirect.gather [hbm4b:s5+s21], $0x80, s16, s21, $0xb8;
	[tilespmem:$0x1EB80] =	vst v63  }
0x9e: {  	_ = 	snop  }
0x9f: {  	[tilespmem:s23], [sflag:$0x3] =	stream.indirect.gather [hbm4b:s6+s21], $0x1, s20, s21, $0xb8;
	[tilespmem:$0x1EB80] =	vst v63  }
0xa0: {  	_ = 	snop  }
0xa1: {  	[tilespmem:s24], [sflag:$0x2] =	stream.indirect.gather [hbm4b:s5+s21], $0x80, s21, s21, $0xb8;
	[tilespmem:$0x1EB80] =	vst v63  }
0xa2: {  	s17 =	simm.s32 $0x1480  }
0xa3: {  	[tilespmem:s26], [sflag:$0x4] =	stream.indirect.gather [hbm4b:s6+s21], $0x1, s17, s21, $0xb8;
	[tilespmem:$0x1EB80] =	vst v63  }
0xa4: {  	_ =	swait.ge [sflag:s28], $0x4000  }
0xa5: {  	[sflag:s28] =	ssyncset.done $0x0  }
0xa6: {  	s25 =	simm.s32 $0x1400;
	[sflag:s28] =	ssyncadd.s32 $0xFFFFC000  }
0xa7: {  	[spmem:s1] =	stream.indirect.scatter.add.f32 [tilespmem:s22], [sflag:$0x7], $0x80, s25, s21, $0xb8;
	[tilespmem:$0x1EB80] =	vst v63  }
0xa8: {  	_ =	swait.ge [sflag:s29], $0x80  }
0xa9: {  	[sflag:s29] =	ssyncset.done $0x0  }
0xaa: {  	s17 =	simm.s32 $0x0;
	[sflag:s29] =	ssyncadd.s32 $0xFFFFFF80  }
0xab: {  	[spmem:s2] =	stream.indirect.scatter.add.f32 [tilespmem:s23], [sflag:$0x5], $0x1, s17, s21, $0xb8;
	[tilespmem:$0x1EB80] =	vst v63  }
0xac: {  	_ =	swait.ge [sflag:s30], $0x80  }
0xad: {  	[sflag:s30] =	ssyncset.done $0x0  }
0xae: {  	s25 =	simm.s32 $0x1500;
	[sflag:s30] =	ssyncadd.s32 $0xFFFFFF80  }
0xaf: {  	[tilespmem:s23], [sflag:$0x3] =	stream.indirect.gather [hbm4b:s6+s21], $0x1, s25, s21, $0xb8;
	[tilespmem:$0x1EB80] =	vst v63  }
0xb0: {  	_ =	swait.ge [sflag:s31], $0x4000  }
0xb1: {  	[sflag:s31] =	ssyncset.done $0x0  }
0xb2: {  	s17 =	simm.s32 $0x100;
	[sflag:s31] =	ssyncadd.s32 $0xFFFFC000  }
0xb3: {  	[tilespmem:s22], [sflag:$0x1] =	stream.indirect.gather [hbm4b:s5+s21], $0x80, s17, s21, $0xb8;
	[tilespmem:$0x1EB80] =	vst v63  }
0xb4: {  	_ =	swait.ge [sflag:s0], $0x4000  }
0xb5: {  	[sflag:s0] =	ssyncset.done $0x0  }
0xb6: {  	s25 =	simm.s32 $0x1480;
	[sflag:s0] =	ssyncadd.s32 $0xFFFFC000  }
0xb7: {  	[spmem:s1] =	stream.indirect.scatter.add.f32 [tilespmem:s24], [sflag:$0x8], $0x80, s25, s21, $0xb8;
	[tilespmem:$0x1EB80] =	vst v63  }
0xb8: {  	_ =	swait.ge [sflag:s3], $0x80  }
0xb9: {  	[sflag:s3] =	ssyncset.done $0x0  }
0xba: {  	s17 =	simm.s32 $0x80;
	[sflag:s3] =	ssyncadd.s32 $0xFFFFFF80  }
0xbb: {  	[spmem:s2] =	stream.indirect.scatter.add.f32 [tilespmem:s26], [sflag:$0x6], $0x1, s17, s21, $0xb8;
	[tilespmem:$0x1EB80] =	vst v63  }
0xbc: {  	_ =	swait.ge [sflag:s7], $0x80  }
0xbd: {  	[sflag:s7] =	ssyncset.done $0x0  }
0xbe: {  	s25 =	simm.s32 $0x1580;
	[sflag:s7] =	ssyncadd.s32 $0xFFFFFF80  }
0xbf: {  	[tilespmem:s26], [sflag:$0x4] =	stream.indirect.gather [hbm4b:s6+s21], $0x1, s25, s21, $0xb8;
	[tilespmem:$0x1EB80] =	vst v63  }
0xc0: {  	_ =	swait.ge [sflag:s9], $0x4000  }
0xc1: {  	[sflag:s9] =	ssyncset.done $0x0  }
0xc2: {  	s16 =	simm.s32 $0x400;
	s17 =	simm.s32 $0x180;
	[sflag:s9] =	ssyncadd.s32 $0xFFFFC000  }
.LBB2_4:
0xc3: {  	[tilespmem:s24], [sflag:$0x2] =	stream.indirect.gather [hbm4b:s5+s21], $0x80, s17, s21, $0xb8;
	[tilespmem:$0x1EB80] =	vst v63  }
0xc4: {  	s17 =	smov.u32 s16  }
0xc5: {  	p0 =	sne.s32 s16, $0x4800;
	s16 =	sadd.s32 $0x400, s16;
	_ =	swait.ge [sflag:s28], $0x4000  }
0xc6: {  	s17 =	sshra.s32 s17, $0x2;
	[sflag:s28] =	ssyncset.done $0x0  }
0xc7: {  	s25 =	sadd.s32 $0x1400, s17;
	[sflag:s28] =	ssyncadd.s32 $0xFFFFC000  }
0xc8: {  	[spmem:s1] =	stream.indirect.scatter.add.f32 [tilespmem:s22], [sflag:$0x7], $0x80, s25, s21, $0xb8;
	[tilespmem:$0x1EB80] =	vst v63  }
0xc9: {  	_ =	swait.ge [sflag:s29], $0x80  }
0xca: {  	[sflag:s29] =	ssyncset.done $0x0  }
0xcb: {  	[sflag:s29] =	ssyncadd.s32 $0xFFFFFF80  }
0xcc: {  	[spmem:s2] =	stream.indirect.scatter.add.f32 [tilespmem:s23], [sflag:$0x5], $0x1, s17, s21, $0xb8;
	[tilespmem:$0x1EB80] =	vst v63  }
0xcd: {  	_ =	swait.ge [sflag:s30], $0x80  }
0xce: {  	[sflag:s30] =	ssyncset.done $0x0  }
0xcf: {  	s25 =	sadd.s32 $0x1500, s17;
	[sflag:s30] =	ssyncadd.s32 $0xFFFFFF80  }
0xd0: {  	[tilespmem:s23], [sflag:$0x3] =	stream.indirect.gather [hbm4b:s6+s21], $0x1, s25, s21, $0xb8;
	[tilespmem:$0x1EB80] =	vst v63  }
0xd1: {  	_ =	swait.ge [sflag:s31], $0x4000  }
0xd2: {  	[sflag:s31] =	ssyncset.done $0x0  }
0xd3: {  	s25 =	sadd.s32 $0x100, s17;
	[sflag:s31] =	ssyncadd.s32 $0xFFFFC000  }
0xd4: {  	[tilespmem:s22], [sflag:$0x1] =	stream.indirect.gather [hbm4b:s5+s21], $0x80, s25, s21, $0xb8;
	[tilespmem:$0x1EB80] =	vst v63  }
0xd5: {  	_ =	swait.ge [sflag:s0], $0x4000  }
0xd6: {  	[sflag:s0] =	ssyncset.done $0x0  }
0xd7: {  	s25 =	sadd.s32 $0x1480, s17;
	[sflag:s0] =	ssyncadd.s32 $0xFFFFC000  }
0xd8: {  	[spmem:s1] =	stream.indirect.scatter.add.f32 [tilespmem:s24], [sflag:$0x8], $0x80, s25, s21, $0xb8;
	[tilespmem:$0x1EB80] =	vst v63  }
0xd9: {  	_ =	swait.ge [sflag:s3], $0x80  }
0xda: {  	[sflag:s3] =	ssyncset.done $0x0  }
0xdb: {  	s25 =	sadd.s32 $0x80, s17;
	[sflag:s3] =	ssyncadd.s32 $0xFFFFFF80  }
0xdc: {  	[spmem:s2] =	stream.indirect.scatter.add.f32 [tilespmem:s26], [sflag:$0x6], $0x1, s25, s21, $0xb8;
	[tilespmem:$0x1EB80] =	vst v63  }
0xdd: {  	_ =	swait.ge [sflag:s7], $0x80  }
0xde: {  	[sflag:s7] =	ssyncset.done $0x0  }
.Ltmp1:
0xdf: {  	s25 =	sadd.s32 $0x1580, s17;
	[sflag:s7] =	ssyncadd.s32 $0xFFFFFF80;
	(pc) =	sbr.rel @p0 .LBB2_4-.Ltmp1, $4  }
0xe0: {  	[tilespmem:s26], [sflag:$0x4] =	stream.indirect.gather [hbm4b:s6+s21], $0x1, s25, s21, $0xb8;
	[tilespmem:$0x1EB80] =	vst v63  }
0xe1: {  	_ =	swait.ge [sflag:s9], $0x4000  }
0xe2: {  	[sflag:s9] =	ssyncset.done $0x0  }
0xe3: {  	s17 =	sadd.s32 $0x180, s17;
	[sflag:s9] =	ssyncadd.s32 $0xFFFFC000  }
0xe4: {  	[tilespmem:s24], [sflag:$0x2] =	stream.indirect.gather [hbm4b:s5+s21], $0x80, s17, s21, $0xb8;
	[tilespmem:$0x1EB80] =	vst v63  }
0xe5: {  	_ =	swait.ge [sflag:s28], $0x4000  }
0xe6: {  	[sflag:s28] =	ssyncset.done $0x0  }
0xe7: {  	[sflag:s28] =	ssyncadd.s32 $0xFFFFC000  }
0xe8: {  	[spmem:s1] =	stream.indirect.scatter.add.f32 [tilespmem:s22], [sflag:$0x7], $0x80, s10, s21, $0xb8;
	[tilespmem:$0x1EB80] =	vst v63  }
0xe9: {  	_ =	swait.ge [sflag:s29], $0x80  }
0xea: {  	[sflag:s29] =	ssyncset.done $0x0  }
0xeb: {  	[sflag:s29] =	ssyncadd.s32 $0xFFFFFF80  }
0xec: {  	[spmem:s2] =	stream.indirect.scatter.add.f32 [tilespmem:s23], [sflag:$0x5], $0x1, s11, s21, $0xb8;
	[tilespmem:$0x1EB80] =	vst v63  }
0xed: {  	_ =	swait.ge [sflag:s0], $0x4000  }
0xee: {  	[sflag:s0] =	ssyncset.done $0x0  }
0xef: {  	[sflag:s0] =	ssyncadd.s32 $0xFFFFC000  }
0xf0: {  	[spmem:s1] =	stream.indirect.scatter.add.f32 [tilespmem:s24], [sflag:$0x8], $0x80, s12, s21, $0xb8;
	[tilespmem:$0x1EB80] =	vst v63  }
0xf1: {  	_ =	swait.ge [sflag:s3], $0x80  }
0xf2: {  	[sflag:s3] =	ssyncset.done $0x0  }
0xf3: {  	[sflag:s3] =	ssyncadd.s32 $0xFFFFFF80  }
0xf4: {  	[spmem:s2] =	stream.indirect.scatter.add.f32 [tilespmem:s26], [sflag:$0x6], $0x1, s13, s21, $0xb8;
	[tilespmem:$0x1EB80] =	vst v63  }
0xf5: {  	_ =	swait.ge [sflag:s30], $0x80  }
0xf6: {  	[sflag:s30] =	ssyncset.done $0x0  }
0xf7: {  	[sflag:s30] =	ssyncadd.s32 $0xFFFFFF80  }
0xf8: {  	_ =	swait.ge [sflag:s31], $0x4000  }
0xf9: {  	[sflag:s31] =	ssyncset.done $0x0  }
0xfa: {  	[sflag:s31] =	ssyncadd.s32 $0xFFFFC000  }
0xfb: {  	_ =	swait.ge [sflag:s7], $0x80  }
0xfc: {  	[sflag:s7] =	ssyncset.done $0x0  }
0xfd: {  	[sflag:s7] =	ssyncadd.s32 $0xFFFFFF80  }
0xfe: {  	_ =	swait.ge [sflag:s9], $0x4000  }
0xff: {  	[sflag:s9] =	ssyncset.done $0x0  }
0x100: {  	[sflag:s9] =	ssyncadd.s32 $0xFFFFC000  }
0x101: {  	[bflag:$0x0] =	sbarrier.arrive $0xFFFF  }
0x102: {  	s16 =	rddreg [dreg:$0xb]  }
0x103: {  	[hbm:s16], [sflag:s8] =	dma.local [spmem:s18], $0x2800  }
0x104: {  	_ =	swait.ge [sflag:s19], $0x2800  }
0x105: {  	s17 =	simm.s32 $0x20;
	[sflag:s19] =	ssyncset.done $0x0  }
0x106: {  	s25 =	simm.s32 $0x10;
	s16 =	rddreg [dreg:$0xc];
	[sflag:s19] =	ssyncadd.s32 $0xFFFFD800  }
0x107: {  	[hbm:s16@s17], [sflag:s8] =	dma.strided [spmem:s15@s25], $0x50, s28, $0x10   }
0x108: {  	_ =	swait.ge [sflag:s19], $0x50  }
0x109: {  	s14 =	sadd.s32 $0x1, s14;
	s25 =	rddreg [dreg:$0xd]  }
0x10a: {  	p0 =	sne.s32 s14, s25  }
.Ltmp2:
0x10b: {  	_ = 	snop;
	(pc) =	sbr.rel @p0 .LBB2_1-.Ltmp2, $3  }
0x10c: {  	_ =	sdelay $0x1  }
0x10d: {  	[sflag:s19] =	ssyncset.done $0x0  }
0x10e: {  	[sflag:s19] =	ssyncadd.s32 $0xFFFFFFB0  }
0x10f: {  	_ =	sfence.sel $0x180000  }
0x110: {  	[bflag:$0x0] =	sbarrier.arrive $0xFFFF  }
0x111: {  	_ =	strace $0x9000004A  }
0x112: {  	s0 =	stileid.u32;
	[bflag:$0x2] =	sbarrier.arrive $0xFFFF  }
0x113: {  	p0 =	sne.s32 s0, $0x0;
	s0 =	rddreg [dreg:$0x3]  }
0x114: {  	s0 =	sadd.s32 @!p0 $0x100000, s0  }
0x115: {  	[sflag:s0] =	ssyncadd.tile.s32 @!p0 $0x1;
	_ =	shalt  }
.Lfunc_end2:
_tile_overlayer_lowered:
.L_overlay_start_2:
0x116: {  	(tag) =	ssettag $0x2  }
0x117: {  	s0 =	rddreg [dreg:$0x0];
	s2 =	stileid.u32  }
0x118: {  	s1 =	rddreg [dreg:$0x1];
	p0 =	sne.s32 s2, $0x0  }
0x119: {  	s3 =	rddreg [dreg:$0x2];
	[bflag:$0x3] =	sbarrier.arrive $0xFFFF;
	s2 =	simm.s32 @!p0 $0x1C09  }
0x11a: {  	[timem:s3], [sflag:s2] =	dma.local @!p0 [hbm:s0], s1  }
0x11b: {  	s0 =	simm.s32 @!p0 $0x9  }
0x11c: {  	_ =	swait.ge @!p0 [sflag:s0], s1  }
0x11d: {  	s1 =	ssub.s32 @!p0 $0x0, s1;
	[sflag:s0] =	ssyncset.done @!p0 $0x0  }
0x11e: {  	[sflag:s0] =	ssyncadd.s32 @!p0 s1  }
0x11f: {  	[bflag:$0x3] =	sbarrier.arrive $0xFFFF  }
0x120: {  	_ =	shalt  }

</sc_bundles>
